<compile_context>
chip_gen: v7x
topology: tpu7x:2x2x1
jax: 0.10.2.dev20260603
libtpu: 0.0.44.dev20260713+nightly
codegen_flags: <defaults>
</compile_context>

<pallas_src>
import functools
import math

import jax
import jax.numpy as jnp
from jax import lax
from jax.experimental import pallas as pl
from jax.experimental.pallas import tpu as pltpu
from jax.experimental.pallas import tpu_sc as plsc

D_MODEL = 64
SCALE = math.sqrt(D_MODEL)

NUM_CORES = 2
NUM_SUBCORES = 16
NUM_WORKERS = NUM_CORES * NUM_SUBCORES

LANES = 16
SPLIT = 104
NBUF = 4


def _make_kernel(b: int, s: int, vocab: int, d: int):
  assert b % (NUM_WORKERS * NBUF) == 0 and s % 8 == 0 and SPLIT % 8 == 0
  rows_per_w = b // NUM_WORKERS
  n_groups = rows_per_w // NBUF

  mesh = plsc.VectorSubcoreMesh(core_axis_name="c", subcore_axis_name="s")

  @functools.partial(
      pl.kernel,
      mesh=mesh,
      out_type=jax.ShapeDtypeStruct((b, s, d), jnp.float32),
      scratch_types=[
          pltpu.VMEM((rows_per_w, s), jnp.int32),
          [pltpu.VMEM((s, d), jnp.float32) for _ in range(NBUF)],
          [pltpu.SemaphoreType.DMA for _ in range(NBUF)],
          [pltpu.SemaphoreType.DMA for _ in range(NBUF)],
      ],
      compiler_params=pltpu.CompilerParams(use_tc_tiling_on_sc=False),
  )
  def emb_kernel(x_hbm, w_hbm, out_hbm, idx_v, rows, gat_sem, scat_sem):
    wid = lax.axis_index("s") * NUM_CORES + lax.axis_index("c")
    base = wid * rows_per_w
    pltpu.sync_copy(x_hbm.at[wid], idx_v)

    def gather_start(r, buf):
      pltpu.make_async_copy(
          w_hbm.at[idx_v.at[r, pl.ds(0, SPLIT)]],
          rows[buf].at[pl.ds(0, SPLIT)],
          gat_sem[buf],
      ).start()
      pltpu.make_async_copy(
          w_hbm.at[idx_v.at[r, pl.ds(SPLIT, s - SPLIT)]],
          rows[buf].at[pl.ds(SPLIT, s - SPLIT)],
          gat_sem[buf],
      ).start()

    def gather_wait(r, buf):
      pltpu.make_async_copy(
          w_hbm.at[idx_v.at[r, pl.ds(0, SPLIT)]],
          rows[buf].at[pl.ds(0, SPLIT)],
          gat_sem[buf],
      ).wait()
      pltpu.make_async_copy(
          w_hbm.at[idx_v.at[r, pl.ds(SPLIT, s - SPLIT)]],
          rows[buf].at[pl.ds(SPLIT, s - SPLIT)],
          gat_sem[buf],
      ).wait()

    def scat_start(r, buf):
      pltpu.make_async_copy(rows[buf], out_hbm.at[base + r], scat_sem[buf]).start()

    def scat_wait(r, buf):
      pltpu.make_async_copy(rows[buf], out_hbm.at[base + r], scat_sem[buf]).wait()

    def scale(buf):
      def tok_body(t, c2):
        for col in range(d // LANES):
          sl = pl.ds(col * LANES, LANES)
          rows[buf][t, sl] = rows[buf][t, sl] * SCALE
        return c2

      lax.fori_loop(0, s, tok_body, 0, unroll=4)

    for buf in range(NBUF):
      gather_start(buf, buf)

    def group_body(g, carry):
      r0 = g * NBUF
      for buf in range(NBUF):
        gather_wait(r0 + buf, buf)
        scale(buf)
        scat_start(r0 + buf, buf)
      for buf in range(NBUF):
        scat_wait(r0 + buf, buf)
        gather_start(r0 + NBUF + buf, buf)
      return carry

    lax.fori_loop(0, n_groups - 1, group_body, 0)

    r0 = (n_groups - 1) * NBUF
    for buf in range(NBUF):
      gather_wait(r0 + buf, buf)
      scale(buf)
      scat_start(r0 + buf, buf)
    for buf in range(NBUF):
      scat_wait(r0 + buf, buf)

  return emb_kernel


def kernel(x, weight):
  b, s = x.shape
  vocab, d = weight.shape
  x3 = x.reshape(NUM_WORKERS, b // NUM_WORKERS, s).astype(jnp.int32)
  return _make_kernel(b, s, vocab, d)(x3, weight)

# --- scband reference (transcript-rebuilt; emitter-appended) ---
"""Pipeline reference for scband-token-embedding-4939212390880 (READ-ONLY COPY).

The authoritative reference and input builder live on the scoring server;
editing this copy changes nothing except your own understanding.
"""

import jax, jax.numpy as jnp
import numpy as np
import math

VOCAB = 1000000
D_MODEL = 64
BATCH = 4096
SEQ = 200

def setup_inputs(seed: int = 0) -> dict:
    key = jax.random.key(seed)
    k1, k2 = jax.random.split(key)
    x = jax.random.randint(k1, (BATCH, SEQ), 0, VOCAB, dtype=jnp.int64 if jax.config.jax_enable_x64 else jnp.int32)
    # xavier_uniform init for embedding weight [vocab, d_model]
    bound = math.sqrt(6.0 / (VOCAB + D_MODEL))
    weight = jax.random.uniform(k2, (VOCAB, D_MODEL), dtype=jnp.float32, minval=-bound, maxval=bound)
    return {"x": x, "weight": weight}

def reference(x, weight):
    # TokenEmbedding.forward: embedding lookup scaled by sqrt(d_model)
    emb = jnp.take(weight, x, axis=0)  # [B, S, D]
    return emb * math.sqrt(D_MODEL)

if __name__ == "__main__":
    import jax
    _d = setup_inputs()
    print(jax.jit(kernel)(*tuple(_d.values())))

</pallas_src>

<mosaic_0001>
#map = affine_map<(d0, d1) -> (0, 0, 0)>
#map1 = affine_map<(d0, d1) -> (0, 0)>
module attributes {stable_mosaic.version = 14 : i64} {
  func.func @emb_kernel(%arg0: i32, %arg1: i32, %arg2: memref<32x128x200xi32, #tpu.memory_space<hbm>>, %arg3: memref<1000000x64xf32, #tpu.memory_space<hbm>>, %arg4: memref<4096x200x64xf32, #tpu.memory_space<hbm>>, %arg5: memref<128x200xi32, #tpu.memory_space<vmem>>, %arg6: memref<200x64xf32, #tpu.memory_space<vmem>>, %arg7: memref<200x64xf32, #tpu.memory_space<vmem>>, %arg8: memref<200x64xf32, #tpu.memory_space<vmem>>, %arg9: memref<200x64xf32, #tpu.memory_space<vmem>>, %arg10: memref<!tpu.dma_semaphore, #tpu.memory_space<semaphore_mem>>, %arg11: memref<!tpu.dma_semaphore, #tpu.memory_space<semaphore_mem>>, %arg12: memref<!tpu.dma_semaphore, #tpu.memory_space<semaphore_mem>>, %arg13: memref<!tpu.dma_semaphore, #tpu.memory_space<semaphore_mem>>, %arg14: memref<!tpu.dma_semaphore, #tpu.memory_space<semaphore_mem>>, %arg15: memref<!tpu.dma_semaphore, #tpu.memory_space<semaphore_mem>>, %arg16: memref<!tpu.dma_semaphore, #tpu.memory_space<semaphore_mem>>, %arg17: memref<!tpu.dma_semaphore, #tpu.memory_space<semaphore_mem>>) attributes {dimension_semantics = [#tpu.dimension_semantics<core_parallel>, #tpu.dimension_semantics<subcore_parallel>], iteration_bounds = array<i64: 2, 16>, scalar_prefetch = 0 : i64, scratch_operands = 13 : i64, tpu.core_type = #tpu.core_type<sc_vector_subcore>, window_params = [{transform_indices = #map}, {transform_indices = #map1}, {transform_indices = #map}]} {
    %mul3A = arith.constant 2 : i32
    %mul3A_0 = arith.muli %arg1, %mul3A : i32
    %add3A = arith.addi %mul3A_0, %arg0 : i32
    %mul3A_1 = arith.constant 128 : i32
    %mul3A_2 = arith.muli %add3A, %mul3A_1 : i32
    "tpu.region"() ({
      %run_scoped3A = tpu.sem_alloc : memref<!tpu.dma_semaphore, #tpu.memory_space<semaphore_mem>>
      %dma_start3A_270 = arith.constant 0 : i32
      %dma_start3A_271 = arith.constant 0 : i32
      %dma_start3A_272 = tpu.memref_slice %arg2[%add3A, %dma_start3A_270, %dma_start3A_271] : memref<32x128x200xi32, #tpu.memory_space<hbm>> -> memref<1x128x200xi32, #tpu.memory_space<hbm>>
      %dma_start3A_273 = tpu.memref_squeeze %dma_start3A_272 : memref<1x128x200xi32, #tpu.memory_space<hbm>> -> memref<128x200xi32, #tpu.memory_space<hbm>>
      %dma_start3A_274 = arith.constant 0 : i32
      %dma_start3A_275 = arith.constant 0 : i32
      %dma_start3A_276 = tpu.memref_slice %arg2[%add3A, %dma_start3A_274, %dma_start3A_275] : memref<32x128x200xi32, #tpu.memory_space<hbm>> -> memref<1x128x200xi32, #tpu.memory_space<hbm>>
      %dma_start3A_277 = tpu.memref_squeeze %dma_start3A_276 : memref<1x128x200xi32, #tpu.memory_space<hbm>> -> memref<128x200xi32, #tpu.memory_space<hbm>>
      tpu.enqueue_dma source(%dma_start3A_277 : memref<128x200xi32, #tpu.memory_space<hbm>>) target(%arg5 : memref<128x200xi32, #tpu.memory_space<vmem>>) target_semaphore(%run_scoped3A : memref<!tpu.dma_semaphore, #tpu.memory_space<semaphore_mem>>)
      %dma_wait3A_278 = arith.constant 0 : i32
      %dma_wait3A_279 = arith.constant 0 : i32
      %dma_wait3A_280 = tpu.memref_slice %arg2[%add3A, %dma_wait3A_278, %dma_wait3A_279] : memref<32x128x200xi32, #tpu.memory_space<hbm>> -> memref<1x128x200xi32, #tpu.memory_space<hbm>>
      %dma_wait3A_281 = tpu.memref_squeeze %dma_wait3A_280 : memref<1x128x200xi32, #tpu.memory_space<hbm>> -> memref<128x200xi32, #tpu.memory_space<hbm>>
      %dma_wait3A_282 = arith.constant 0 : i32
      %dma_wait3A_283 = arith.constant 0 : i32
      %dma_wait3A_284 = tpu.memref_slice %arg2[%add3A, %dma_wait3A_282, %dma_wait3A_283] : memref<32x128x200xi32, #tpu.memory_space<hbm>> -> memref<1x128x200xi32, #tpu.memory_space<hbm>>
      %dma_wait3A_285 = tpu.memref_squeeze %dma_wait3A_284 : memref<1x128x200xi32, #tpu.memory_space<hbm>> -> memref<128x200xi32, #tpu.memory_space<hbm>>
      tpu.wait_dma2 semaphore(%run_scoped3A : memref<!tpu.dma_semaphore, #tpu.memory_space<semaphore_mem>>) src(%dma_wait3A_285 : memref<128x200xi32, #tpu.memory_space<hbm>>) dst(%arg5 : memref<128x200xi32, #tpu.memory_space<vmem>>)
      tpu.yield
    }) : () -> ()
    %dma_start3A = arith.constant 0 : i32
    %dma_start3A_3 = arith.constant 0 : i32
    %dma_start3A_4 = arith.constant 0 : i32
    %dma_start3A_5 = tpu.memref_slice %arg6[%dma_start3A_3, %dma_start3A_4] : memref<200x64xf32, #tpu.memory_space<vmem>> -> memref<104x64xf32, #tpu.memory_space<vmem>>
    %dma_start3A_6 = arith.constant 0 : i32
    %dma_start3A_7 = tpu.memref_slice %arg5[%dma_start3A, %dma_start3A_6] : memref<128x200xi32, #tpu.memory_space<vmem>> -> memref<1x104xi32, #tpu.memory_space<vmem>>
    %dma_start3A_8 = tpu.memref_squeeze %dma_start3A_7 : memref<1x104xi32, #tpu.memory_space<vmem>> -> memref<104xi32, #tpu.memory_space<vmem>>
    %dma_start3A_9 = arith.constant 0 : i32
    %dma_start3A_10 = arith.constant 0 : i32
    %dma_start3A_11 = tpu.memref_slice %arg3[%dma_start3A_9, %dma_start3A_10] : memref<1000000x64xf32, #tpu.memory_space<hbm>> -> memref<1000000x64xf32, #tpu.memory_space<hbm>>
    tpu.enqueue_indirect_dma source(%dma_start3A_11 : memref<1000000x64xf32, #tpu.memory_space<hbm>>) target(%dma_start3A_5 : memref<104x64xf32, #tpu.memory_space<vmem>>) offsets(%dma_start3A_8 : memref<104xi32, #tpu.memory_space<vmem>>) semaphore(%arg10 : memref<!tpu.dma_semaphore, #tpu.memory_space<semaphore_mem>>)
    %dma_start3A_12 = arith.constant 0 : i32
    %dma_start3A_13 = arith.constant 104 : i32
    %dma_start3A_14 = arith.constant 0 : i32
    %dma_start3A_15 = tpu.memref_slice %arg6[%dma_start3A_13, %dma_start3A_14] : memref<200x64xf32, #tpu.memory_space<vmem>> -> memref<96x64xf32, #tpu.memory_space<vmem>>
    %dma_start3A_16 = arith.constant 104 : i32
    %dma_start3A_17 = tpu.memref_slice %arg5[%dma_start3A_12, %dma_start3A_16] : memref<128x200xi32, #tpu.memory_space<vmem>> -> memref<1x96xi32, #tpu.memory_space<vmem>>
    %dma_start3A_18 = tpu.memref_squeeze %dma_start3A_17 : memref<1x96xi32, #tpu.memory_space<vmem>> -> memref<96xi32, #tpu.memory_space<vmem>>
    %dma_start3A_19 = arith.constant 0 : i32
    %dma_start3A_20 = arith.constant 0 : i32
    %dma_start3A_21 = tpu.memref_slice %arg3[%dma_start3A_19, %dma_start3A_20] : memref<1000000x64xf32, #tpu.memory_space<hbm>> -> memref<1000000x64xf32, #tpu.memory_space<hbm>>
    tpu.enqueue_indirect_dma source(%dma_start3A_21 : memref<1000000x64xf32, #tpu.memory_space<hbm>>) target(%dma_start3A_15 : memref<96x64xf32, #tpu.memory_space<vmem>>) offsets(%dma_start3A_18 : memref<96xi32, #tpu.memory_space<vmem>>) semaphore(%arg10 : memref<!tpu.dma_semaphore, #tpu.memory_space<semaphore_mem>>)
    %dma_start3A_22 = arith.constant 1 : i32
    %dma_start3A_23 = arith.constant 0 : i32
    %dma_start3A_24 = arith.constant 0 : i32
    %dma_start3A_25 = tpu.memref_slice %arg7[%dma_start3A_23, %dma_start3A_24] : memref<200x64xf32, #tpu.memory_space<vmem>> -> memref<104x64xf32, #tpu.memory_space<vmem>>
    %dma_start3A_26 = arith.constant 0 : i32
    %dma_start3A_27 = tpu.memref_slice %arg5[%dma_start3A_22, %dma_start3A_26] : memref<128x200xi32, #tpu.memory_space<vmem>> -> memref<1x104xi32, #tpu.memory_space<vmem>>
    %dma_start3A_28 = tpu.memref_squeeze %dma_start3A_27 : memref<1x104xi32, #tpu.memory_space<vmem>> -> memref<104xi32, #tpu.memory_space<vmem>>
    %dma_start3A_29 = arith.constant 0 : i32
    %dma_start3A_30 = arith.constant 0 : i32
    %dma_start3A_31 = tpu.memref_slice %arg3[%dma_start3A_29, %dma_start3A_30] : memref<1000000x64xf32, #tpu.memory_space<hbm>> -> memref<1000000x64xf32, #tpu.memory_space<hbm>>
    tpu.enqueue_indirect_dma source(%dma_start3A_31 : memref<1000000x64xf32, #tpu.memory_space<hbm>>) target(%dma_start3A_25 : memref<104x64xf32, #tpu.memory_space<vmem>>) offsets(%dma_start3A_28 : memref<104xi32, #tpu.memory_space<vmem>>) semaphore(%arg11 : memref<!tpu.dma_semaphore, #tpu.memory_space<semaphore_mem>>)
    %dma_start3A_32 = arith.constant 1 : i32
    %dma_start3A_33 = arith.constant 104 : i32
    %dma_start3A_34 = arith.constant 0 : i32
    %dma_start3A_35 = tpu.memref_slice %arg7[%dma_start3A_33, %dma_start3A_34] : memref<200x64xf32, #tpu.memory_space<vmem>> -> memref<96x64xf32, #tpu.memory_space<vmem>>
    %dma_start3A_36 = arith.constant 104 : i32
    %dma_start3A_37 = tpu.memref_slice %arg5[%dma_start3A_32, %dma_start3A_36] : memref<128x200xi32, #tpu.memory_space<vmem>> -> memref<1x96xi32, #tpu.memory_space<vmem>>
    %dma_start3A_38 = tpu.memref_squeeze %dma_start3A_37 : memref<1x96xi32, #tpu.memory_space<vmem>> -> memref<96xi32, #tpu.memory_space<vmem>>
    %dma_start3A_39 = arith.constant 0 : i32
    %dma_start3A_40 = arith.constant 0 : i32
    %dma_start3A_41 = tpu.memref_slice %arg3[%dma_start3A_39, %dma_start3A_40] : memref<1000000x64xf32, #tpu.memory_space<hbm>> -> memref<1000000x64xf32, #tpu.memory_space<hbm>>
    tpu.enqueue_indirect_dma source(%dma_start3A_41 : memref<1000000x64xf32, #tpu.memory_space<hbm>>) target(%dma_start3A_35 : memref<96x64xf32, #tpu.memory_space<vmem>>) offsets(%dma_start3A_38 : memref<96xi32, #tpu.memory_space<vmem>>) semaphore(%arg11 : memref<!tpu.dma_semaphore, #tpu.memory_space<semaphore_mem>>)
    %dma_start3A_42 = arith.constant 2 : i32
    %dma_start3A_43 = arith.constant 0 : i32
    %dma_start3A_44 = arith.constant 0 : i32
    %dma_start3A_45 = tpu.memref_slice %arg8[%dma_start3A_43, %dma_start3A_44] : memref<200x64xf32, #tpu.memory_space<vmem>> -> memref<104x64xf32, #tpu.memory_space<vmem>>
    %dma_start3A_46 = arith.constant 0 : i32
    %dma_start3A_47 = tpu.memref_slice %arg5[%dma_start3A_42, %dma_start3A_46] : memref<128x200xi32, #tpu.memory_space<vmem>> -> memref<1x104xi32, #tpu.memory_space<vmem>>
    %dma_start3A_48 = tpu.memref_squeeze %dma_start3A_47 : memref<1x104xi32, #tpu.memory_space<vmem>> -> memref<104xi32, #tpu.memory_space<vmem>>
    %dma_start3A_49 = arith.constant 0 : i32
    %dma_start3A_50 = arith.constant 0 : i32
    %dma_start3A_51 = tpu.memref_slice %arg3[%dma_start3A_49, %dma_start3A_50] : memref<1000000x64xf32, #tpu.memory_space<hbm>> -> memref<1000000x64xf32, #tpu.memory_space<hbm>>
    tpu.enqueue_indirect_dma source(%dma_start3A_51 : memref<1000000x64xf32, #tpu.memory_space<hbm>>) target(%dma_start3A_45 : memref<104x64xf32, #tpu.memory_space<vmem>>) offsets(%dma_start3A_48 : memref<104xi32, #tpu.memory_space<vmem>>) semaphore(%arg12 : memref<!tpu.dma_semaphore, #tpu.memory_space<semaphore_mem>>)
    %dma_start3A_52 = arith.constant 2 : i32
    %dma_start3A_53 = arith.constant 104 : i32
    %dma_start3A_54 = arith.constant 0 : i32
    %dma_start3A_55 = tpu.memref_slice %arg8[%dma_start3A_53, %dma_start3A_54] : memref<200x64xf32, #tpu.memory_space<vmem>> -> memref<96x64xf32, #tpu.memory_space<vmem>>
    %dma_start3A_56 = arith.constant 104 : i32
    %dma_start3A_57 = tpu.memref_slice %arg5[%dma_start3A_52, %dma_start3A_56] : memref<128x200xi32, #tpu.memory_space<vmem>> -> memref<1x96xi32, #tpu.memory_space<vmem>>
    %dma_start3A_58 = tpu.memref_squeeze %dma_start3A_57 : memref<1x96xi32, #tpu.memory_space<vmem>> -> memref<96xi32, #tpu.memory_space<vmem>>
    %dma_start3A_59 = arith.constant 0 : i32
    %dma_start3A_60 = arith.constant 0 : i32
    %dma_start3A_61 = tpu.memref_slice %arg3[%dma_start3A_59, %dma_start3A_60] : memref<1000000x64xf32, #tpu.memory_space<hbm>> -> memref<1000000x64xf32, #tpu.memory_space<hbm>>
    tpu.enqueue_indirect_dma source(%dma_start3A_61 : memref<1000000x64xf32, #tpu.memory_space<hbm>>) target(%dma_start3A_55 : memref<96x64xf32, #tpu.memory_space<vmem>>) offsets(%dma_start3A_58 : memref<96xi32, #tpu.memory_space<vmem>>) semaphore(%arg12 : memref<!tpu.dma_semaphore, #tpu.memory_space<semaphore_mem>>)
    %dma_start3A_62 = arith.constant 3 : i32
    %dma_start3A_63 = arith.constant 0 : i32
    %dma_start3A_64 = arith.constant 0 : i32
    %dma_start3A_65 = tpu.memref_slice %arg9[%dma_start3A_63, %dma_start3A_64] : memref<200x64xf32, #tpu.memory_space<vmem>> -> memref<104x64xf32, #tpu.memory_space<vmem>>
    %dma_start3A_66 = arith.constant 0 : i32
    %dma_start3A_67 = tpu.memref_slice %arg5[%dma_start3A_62, %dma_start3A_66] : memref<128x200xi32, #tpu.memory_space<vmem>> -> memref<1x104xi32, #tpu.memory_space<vmem>>
    %dma_start3A_68 = tpu.memref_squeeze %dma_start3A_67 : memref<1x104xi32, #tpu.memory_space<vmem>> -> memref<104xi32, #tpu.memory_space<vmem>>
    %dma_start3A_69 = arith.constant 0 : i32
    %dma_start3A_70 = arith.constant 0 : i32
    %dma_start3A_71 = tpu.memref_slice %arg3[%dma_start3A_69, %dma_start3A_70] : memref<1000000x64xf32, #tpu.memory_space<hbm>> -> memref<1000000x64xf32, #tpu.memory_space<hbm>>
    tpu.enqueue_indirect_dma source(%dma_start3A_71 : memref<1000000x64xf32, #tpu.memory_space<hbm>>) target(%dma_start3A_65 : memref<104x64xf32, #tpu.memory_space<vmem>>) offsets(%dma_start3A_68 : memref<104xi32, #tpu.memory_space<vmem>>) semaphore(%arg13 : memref<!tpu.dma_semaphore, #tpu.memory_space<semaphore_mem>>)
    %dma_start3A_72 = arith.constant 3 : i32
    %dma_start3A_73 = arith.constant 104 : i32
    %dma_start3A_74 = arith.constant 0 : i32
    %dma_start3A_75 = tpu.memref_slice %arg9[%dma_start3A_73, %dma_start3A_74] : memref<200x64xf32, #tpu.memory_space<vmem>> -> memref<96x64xf32, #tpu.memory_space<vmem>>
    %dma_start3A_76 = arith.constant 104 : i32
    %dma_start3A_77 = tpu.memref_slice %arg5[%dma_start3A_72, %dma_start3A_76] : memref<128x200xi32, #tpu.memory_space<vmem>> -> memref<1x96xi32, #tpu.memory_space<vmem>>
    %dma_start3A_78 = tpu.memref_squeeze %dma_start3A_77 : memref<1x96xi32, #tpu.memory_space<vmem>> -> memref<96xi32, #tpu.memory_space<vmem>>
    %dma_start3A_79 = arith.constant 0 : i32
    %dma_start3A_80 = arith.constant 0 : i32
    %dma_start3A_81 = tpu.memref_slice %arg3[%dma_start3A_79, %dma_start3A_80] : memref<1000000x64xf32, #tpu.memory_space<hbm>> -> memref<1000000x64xf32, #tpu.memory_space<hbm>>
    tpu.enqueue_indirect_dma source(%dma_start3A_81 : memref<1000000x64xf32, #tpu.memory_space<hbm>>) target(%dma_start3A_75 : memref<96x64xf32, #tpu.memory_space<vmem>>) offsets(%dma_start3A_78 : memref<96xi32, #tpu.memory_space<vmem>>) semaphore(%arg13 : memref<!tpu.dma_semaphore, #tpu.memory_space<semaphore_mem>>)
    %scan3A = arith.constant 0 : i32
    %scan3A_82 = arith.constant 0 : i32
    %scan3A_83 = arith.constant 31 : i32
    %scan3A_84 = arith.addi %scan3A_82, %scan3A_83 : i32
    %scan3A_85 = arith.constant 1 : i32
    scf.for %scan3A_270 = %scan3A_82 to %scan3A_84 step %scan3A_85  : i32 {
      %mul3A_271 = arith.constant 4 : i32
      %mul3A_272 = arith.muli %scan3A_270, %mul3A_271 : i32
      %add3A_273 = arith.constant 0 : i32
      %add3A_274 = arith.addi %mul3A_272, %add3A_273 : i32
      %dma_wait3A_275 = arith.constant 0 : i32
      %dma_wait3A_276 = arith.constant 0 : i32
      %dma_wait3A_277 = tpu.memref_slice %arg6[%dma_wait3A_275, %dma_wait3A_276] : memref<200x64xf32, #tpu.memory_space<vmem>> -> memref<104x64xf32, #tpu.memory_space<vmem>>
      %dma_wait3A_278 = arith.constant 0 : i32
      %dma_wait3A_279 = tpu.memref_slice %arg5[%add3A_274, %dma_wait3A_278] : memref<128x200xi32, #tpu.memory_space<vmem>> -> memref<1x104xi32, #tpu.memory_space<vmem>>
      %dma_wait3A_280 = tpu.memref_squeeze %dma_wait3A_279 : memref<1x104xi32, #tpu.memory_space<vmem>> -> memref<104xi32, #tpu.memory_space<vmem>>
      %dma_wait3A_281 = arith.constant 0 : i32
      %dma_wait3A_282 = arith.constant 0 : i32
      %dma_wait3A_283 = tpu.memref_slice %arg3[%dma_wait3A_281, %dma_wait3A_282] : memref<1000000x64xf32, #tpu.memory_space<hbm>> -> memref<1000000x64xf32, #tpu.memory_space<hbm>>
      tpu.wait_indirect_dma semaphore(%arg10 : memref<!tpu.dma_semaphore, #tpu.memory_space<semaphore_mem>>) src(%dma_wait3A_283 : memref<1000000x64xf32, #tpu.memory_space<hbm>>) dst(%dma_wait3A_277 : memref<104x64xf32, #tpu.memory_space<vmem>>)
      %dma_wait3A_284 = arith.constant 104 : i32
      %dma_wait3A_285 = arith.constant 0 : i32
      %dma_wait3A_286 = tpu.memref_slice %arg6[%dma_wait3A_284, %dma_wait3A_285] : memref<200x64xf32, #tpu.memory_space<vmem>> -> memref<96x64xf32, #tpu.memory_space<vmem>>
      %dma_wait3A_287 = arith.constant 104 : i32
      %dma_wait3A_288 = tpu.memref_slice %arg5[%add3A_274, %dma_wait3A_287] : memref<128x200xi32, #tpu.memory_space<vmem>> -> memref<1x96xi32, #tpu.memory_space<vmem>>
      %dma_wait3A_289 = tpu.memref_squeeze %dma_wait3A_288 : memref<1x96xi32, #tpu.memory_space<vmem>> -> memref<96xi32, #tpu.memory_space<vmem>>
      %dma_wait3A_290 = arith.constant 0 : i32
      %dma_wait3A_291 = arith.constant 0 : i32
      %dma_wait3A_292 = tpu.memref_slice %arg3[%dma_wait3A_290, %dma_wait3A_291] : memref<1000000x64xf32, #tpu.memory_space<hbm>> -> memref<1000000x64xf32, #tpu.memory_space<hbm>>
      tpu.wait_indirect_dma semaphore(%arg10 : memref<!tpu.dma_semaphore, #tpu.memory_space<semaphore_mem>>) src(%dma_wait3A_292 : memref<1000000x64xf32, #tpu.memory_space<hbm>>) dst(%dma_wait3A_286 : memref<96x64xf32, #tpu.memory_space<vmem>>)
      %scan3A_293 = arith.constant 0 : i32
      %scan3A_294 = arith.constant 0 : i32
      %scan3A_295 = arith.constant 200 : i32
      %scan3A_296 = arith.addi %scan3A_294, %scan3A_295 : i32
      %scan3A_297 = arith.constant 4 : i32
      scf.for %scan3A_553 = %scan3A_294 to %scan3A_296 step %scan3A_297  : i32 {
        %get3A = arith.index_cast %scan3A_553 : i32 to index
        %get3A_554 = arith.constant 0 : index
        %get3A_555 = tpu.vector_load %arg6[%get3A, %get3A_554] {strides = array<i32>} : memref<200x64xf32, #tpu.memory_space<vmem>>, vector<1x16xf32>,
        %get3A_556 = vector.shape_cast %get3A_555 : vector<1x16xf32> to vector<16xf32>
        %mul3A_557 = arith.constant 8.000000e+00 : f32
        %mul3A_558 = vector.broadcast %mul3A_557 : f32 to vector<16xf32>
        %mul3A_559 = arith.mulf %get3A_556, %mul3A_558 : vector<16xf32>
        %swap3A = arith.index_cast %scan3A_553 : i32 to index
        %swap3A_560 = arith.constant 0 : index
        %swap3A_561 = tpu.vector_load %arg6[%swap3A, %swap3A_560] {strides = array<i32>} : memref<200x64xf32, #tpu.memory_space<vmem>>, vector<1x16xf32>,
        %swap3A_562 = vector.shape_cast %swap3A_561 : vector<1x16xf32> to vector<16xf32>
        %swap3A_563 = vector.shape_cast %mul3A_559 : vector<16xf32> to vector<1x16xf32>
        tpu.vector_store %arg6[%swap3A, %swap3A_560], %swap3A_563 {strides = array<i32>} : memref<200x64xf32, #tpu.memory_space<vmem>>, vector<1x16xf32>,
        %get3A_564 = arith.index_cast %scan3A_553 : i32 to index
        %get3A_565 = arith.constant 16 : index
        %get3A_566 = tpu.vector_load %arg6[%get3A_564, %get3A_565] {strides = array<i32>} : memref<200x64xf32, #tpu.memory_space<vmem>>, vector<1x16xf32>,
        %get3A_567 = vector.shape_cast %get3A_566 : vector<1x16xf32> to vector<16xf32>
        %mul3A_568 = arith.constant 8.000000e+00 : f32
        %mul3A_569 = vector.broadcast %mul3A_568 : f32 to vector<16xf32>
        %mul3A_570 = arith.mulf %get3A_567, %mul3A_569 : vector<16xf32>
        %swap3A_571 = arith.index_cast %scan3A_553 : i32 to index
        %swap3A_572 = arith.constant 16 : index
        %swap3A_573 = tpu.vector_load %arg6[%swap3A_571, %swap3A_572] {strides = array<i32>} : memref<200x64xf32, #tpu.memory_space<vmem>>, vector<1x16xf32>,
        %swap3A_574 = vector.shape_cast %swap3A_573 : vector<1x16xf32> to vector<16xf32>
        %swap3A_575 = vector.shape_cast %mul3A_570 : vector<16xf32> to vector<1x16xf32>
        tpu.vector_store %arg6[%swap3A_571, %swap3A_572], %swap3A_575 {strides = array<i32>} : memref<200x64xf32, #tpu.memory_space<vmem>>, vector<1x16xf32>,
        %get3A_576 = arith.index_cast %scan3A_553 : i32 to index
        %get3A_577 = arith.constant 32 : index
        %get3A_578 = tpu.vector_load %arg6[%get3A_576, %get3A_577] {strides = array<i32>} : memref<200x64xf32, #tpu.memory_space<vmem>>, vector<1x16xf32>,
        %get3A_579 = vector.shape_cast %get3A_578 : vector<1x16xf32> to vector<16xf32>
        %mul3A_580 = arith.constant 8.000000e+00 : f32
        %mul3A_581 = vector.broadcast %mul3A_580 : f32 to vector<16xf32>
        %mul3A_582 = arith.mulf %get3A_579, %mul3A_581 : vector<16xf32>
        %swap3A_583 = arith.index_cast %scan3A_553 : i32 to index
        %swap3A_584 = arith.constant 32 : index
        %swap3A_585 = tpu.vector_load %arg6[%swap3A_583, %swap3A_584] {strides = array<i32>} : memref<200x64xf32, #tpu.memory_space<vmem>>, vector<1x16xf32>,
        %swap3A_586 = vector.shape_cast %swap3A_585 : vector<1x16xf32> to vector<16xf32>
        %swap3A_587 = vector.shape_cast %mul3A_582 : vector<16xf32> to vector<1x16xf32>
        tpu.vector_store %arg6[%swap3A_583, %swap3A_584], %swap3A_587 {strides = array<i32>} : memref<200x64xf32, #tpu.memory_space<vmem>>, vector<1x16xf32>,
        %get3A_588 = arith.index_cast %scan3A_553 : i32 to index
        %get3A_589 = arith.constant 48 : index
        %get3A_590 = tpu.vector_load %arg6[%get3A_588, %get3A_589] {strides = array<i32>} : memref<200x64xf32, #tpu.memory_space<vmem>>, vector<1x16xf32>,
        %get3A_591 = vector.shape_cast %get3A_590 : vector<1x16xf32> to vector<16xf32>
        %mul3A_592 = arith.constant 8.000000e+00 : f32
        %mul3A_593 = vector.broadcast %mul3A_592 : f32 to vector<16xf32>
        %mul3A_594 = arith.mulf %get3A_591, %mul3A_593 : vector<16xf32>
        %swap3A_595 = arith.index_cast %scan3A_553 : i32 to index
        %swap3A_596 = arith.constant 48 : index
        %swap3A_597 = tpu.vector_load %arg6[%swap3A_595, %swap3A_596] {strides = array<i32>} : memref<200x64xf32, #tpu.memory_space<vmem>>, vector<1x16xf32>,
        %swap3A_598 = vector.shape_cast %swap3A_597 : vector<1x16xf32> to vector<16xf32>
        %swap3A_599 = vector.shape_cast %mul3A_594 : vector<16xf32> to vector<1x16xf32>
        tpu.vector_store %arg6[%swap3A_595, %swap3A_596], %swap3A_599 {strides = array<i32>} : memref<200x64xf32, #tpu.memory_space<vmem>>, vector<1x16xf32>,
        %scan3A_600 = arith.constant 1 : i32
        %scan3A_601 = arith.addi %scan3A_553, %scan3A_600 : i32
        %get3A_602 = arith.index_cast %scan3A_601 : i32 to index
        %get3A_603 = arith.constant 0 : index
        %get3A_604 = tpu.vector_load %arg6[%get3A_602, %get3A_603] {strides = array<i32>} : memref<200x64xf32, #tpu.memory_space<vmem>>, vector<1x16xf32>,
        %get3A_605 = vector.shape_cast %get3A_604 : vector<1x16xf32> to vector<16xf32>
        %mul3A_606 = arith.constant 8.000000e+00 : f32
        %mul3A_607 = vector.broadcast %mul3A_606 : f32 to vector<16xf32>
        %mul3A_608 = arith.mulf %get3A_605, %mul3A_607 : vector<16xf32>
        %swap3A_609 = arith.index_cast %scan3A_601 : i32 to index
        %swap3A_610 = arith.constant 0 : index
        %swap3A_611 = tpu.vector_load %arg6[%swap3A_609, %swap3A_610] {strides = array<i32>} : memref<200x64xf32, #tpu.memory_space<vmem>>, vector<1x16xf32>,
        %swap3A_612 = vector.shape_cast %swap3A_611 : vector<1x16xf32> to vector<16xf32>
        %swap3A_613 = vector.shape_cast %mul3A_608 : vector<16xf32> to vector<1x16xf32>
        tpu.vector_store %arg6[%swap3A_609, %swap3A_610], %swap3A_613 {strides = array<i32>} : memref<200x64xf32, #tpu.memory_space<vmem>>, vector<1x16xf32>,
        %get3A_614 = arith.index_cast %scan3A_601 : i32 to index
        %get3A_615 = arith.constant 16 : index
        %get3A_616 = tpu.vector_load %arg6[%get3A_614, %get3A_615] {strides = array<i32>} : memref<200x64xf32, #tpu.memory_space<vmem>>, vector<1x16xf32>,
        %get3A_617 = vector.shape_cast %get3A_616 : vector<1x16xf32> to vector<16xf32>
        %mul3A_618 = arith.constant 8.000000e+00 : f32
        %mul3A_619 = vector.broadcast %mul3A_618 : f32 to vector<16xf32>
        %mul3A_620 = arith.mulf %get3A_617, %mul3A_619 : vector<16xf32>
        %swap3A_621 = arith.index_cast %scan3A_601 : i32 to index
        %swap3A_622 = arith.constant 16 : index
        %swap3A_623 = tpu.vector_load %arg6[%swap3A_621, %swap3A_622] {strides = array<i32>} : memref<200x64xf32, #tpu.memory_space<vmem>>, vector<1x16xf32>,
        %swap3A_624 = vector.shape_cast %swap3A_623 : vector<1x16xf32> to vector<16xf32>
        %swap3A_625 = vector.shape_cast %mul3A_620 : vector<16xf32> to vector<1x16xf32>
        tpu.vector_store %arg6[%swap3A_621, %swap3A_622], %swap3A_625 {strides = array<i32>} : memref<200x64xf32, #tpu.memory_space<vmem>>, vector<1x16xf32>,
        %get3A_626 = arith.index_cast %scan3A_601 : i32 to index
        %get3A_627 = arith.constant 32 : index
        %get3A_628 = tpu.vector_load %arg6[%get3A_626, %get3A_627] {strides = array<i32>} : memref<200x64xf32, #tpu.memory_space<vmem>>, vector<1x16xf32>,
        %get3A_629 = vector.shape_cast %get3A_628 : vector<1x16xf32> to vector<16xf32>
        %mul3A_630 = arith.constant 8.000000e+00 : f32
        %mul3A_631 = vector.broadcast %mul3A_630 : f32 to vector<16xf32>
        %mul3A_632 = arith.mulf %get3A_629, %mul3A_631 : vector<16xf32>
        %swap3A_633 = arith.index_cast %scan3A_601 : i32 to index
        %swap3A_634 = arith.constant 32 : index
        %swap3A_635 = tpu.vector_load %arg6[%swap3A_633, %swap3A_634] {strides = array<i32>} : memref<200x64xf32, #tpu.memory_space<vmem>>, vector<1x16xf32>,
        %swap3A_636 = vector.shape_cast %swap3A_635 : vector<1x16xf32> to vector<16xf32>
        %swap3A_637 = vector.shape_cast %mul3A_632 : vector<16xf32> to vector<1x16xf32>
        tpu.vector_store %arg6[%swap3A_633, %swap3A_634], %swap3A_637 {strides = array<i32>} : memref<200x64xf32, #tpu.memory_space<vmem>>, vector<1x16xf32>,
        %get3A_638 = arith.index_cast %scan3A_601 : i32 to index
        %get3A_639 = arith.constant 48 : index
        %get3A_640 = tpu.vector_load %arg6[%get3A_638, %get3A_639] {strides = array<i32>} : memref<200x64xf32, #tpu.memory_space<vmem>>, vector<1x16xf32>,
        %get3A_641 = vector.shape_cast %get3A_640 : vector<1x16xf32> to vector<16xf32>
        %mul3A_642 = arith.constant 8.000000e+00 : f32
        %mul3A_643 = vector.broadcast %mul3A_642 : f32 to vector<16xf32>
        %mul3A_644 = arith.mulf %get3A_641, %mul3A_643 : vector<16xf32>
        %swap3A_645 = arith.index_cast %scan3A_601 : i32 to index
        %swap3A_646 = arith.constant 48 : index
        %swap3A_647 = tpu.vector_load %arg6[%swap3A_645, %swap3A_646] {strides = array<i32>} : memref<200x64xf32, #tpu.memory_space<vmem>>, vector<1x16xf32>,
        %swap3A_648 = vector.shape_cast %swap3A_647 : vector<1x16xf32> to vector<16xf32>
        %swap3A_649 = vector.shape_cast %mul3A_644 : vector<16xf32> to vector<1x16xf32>
        tpu.vector_store %arg6[%swap3A_645, %swap3A_646], %swap3A_649 {strides = array<i32>} : memref<200x64xf32, #tpu.memory_space<vmem>>, vector<1x16xf32>,
        %scan3A_650 = arith.constant 2 : i32
        %scan3A_651 = arith.addi %scan3A_553, %scan3A_650 : i32
        %get3A_652 = arith.index_cast %scan3A_651 : i32 to index
        %get3A_653 = arith.constant 0 : index
        %get3A_654 = tpu.vector_load %arg6[%get3A_652, %get3A_653] {strides = array<i32>} : memref<200x64xf32, #tpu.memory_space<vmem>>, vector<1x16xf32>,
        %get3A_655 = vector.shape_cast %get3A_654 : vector<1x16xf32> to vector<16xf32>
        %mul3A_656 = arith.constant 8.000000e+00 : f32
        %mul3A_657 = vector.broadcast %mul3A_656 : f32 to vector<16xf32>
        %mul3A_658 = arith.mulf %get3A_655, %mul3A_657 : vector<16xf32>
        %swap3A_659 = arith.index_cast %scan3A_651 : i32 to index
        %swap3A_660 = arith.constant 0 : index
        %swap3A_661 = tpu.vector_load %arg6[%swap3A_659, %swap3A_660] {strides = array<i32>} : memref<200x64xf32, #tpu.memory_space<vmem>>, vector<1x16xf32>,
        %swap3A_662 = vector.shape_cast %swap3A_661 : vector<1x16xf32> to vector<16xf32>
        %swap3A_663 = vector.shape_cast %mul3A_658 : vector<16xf32> to vector<1x16xf32>
        tpu.vector_store %arg6[%swap3A_659, %swap3A_660], %swap3A_663 {strides = array<i32>} : memref<200x64xf32, #tpu.memory_space<vmem>>, vector<1x16xf32>,
        %get3A_664 = arith.index_cast %scan3A_651 : i32 to index
        %get3A_665 = arith.constant 16 : index
        %get3A_666 = tpu.vector_load %arg6[%get3A_664, %get3A_665] {strides = array<i32>} : memref<200x64xf32, #tpu.memory_space<vmem>>, vector<1x16xf32>,
        %get3A_667 = vector.shape_cast %get3A_666 : vector<1x16xf32> to vector<16xf32>
        %mul3A_668 = arith.constant 8.000000e+00 : f32
        %mul3A_669 = vector.broadcast %mul3A_668 : f32 to vector<16xf32>
        %mul3A_670 = arith.mulf %get3A_667, %mul3A_669 : vector<16xf32>
        %swap3A_671 = arith.index_cast %scan3A_651 : i32 to index
        %swap3A_672 = arith.constant 16 : index
        %swap3A_673 = tpu.vector_load %arg6[%swap3A_671, %swap3A_672] {strides = array<i32>} : memref<200x64xf32, #tpu.memory_space<vmem>>, vector<1x16xf32>,
        %swap3A_674 = vector.shape_cast %swap3A_673 : vector<1x16xf32> to vector<16xf32>
        %swap3A_675 = vector.shape_cast %mul3A_670 : vector<16xf32> to vector<1x16xf32>
        tpu.vector_store %arg6[%swap3A_671, %swap3A_672], %swap3A_675 {strides = array<i32>} : memref<200x64xf32, #tpu.memory_space<vmem>>, vector<1x16xf32>,
        %get3A_676 = arith.index_cast %scan3A_651 : i32 to index
        %get3A_677 = arith.constant 32 : index
        %get3A_678 = tpu.vector_load %arg6[%get3A_676, %get3A_677] {strides = array<i32>} : memref<200x64xf32, #tpu.memory_space<vmem>>, vector<1x16xf32>,
        %get3A_679 = vector.shape_cast %get3A_678 : vector<1x16xf32> to vector<16xf32>
        %mul3A_680 = arith.constant 8.000000e+00 : f32
        %mul3A_681 = vector.broadcast %mul3A_680 : f32 to vector<16xf32>
        %mul3A_682 = arith.mulf %get3A_679, %mul3A_681 : vector<16xf32>
        %swap3A_683 = arith.index_cast %scan3A_651 : i32 to index
        %swap3A_684 = arith.constant 32 : index
        %swap3A_685 = tpu.vector_load %arg6[%swap3A_683, %swap3A_684] {strides = array<i32>} : memref<200x64xf32, #tpu.memory_space<vmem>>, vector<1x16xf32>,
        %swap3A_686 = vector.shape_cast %swap3A_685 : vector<1x16xf32> to vector<16xf32>
        %swap3A_687 = vector.shape_cast %mul3A_682 : vector<16xf32> to vector<1x16xf32>
        tpu.vector_store %arg6[%swap3A_683, %swap3A_684], %swap3A_687 {strides = array<i32>} : memref<200x64xf32, #tpu.memory_space<vmem>>, vector<1x16xf32>,
        %get3A_688 = arith.index_cast %scan3A_651 : i32 to index
        %get3A_689 = arith.constant 48 : index
        %get3A_690 = tpu.vector_load %arg6[%get3A_688, %get3A_689] {strides = array<i32>} : memref<200x64xf32, #tpu.memory_space<vmem>>, vector<1x16xf32>,
        %get3A_691 = vector.shape_cast %get3A_690 : vector<1x16xf32> to vector<16xf32>
        %mul3A_692 = arith.constant 8.000000e+00 : f32
        %mul3A_693 = vector.broadcast %mul3A_692 : f32 to vector<16xf32>
        %mul3A_694 = arith.mulf %get3A_691, %mul3A_693 : vector<16xf32>
        %swap3A_695 = arith.index_cast %scan3A_651 : i32 to index
        %swap3A_696 = arith.constant 48 : index
        %swap3A_697 = tpu.vector_load %arg6[%swap3A_695, %swap3A_696] {strides = array<i32>} : memref<200x64xf32, #tpu.memory_space<vmem>>, vector<1x16xf32>,
        %swap3A_698 = vector.shape_cast %swap3A_697 : vector<1x16xf32> to vector<16xf32>
        %swap3A_699 = vector.shape_cast %mul3A_694 : vector<16xf32> to vector<1x16xf32>
        tpu.vector_store %arg6[%swap3A_695, %swap3A_696], %swap3A_699 {strides = array<i32>} : memref<200x64xf32, #tpu.memory_space<vmem>>, vector<1x16xf32>,
        %scan3A_700 = arith.constant 3 : i32
        %scan3A_701 = arith.addi %scan3A_553, %scan3A_700 : i32
        %get3A_702 = arith.index_cast %scan3A_701 : i32 to index
        %get3A_703 = arith.constant 0 : index
        %get3A_704 = tpu.vector_load %arg6[%get3A_702, %get3A_703] {strides = array<i32>} : memref<200x64xf32, #tpu.memory_space<vmem>>, vector<1x16xf32>,
        %get3A_705 = vector.shape_cast %get3A_704 : vector<1x16xf32> to vector<16xf32>
        %mul3A_706 = arith.constant 8.000000e+00 : f32
        %mul3A_707 = vector.broadcast %mul3A_706 : f32 to vector<16xf32>
        %mul3A_708 = arith.mulf %get3A_705, %mul3A_707 : vector<16xf32>
        %swap3A_709 = arith.index_cast %scan3A_701 : i32 to index
        %swap3A_710 = arith.constant 0 : index
        %swap3A_711 = tpu.vector_load %arg6[%swap3A_709, %swap3A_710] {strides = array<i32>} : memref<200x64xf32, #tpu.memory_space<vmem>>, vector<1x16xf32>,
        %swap3A_712 = vector.shape_cast %swap3A_711 : vector<1x16xf32> to vector<16xf32>
        %swap3A_713 = vector.shape_cast %mul3A_708 : vector<16xf32> to vector<1x16xf32>
        tpu.vector_store %arg6[%swap3A_709, %swap3A_710], %swap3A_713 {strides = array<i32>} : memref<200x64xf32, #tpu.memory_space<vmem>>, vector<1x16xf32>,
        %get3A_714 = arith.index_cast %scan3A_701 : i32 to index
        %get3A_715 = arith.constant 16 : index
        %get3A_716 = tpu.vector_load %arg6[%get3A_714, %get3A_715] {strides = array<i32>} : memref<200x64xf32, #tpu.memory_space<vmem>>, vector<1x16xf32>,
        %get3A_717 = vector.shape_cast %get3A_716 : vector<1x16xf32> to vector<16xf32>
        %mul3A_718 = arith.constant 8.000000e+00 : f32
        %mul3A_719 = vector.broadcast %mul3A_718 : f32 to vector<16xf32>
        %mul3A_720 = arith.mulf %get3A_717, %mul3A_719 : vector<16xf32>
        %swap3A_721 = arith.index_cast %scan3A_701 : i32 to index
        %swap3A_722 = arith.constant 16 : index
        %swap3A_723 = tpu.vector_load %arg6[%swap3A_721, %swap3A_722] {strides = array<i32>} : memref<200x64xf32, #tpu.memory_space<vmem>>, vector<1x16xf32>,
        %swap3A_724 = vector.shape_cast %swap3A_723 : vector<1x16xf32> to vector<16xf32>
        %swap3A_725 = vector.shape_cast %mul3A_720 : vector<16xf32> to vector<1x16xf32>
        tpu.vector_store %arg6[%swap3A_721, %swap3A_722], %swap3A_725 {strides = array<i32>} : memref<200x64xf32, #tpu.memory_space<vmem>>, vector<1x16xf32>,
        %get3A_726 = arith.index_cast %scan3A_701 : i32 to index
        %get3A_727 = arith.constant 32 : index
        %get3A_728 = tpu.vector_load %arg6[%get3A_726, %get3A_727] {strides = array<i32>} : memref<200x64xf32, #tpu.memory_space<vmem>>, vector<1x16xf32>,
        %get3A_729 = vector.shape_cast %get3A_728 : vector<1x16xf32> to vector<16xf32>
        %mul3A_730 = arith.constant 8.000000e+00 : f32
        %mul3A_731 = vector.broadcast %mul3A_730 : f32 to vector<16xf32>
        %mul3A_732 = arith.mulf %get3A_729, %mul3A_731 : vector<16xf32>
        %swap3A_733 = arith.index_cast %scan3A_701 : i32 to index
        %swap3A_734 = arith.constant 32 : index
        %swap3A_735 = tpu.vector_load %arg6[%swap3A_733, %swap3A_734] {strides = array<i32>} : memref<200x64xf32, #tpu.memory_space<vmem>>, vector<1x16xf32>,
        %swap3A_736 = vector.shape_cast %swap3A_735 : vector<1x16xf32> to vector<16xf32>
        %swap3A_737 = vector.shape_cast %mul3A_732 : vector<16xf32> to vector<1x16xf32>
        tpu.vector_store %arg6[%swap3A_733, %swap3A_734], %swap3A_737 {strides = array<i32>} : memref<200x64xf32, #tpu.memory_space<vmem>>, vector<1x16xf32>,
        %get3A_738 = arith.index_cast %scan3A_701 : i32 to index
        %get3A_739 = arith.constant 48 : index
        %get3A_740 = tpu.vector_load %arg6[%get3A_738, %get3A_739] {strides = array<i32>} : memref<200x64xf32, #tpu.memory_space<vmem>>, vector<1x16xf32>,
        %get3A_741 = vector.shape_cast %get3A_740 : vector<1x16xf32> to vector<16xf32>
        %mul3A_742 = arith.constant 8.000000e+00 : f32
        %mul3A_743 = vector.broadcast %mul3A_742 : f32 to vector<16xf32>
        %mul3A_744 = arith.mulf %get3A_741, %mul3A_743 : vector<16xf32>
        %swap3A_745 = arith.index_cast %scan3A_701 : i32 to index
        %swap3A_746 = arith.constant 48 : index
        %swap3A_747 = tpu.vector_load %arg6[%swap3A_745, %swap3A_746] {strides = array<i32>} : memref<200x64xf32, #tpu.memory_space<vmem>>, vector<1x16xf32>,
        %swap3A_748 = vector.shape_cast %swap3A_747 : vector<1x16xf32> to vector<16xf32>
        %swap3A_749 = vector.shape_cast %mul3A_744 : vector<16xf32> to vector<1x16xf32>
        tpu.vector_store %arg6[%swap3A_745, %swap3A_746], %swap3A_749 {strides = array<i32>} : memref<200x64xf32, #tpu.memory_space<vmem>>, vector<1x16xf32>,
      }
      %scan3A_298 = arith.constant 200 : i32
      %add3A_299 = arith.constant 0 : i32
      %add3A_300 = arith.addi %mul3A_272, %add3A_299 : i32
      %add3A_301 = arith.addi %mul3A_2, %add3A_300 : i32
      %dma_start3A_302 = arith.constant 0 : i32
      %dma_start3A_303 = arith.constant 0 : i32
      %dma_start3A_304 = tpu.memref_slice %arg4[%add3A_301, %dma_start3A_302, %dma_start3A_303] : memref<4096x200x64xf32, #tpu.memory_space<hbm>> -> memref<1x200x64xf32, #tpu.memory_space<hbm>>
      %dma_start3A_305 = tpu.memref_squeeze %dma_start3A_304 : memref<1x200x64xf32, #tpu.memory_space<hbm>> -> memref<200x64xf32, #tpu.memory_space<hbm>>
      %dma_start3A_306 = arith.constant 0 : i32
      %dma_start3A_307 = arith.constant 0 : i32
      %dma_start3A_308 = tpu.memref_slice %arg4[%add3A_301, %dma_start3A_306, %dma_start3A_307] : memref<4096x200x64xf32, #tpu.memory_space<hbm>> -> memref<1x200x64xf32, #tpu.memory_space<hbm>>
      %dma_start3A_309 = tpu.memref_squeeze %dma_start3A_308 : memref<1x200x64xf32, #tpu.memory_space<hbm>> -> memref<200x64xf32, #tpu.memory_space<hbm>>
      tpu.enqueue_dma source(%arg6 : memref<200x64xf32, #tpu.memory_space<vmem>>) target(%dma_start3A_309 : memref<200x64xf32, #tpu.memory_space<hbm>>) target_semaphore(%arg14 : memref<!tpu.dma_semaphore, #tpu.memory_space<semaphore_mem>>)
      %add3A_310 = arith.constant 1 : i32
      %add3A_311 = arith.addi %mul3A_272, %add3A_310 : i32
      %dma_wait3A_312 = arith.constant 0 : i32
      %dma_wait3A_313 = arith.constant 0 : i32
      %dma_wait3A_314 = tpu.memref_slice %arg7[%dma_wait3A_312, %dma_wait3A_313] : memref<200x64xf32, #tpu.memory_space<vmem>> -> memref<104x64xf32, #tpu.memory_space<vmem>>
      %dma_wait3A_315 = arith.constant 0 : i32
      %dma_wait3A_316 = tpu.memref_slice %arg5[%add3A_311, %dma_wait3A_315] : memref<128x200xi32, #tpu.memory_space<vmem>> -> memref<1x104xi32, #tpu.memory_space<vmem>>
      %dma_wait3A_317 = tpu.memref_squeeze %dma_wait3A_316 : memref<1x104xi32, #tpu.memory_space<vmem>> -> memref<104xi32, #tpu.memory_space<vmem>>
      %dma_wait3A_318 = arith.constant 0 : i32
      %dma_wait3A_319 = arith.constant 0 : i32
      %dma_wait3A_320 = tpu.memref_slice %arg3[%dma_wait3A_318, %dma_wait3A_319] : memref<1000000x64xf32, #tpu.memory_space<hbm>> -> memref<1000000x64xf32, #tpu.memory_space<hbm>>
      tpu.wait_indirect_dma semaphore(%arg11 : memref<!tpu.dma_semaphore, #tpu.memory_space<semaphore_mem>>) src(%dma_wait3A_320 : memref<1000000x64xf32, #tpu.memory_space<hbm>>) dst(%dma_wait3A_314 : memref<104x64xf32, #tpu.memory_space<vmem>>)
      %dma_wait3A_321 = arith.constant 104 : i32
      %dma_wait3A_322 = arith.constant 0 : i32
      %dma_wait3A_323 = tpu.memref_slice %arg7[%dma_wait3A_321, %dma_wait3A_322] : memref<200x64xf32, #tpu.memory_space<vmem>> -> memref<96x64xf32, #tpu.memory_space<vmem>>
      %dma_wait3A_324 = arith.constant 104 : i32
      %dma_wait3A_325 = tpu.memref_slice %arg5[%add3A_311, %dma_wait3A_324] : memref<128x200xi32, #tpu.memory_space<vmem>> -> memref<1x96xi32, #tpu.memory_space<vmem>>
      %dma_wait3A_326 = tpu.memref_squeeze %dma_wait3A_325 : memref<1x96xi32, #tpu.memory_space<vmem>> -> memref<96xi32, #tpu.memory_space<vmem>>
      %dma_wait3A_327 = arith.constant 0 : i32
      %dma_wait3A_328 = arith.constant 0 : i32
      %dma_wait3A_329 = tpu.memref_slice %arg3[%dma_wait3A_327, %dma_wait3A_328] : memref<1000000x64xf32, #tpu.memory_space<hbm>> -> memref<1000000x64xf32, #tpu.memory_space<hbm>>
      tpu.wait_indirect_dma semaphore(%arg11 : memref<!tpu.dma_semaphore, #tpu.memory_space<semaphore_mem>>) src(%dma_wait3A_329 : memref<1000000x64xf32, #tpu.memory_space<hbm>>) dst(%dma_wait3A_323 : memref<96x64xf32, #tpu.memory_space<vmem>>)
      %scan3A_330 = arith.constant 0 : i32
      %scan3A_331 = arith.constant 0 : i32
      %scan3A_332 = arith.constant 200 : i32
      %scan3A_333 = arith.addi %scan3A_331, %scan3A_332 : i32
      %scan3A_334 = arith.constant 4 : i32
      scf.for %scan3A_553 = %scan3A_331 to %scan3A_333 step %scan3A_334  : i32 {
        %get3A = arith.index_cast %scan3A_553 : i32 to index
        %get3A_554 = arith.constant 0 : index
        %get3A_555 = tpu.vector_load %arg7[%get3A, %get3A_554] {strides = array<i32>} : memref<200x64xf32, #tpu.memory_space<vmem>>, vector<1x16xf32>,
        %get3A_556 = vector.shape_cast %get3A_555 : vector<1x16xf32> to vector<16xf32>
        %mul3A_557 = arith.constant 8.000000e+00 : f32
        %mul3A_558 = vector.broadcast %mul3A_557 : f32 to vector<16xf32>
        %mul3A_559 = arith.mulf %get3A_556, %mul3A_558 : vector<16xf32>
        %swap3A = arith.index_cast %scan3A_553 : i32 to index
        %swap3A_560 = arith.constant 0 : index
        %swap3A_561 = tpu.vector_load %arg7[%swap3A, %swap3A_560] {strides = array<i32>} : memref<200x64xf32, #tpu.memory_space<vmem>>, vector<1x16xf32>,
        %swap3A_562 = vector.shape_cast %swap3A_561 : vector<1x16xf32> to vector<16xf32>
        %swap3A_563 = vector.shape_cast %mul3A_559 : vector<16xf32> to vector<1x16xf32>
        tpu.vector_store %arg7[%swap3A, %swap3A_560], %swap3A_563 {strides = array<i32>} : memref<200x64xf32, #tpu.memory_space<vmem>>, vector<1x16xf32>,
        %get3A_564 = arith.index_cast %scan3A_553 : i32 to index
        %get3A_565 = arith.constant 16 : index
        %get3A_566 = tpu.vector_load %arg7[%get3A_564, %get3A_565] {strides = array<i32>} : memref<200x64xf32, #tpu.memory_space<vmem>>, vector<1x16xf32>,
        %get3A_567 = vector.shape_cast %get3A_566 : vector<1x16xf32> to vector<16xf32>
        %mul3A_568 = arith.constant 8.000000e+00 : f32
        %mul3A_569 = vector.broadcast %mul3A_568 : f32 to vector<16xf32>
        %mul3A_570 = arith.mulf %get3A_567, %mul3A_569 : vector<16xf32>
        %swap3A_571 = arith.index_cast %scan3A_553 : i32 to index
        %swap3A_572 = arith.constant 16 : index
        %swap3A_573 = tpu.vector_load %arg7[%swap3A_571, %swap3A_572] {strides = array<i32>} : memref<200x64xf32, #tpu.memory_space<vmem>>, vector<1x16xf32>,
        %swap3A_574 = vector.shape_cast %swap3A_573 : vector<1x16xf32> to vector<16xf32>
        %swap3A_575 = vector.shape_cast %mul3A_570 : vector<16xf32> to vector<1x16xf32>
        tpu.vector_store %arg7[%swap3A_571, %swap3A_572], %swap3A_575 {strides = array<i32>} : memref<200x64xf32, #tpu.memory_space<vmem>>, vector<1x16xf32>,
        %get3A_576 = arith.index_cast %scan3A_553 : i32 to index
        %get3A_577 = arith.constant 32 : index
        %get3A_578 = tpu.vector_load %arg7[%get3A_576, %get3A_577] {strides = array<i32>} : memref<200x64xf32, #tpu.memory_space<vmem>>, vector<1x16xf32>,
        %get3A_579 = vector.shape_cast %get3A_578 : vector<1x16xf32> to vector<16xf32>
        %mul3A_580 = arith.constant 8.000000e+00 : f32
        %mul3A_581 = vector.broadcast %mul3A_580 : f32 to vector<16xf32>
        %mul3A_582 = arith.mulf %get3A_579, %mul3A_581 : vector<16xf32>
        %swap3A_583 = arith.index_cast %scan3A_553 : i32 to index
        %swap3A_584 = arith.constant 32 : index
        %swap3A_585 = tpu.vector_load %arg7[%swap3A_583, %swap3A_584] {strides = array<i32>} : memref<200x64xf32, #tpu.memory_space<vmem>>, vector<1x16xf32>,
        %swap3A_586 = vector.shape_cast %swap3A_585 : vector<1x16xf32> to vector<16xf32>
        %swap3A_587 = vector.shape_cast %mul3A_582 : vector<16xf32> to vector<1x16xf32>
        tpu.vector_store %arg7[%swap3A_583, %swap3A_584], %swap3A_587 {strides = array<i32>} : memref<200x64xf32, #tpu.memory_space<vmem>>, vector<1x16xf32>,
        %get3A_588 = arith.index_cast %scan3A_553 : i32 to index
        %get3A_589 = arith.constant 48 : index
        %get3A_590 = tpu.vector_load %arg7[%get3A_588, %get3A_589] {strides = array<i32>} : memref<200x64xf32, #tpu.memory_space<vmem>>, vector<1x16xf32>,
        %get3A_591 = vector.shape_cast %get3A_590 : vector<1x16xf32> to vector<16xf32>
        %mul3A_592 = arith.constant 8.000000e+00 : f32
        %mul3A_593 = vector.broadcast %mul3A_592 : f32 to vector<16xf32>
        %mul3A_594 = arith.mulf %get3A_591, %mul3A_593 : vector<16xf32>
        %swap3A_595 = arith.index_cast %scan3A_553 : i32 to index
        %swap3A_596 = arith.constant 48 : index
        %swap3A_597 = tpu.vector_load %arg7[%swap3A_595, %swap3A_596] {strides = array<i32>} : memref<200x64xf32, #tpu.memory_space<vmem>>, vector<1x16xf32>,
        %swap3A_598 = vector.shape_cast %swap3A_597 : vector<1x16xf32> to vector<16xf32>
        %swap3A_599 = vector.shape_cast %mul3A_594 : vector<16xf32> to vector<1x16xf32>
        tpu.vector_store %arg7[%swap3A_595, %swap3A_596], %swap3A_599 {strides = array<i32>} : memref<200x64xf32, #tpu.memory_space<vmem>>, vector<1x16xf32>,
        %scan3A_600 = arith.constant 1 : i32
        %scan3A_601 = arith.addi %scan3A_553, %scan3A_600 : i32
        %get3A_602 = arith.index_cast %scan3A_601 : i32 to index
        %get3A_603 = arith.constant 0 : index
        %get3A_604 = tpu.vector_load %arg7[%get3A_602, %get3A_603] {strides = array<i32>} : memref<200x64xf32, #tpu.memory_space<vmem>>, vector<1x16xf32>,
        %get3A_605 = vector.shape_cast %get3A_604 : vector<1x16xf32> to vector<16xf32>
        %mul3A_606 = arith.constant 8.000000e+00 : f32
        %mul3A_607 = vector.broadcast %mul3A_606 : f32 to vector<16xf32>
        %mul3A_608 = arith.mulf %get3A_605, %mul3A_607 : vector<16xf32>
        %swap3A_609 = arith.index_cast %scan3A_601 : i32 to index
        %swap3A_610 = arith.constant 0 : index
        %swap3A_611 = tpu.vector_load %arg7[%swap3A_609, %swap3A_610] {strides = array<i32>} : memref<200x64xf32, #tpu.memory_space<vmem>>, vector<1x16xf32>,
        %swap3A_612 = vector.shape_cast %swap3A_611 : vector<1x16xf32> to vector<16xf32>
        %swap3A_613 = vector.shape_cast %mul3A_608 : vector<16xf32> to vector<1x16xf32>
        tpu.vector_store %arg7[%swap3A_609, %swap3A_610], %swap3A_613 {strides = array<i32>} : memref<200x64xf32, #tpu.memory_space<vmem>>, vector<1x16xf32>,
        %get3A_614 = arith.index_cast %scan3A_601 : i32 to index
        %get3A_615 = arith.constant 16 : index
        %get3A_616 = tpu.vector_load %arg7[%get3A_614, %get3A_615] {strides = array<i32>} : memref<200x64xf32, #tpu.memory_space<vmem>>, vector<1x16xf32>,
        %get3A_617 = vector.shape_cast %get3A_616 : vector<1x16xf32> to vector<16xf32>
        %mul3A_618 = arith.constant 8.000000e+00 : f32
        %mul3A_619 = vector.broadcast %mul3A_618 : f32 to vector<16xf32>
        %mul3A_620 = arith.mulf %get3A_617, %mul3A_619 : vector<16xf32>
        %swap3A_621 = arith.index_cast %scan3A_601 : i32 to index
        %swap3A_622 = arith.constant 16 : index
        %swap3A_623 = tpu.vector_load %arg7[%swap3A_621, %swap3A_622] {strides = array<i32>} : memref<200x64xf32, #tpu.memory_space<vmem>>, vector<1x16xf32>,
        %swap3A_624 = vector.shape_cast %swap3A_623 : vector<1x16xf32> to vector<16xf32>
        %swap3A_625 = vector.shape_cast %mul3A_620 : vector<16xf32> to vector<1x16xf32>
        tpu.vector_store %arg7[%swap3A_621, %swap3A_622], %swap3A_625 {strides = array<i32>} : memref<200x64xf32, #tpu.memory_space<vmem>>, vector<1x16xf32>,
        %get3A_626 = arith.index_cast %scan3A_601 : i32 to index
        %get3A_627 = arith.constant 32 : index
        %get3A_628 = tpu.vector_load %arg7[%get3A_626, %get3A_627] {strides = array<i32>} : memref<200x64xf32, #tpu.memory_space<vmem>>, vector<1x16xf32>,
        %get3A_629 = vector.shape_cast %get3A_628 : vector<1x16xf32> to vector<16xf32>
        %mul3A_630 = arith.constant 8.000000e+00 : f32
        %mul3A_631 = vector.broadcast %mul3A_630 : f32 to vector<16xf32>
        %mul3A_632 = arith.mulf %get3A_629, %mul3A_631 : vector<16xf32>
        %swap3A_633 = arith.index_cast %scan3A_601 : i32 to index
        %swap3A_634 = arith.constant 32 : index
        %swap3A_635 = tpu.vector_load %arg7[%swap3A_633, %swap3A_634] {strides = array<i32>} : memref<200x64xf32, #tpu.memory_space<vmem>>, vector<1x16xf32>,
        %swap3A_636 = vector.shape_cast %swap3A_635 : vector<1x16xf32> to vector<16xf32>
        %swap3A_637 = vector.shape_cast %mul3A_632 : vector<16xf32> to vector<1x16xf32>
        tpu.vector_store %arg7[%swap3A_633, %swap3A_634], %swap3A_637 {strides = array<i32>} : memref<200x64xf32, #tpu.memory_space<vmem>>, vector<1x16xf32>,
        %get3A_638 = arith.index_cast %scan3A_601 : i32 to index
        %get3A_639 = arith.constant 48 : index
        %get3A_640 = tpu.vector_load %arg7[%get3A_638, %get3A_639] {strides = array<i32>} : memref<200x64xf32, #tpu.memory_space<vmem>>, vector<1x16xf32>,
        %get3A_641 = vector.shape_cast %get3A_640 : vector<1x16xf32> to vector<16xf32>
        %mul3A_642 = arith.constant 8.000000e+00 : f32
        %mul3A_643 = vector.broadcast %mul3A_642 : f32 to vector<16xf32>
        %mul3A_644 = arith.mulf %get3A_641, %mul3A_643 : vector<16xf32>
        %swap3A_645 = arith.index_cast %scan3A_601 : i32 to index
        %swap3A_646 = arith.constant 48 : index
        %swap3A_647 = tpu.vector_load %arg7[%swap3A_645, %swap3A_646] {strides = array<i32>} : memref<200x64xf32, #tpu.memory_space<vmem>>, vector<1x16xf32>,
        %swap3A_648 = vector.shape_cast %swap3A_647 : vector<1x16xf32> to vector<16xf32>
        %swap3A_649 = vector.shape_cast %mul3A_644 : vector<16xf32> to vector<1x16xf32>
        tpu.vector_store %arg7[%swap3A_645, %swap3A_646], %swap3A_649 {strides = array<i32>} : memref<200x64xf32, #tpu.memory_space<vmem>>, vector<1x16xf32>,
        %scan3A_650 = arith.constant 2 : i32
        %scan3A_651 = arith.addi %scan3A_553, %scan3A_650 : i32
        %get3A_652 = arith.index_cast %scan3A_651 : i32 to index
        %get3A_653 = arith.constant 0 : index
        %get3A_654 = tpu.vector_load %arg7[%get3A_652, %get3A_653] {strides = array<i32>} : memref<200x64xf32, #tpu.memory_space<vmem>>, vector<1x16xf32>,
        %get3A_655 = vector.shape_cast %get3A_654 : vector<1x16xf32> to vector<16xf32>
        %mul3A_656 = arith.constant 8.000000e+00 : f32
        %mul3A_657 = vector.broadcast %mul3A_656 : f32 to vector<16xf32>
        %mul3A_658 = arith.mulf %get3A_655, %mul3A_657 : vector<16xf32>
        %swap3A_659 = arith.index_cast %scan3A_651 : i32 to index
        %swap3A_660 = arith.constant 0 : index
        %swap3A_661 = tpu.vector_load %arg7[%swap3A_659, %swap3A_660] {strides = array<i32>} : memref<200x64xf32, #tpu.memory_space<vmem>>, vector<1x16xf32>,
        %swap3A_662 = vector.shape_cast %swap3A_661 : vector<1x16xf32> to vector<16xf32>
        %swap3A_663 = vector.shape_cast %mul3A_658 : vector<16xf32> to vector<1x16xf32>
        tpu.vector_store %arg7[%swap3A_659, %swap3A_660], %swap3A_663 {strides = array<i32>} : memref<200x64xf32, #tpu.memory_space<vmem>>, vector<1x16xf32>,
        %get3A_664 = arith.index_cast %scan3A_651 : i32 to index
        %get3A_665 = arith.constant 16 : index
        %get3A_666 = tpu.vector_load %arg7[%get3A_664, %get3A_665] {strides = array<i32>} : memref<200x64xf32, #tpu.memory_space<vmem>>, vector<1x16xf32>,
        %get3A_667 = vector.shape_cast %get3A_666 : vector<1x16xf32> to vector<16xf32>
        %mul3A_668 = arith.constant 8.000000e+00 : f32
        %mul3A_669 = vector.broadcast %mul3A_668 : f32 to vector<16xf32>
        %mul3A_670 = arith.mulf %get3A_667, %mul3A_669 : vector<16xf32>
        %swap3A_671 = arith.index_cast %scan3A_651 : i32 to index
        %swap3A_672 = arith.constant 16 : index
        %swap3A_673 = tpu.vector_load %arg7[%swap3A_671, %swap3A_672] {strides = array<i32>} : memref<200x64xf32, #tpu.memory_space<vmem>>, vector<1x16xf32>,
        %swap3A_674 = vector.shape_cast %swap3A_673 : vector<1x16xf32> to vector<16xf32>
        %swap3A_675 = vector.shape_cast %mul3A_670 : vector<16xf32> to vector<1x16xf32>
        tpu.vector_store %arg7[%swap3A_671, %swap3A_672], %swap3A_675 {strides = array<i32>} : memref<200x64xf32, #tpu.memory_space<vmem>>, vector<1x16xf32>,
        %get3A_676 = arith.index_cast %scan3A_651 : i32 to index
        %get3A_677 = arith.constant 32 : index
        %get3A_678 = tpu.vector_load %arg7[%get3A_676, %get3A_677] {strides = array<i32>} : memref<200x64xf32, #tpu.memory_space<vmem>>, vector<1x16xf32>,
        %get3A_679 = vector.shape_cast %get3A_678 : vector<1x16xf32> to vector<16xf32>
        %mul3A_680 = arith.constant 8.000000e+00 : f32
        %mul3A_681 = vector.broadcast %mul3A_680 : f32 to vector<16xf32>
        %mul3A_682 = arith.mulf %get3A_679, %mul3A_681 : vector<16xf32>
        %swap3A_683 = arith.index_cast %scan3A_651 : i32 to index
        %swap3A_684 = arith.constant 32 : index
        %swap3A_685 = tpu.vector_load %arg7[%swap3A_683, %swap3A_684] {strides = array<i32>} : memref<200x64xf32, #tpu.memory_space<vmem>>, vector<1x16xf32>,
        %swap3A_686 = vector.shape_cast %swap3A_685 : vector<1x16xf32> to vector<16xf32>
        %swap3A_687 = vector.shape_cast %mul3A_682 : vector<16xf32> to vector<1x16xf32>
        tpu.vector_store %arg7[%swap3A_683, %swap3A_684], %swap3A_687 {strides = array<i32>} : memref<200x64xf32, #tpu.memory_space<vmem>>, vector<1x16xf32>,
        %get3A_688 = arith.index_cast %scan3A_651 : i32 to index
        %get3A_689 = arith.constant 48 : index
        %get3A_690 = tpu.vector_load %arg7[%get3A_688, %get3A_689] {strides = array<i32>} : memref<200x64xf32, #tpu.memory_space<vmem>>, vector<1x16xf32>,
        %get3A_691 = vector.shape_cast %get3A_690 : vector<1x16xf32> to vector<16xf32>
        %mul3A_692 = arith.constant 8.000000e+00 : f32
        %mul3A_693 = vector.broadcast %mul3A_692 : f32 to vector<16xf32>
        %mul3A_694 = arith.mulf %get3A_691, %mul3A_693 : vector<16xf32>
        %swap3A_695 = arith.index_cast %scan3A_651 : i32 to index
        %swap3A_696 = arith.constant 48 : index
        %swap3A_697 = tpu.vector_load %arg7[%swap3A_695, %swap3A_696] {strides = array<i32>} : memref<200x64xf32, #tpu.memory_space<vmem>>, vector<1x16xf32>,
        %swap3A_698 = vector.shape_cast %swap3A_697 : vector<1x16xf32> to vector<16xf32>
        %swap3A_699 = vector.shape_cast %mul3A_694 : vector<16xf32> to vector<1x16xf32>
        tpu.vector_store %arg7[%swap3A_695, %swap3A_696], %swap3A_699 {strides = array<i32>} : memref<200x64xf32, #tpu.memory_space<vmem>>, vector<1x16xf32>,
        %scan3A_700 = arith.constant 3 : i32
        %scan3A_701 = arith.addi %scan3A_553, %scan3A_700 : i32
        %get3A_702 = arith.index_cast %scan3A_701 : i32 to index
        %get3A_703 = arith.constant 0 : index
        %get3A_704 = tpu.vector_load %arg7[%get3A_702, %get3A_703] {strides = array<i32>} : memref<200x64xf32, #tpu.memory_space<vmem>>, vector<1x16xf32>,
        %get3A_705 = vector.shape_cast %get3A_704 : vector<1x16xf32> to vector<16xf32>
        %mul3A_706 = arith.constant 8.000000e+00 : f32
        %mul3A_707 = vector.broadcast %mul3A_706 : f32 to vector<16xf32>
        %mul3A_708 = arith.mulf %get3A_705, %mul3A_707 : vector<16xf32>
        %swap3A_709 = arith.index_cast %scan3A_701 : i32 to index
        %swap3A_710 = arith.constant 0 : index
        %swap3A_711 = tpu.vector_load %arg7[%swap3A_709, %swap3A_710] {strides = array<i32>} : memref<200x64xf32, #tpu.memory_space<vmem>>, vector<1x16xf32>,
        %swap3A_712 = vector.shape_cast %swap3A_711 : vector<1x16xf32> to vector<16xf32>
        %swap3A_713 = vector.shape_cast %mul3A_708 : vector<16xf32> to vector<1x16xf32>
        tpu.vector_store %arg7[%swap3A_709, %swap3A_710], %swap3A_713 {strides = array<i32>} : memref<200x64xf32, #tpu.memory_space<vmem>>, vector<1x16xf32>,
        %get3A_714 = arith.index_cast %scan3A_701 : i32 to index
        %get3A_715 = arith.constant 16 : index
        %get3A_716 = tpu.vector_load %arg7[%get3A_714, %get3A_715] {strides = array<i32>} : memref<200x64xf32, #tpu.memory_space<vmem>>, vector<1x16xf32>,
        %get3A_717 = vector.shape_cast %get3A_716 : vector<1x16xf32> to vector<16xf32>
        %mul3A_718 = arith.constant 8.000000e+00 : f32
        %mul3A_719 = vector.broadcast %mul3A_718 : f32 to vector<16xf32>
        %mul3A_720 = arith.mulf %get3A_717, %mul3A_719 : vector<16xf32>
        %swap3A_721 = arith.index_cast %scan3A_701 : i32 to index
        %swap3A_722 = arith.constant 16 : index
        %swap3A_723 = tpu.vector_load %arg7[%swap3A_721, %swap3A_722] {strides = array<i32>} : memref<200x64xf32, #tpu.memory_space<vmem>>, vector<1x16xf32>,
        %swap3A_724 = vector.shape_cast %swap3A_723 : vector<1x16xf32> to vector<16xf32>
        %swap3A_725 = vector.shape_cast %mul3A_720 : vector<16xf32> to vector<1x16xf32>
        tpu.vector_store %arg7[%swap3A_721, %swap3A_722], %swap3A_725 {strides = array<i32>} : memref<200x64xf32, #tpu.memory_space<vmem>>, vector<1x16xf32>,
        %get3A_726 = arith.index_cast %scan3A_701 : i32 to index
        %get3A_727 = arith.constant 32 : index
        %get3A_728 = tpu.vector_load %arg7[%get3A_726, %get3A_727] {strides = array<i32>} : memref<200x64xf32, #tpu.memory_space<vmem>>, vector<1x16xf32>,
        %get3A_729 = vector.shape_cast %get3A_728 : vector<1x16xf32> to vector<16xf32>
        %mul3A_730 = arith.constant 8.000000e+00 : f32
        %mul3A_731 = vector.broadcast %mul3A_730 : f32 to vector<16xf32>
        %mul3A_732 = arith.mulf %get3A_729, %mul3A_731 : vector<16xf32>
        %swap3A_733 = arith.index_cast %scan3A_701 : i32 to index
        %swap3A_734 = arith.constant 32 : index
        %swap3A_735 = tpu.vector_load %arg7[%swap3A_733, %swap3A_734] {strides = array<i32>} : memref<200x64xf32, #tpu.memory_space<vmem>>, vector<1x16xf32>,
        %swap3A_736 = vector.shape_cast %swap3A_735 : vector<1x16xf32> to vector<16xf32>
        %swap3A_737 = vector.shape_cast %mul3A_732 : vector<16xf32> to vector<1x16xf32>
        tpu.vector_store %arg7[%swap3A_733, %swap3A_734], %swap3A_737 {strides = array<i32>} : memref<200x64xf32, #tpu.memory_space<vmem>>, vector<1x16xf32>,
        %get3A_738 = arith.index_cast %scan3A_701 : i32 to index
        %get3A_739 = arith.constant 48 : index
        %get3A_740 = tpu.vector_load %arg7[%get3A_738, %get3A_739] {strides = array<i32>} : memref<200x64xf32, #tpu.memory_space<vmem>>, vector<1x16xf32>,
        %get3A_741 = vector.shape_cast %get3A_740 : vector<1x16xf32> to vector<16xf32>
        %mul3A_742 = arith.constant 8.000000e+00 : f32
        %mul3A_743 = vector.broadcast %mul3A_742 : f32 to vector<16xf32>
        %mul3A_744 = arith.mulf %get3A_741, %mul3A_743 : vector<16xf32>
        %swap3A_745 = arith.index_cast %scan3A_701 : i32 to index
        %swap3A_746 = arith.constant 48 : index
        %swap3A_747 = tpu.vector_load %arg7[%swap3A_745, %swap3A_746] {strides = array<i32>} : memref<200x64xf32, #tpu.memory_space<vmem>>, vector<1x16xf32>,
        %swap3A_748 = vector.shape_cast %swap3A_747 : vector<1x16xf32> to vector<16xf32>
        %swap3A_749 = vector.shape_cast %mul3A_744 : vector<16xf32> to vector<1x16xf32>
        tpu.vector_store %arg7[%swap3A_745, %swap3A_746], %swap3A_749 {strides = array<i32>} : memref<200x64xf32, #tpu.memory_space<vmem>>, vector<1x16xf32>,
      }
      %scan3A_335 = arith.constant 200 : i32
      %add3A_336 = arith.constant 1 : i32
      %add3A_337 = arith.addi %mul3A_272, %add3A_336 : i32
      %add3A_338 = arith.addi %mul3A_2, %add3A_337 : i32
      %dma_start3A_339 = arith.constant 0 : i32
      %dma_start3A_340 = arith.constant 0 : i32
      %dma_start3A_341 = tpu.memref_slice %arg4[%add3A_338, %dma_start3A_339, %dma_start3A_340] : memref<4096x200x64xf32, #tpu.memory_space<hbm>> -> memref<1x200x64xf32, #tpu.memory_space<hbm>>
      %dma_start3A_342 = tpu.memref_squeeze %dma_start3A_341 : memref<1x200x64xf32, #tpu.memory_space<hbm>> -> memref<200x64xf32, #tpu.memory_space<hbm>>
      %dma_start3A_343 = arith.constant 0 : i32
      %dma_start3A_344 = arith.constant 0 : i32
      %dma_start3A_345 = tpu.memref_slice %arg4[%add3A_338, %dma_start3A_343, %dma_start3A_344] : memref<4096x200x64xf32, #tpu.memory_space<hbm>> -> memref<1x200x64xf32, #tpu.memory_space<hbm>>
      %dma_start3A_346 = tpu.memref_squeeze %dma_start3A_345 : memref<1x200x64xf32, #tpu.memory_space<hbm>> -> memref<200x64xf32, #tpu.memory_space<hbm>>
      tpu.enqueue_dma source(%arg7 : memref<200x64xf32, #tpu.memory_space<vmem>>) target(%dma_start3A_346 : memref<200x64xf32, #tpu.memory_space<hbm>>) target_semaphore(%arg15 : memref<!tpu.dma_semaphore, #tpu.memory_space<semaphore_mem>>)
      %add3A_347 = arith.constant 2 : i32
      %add3A_348 = arith.addi %mul3A_272, %add3A_347 : i32
      %dma_wait3A_349 = arith.constant 0 : i32
      %dma_wait3A_350 = arith.constant 0 : i32
      %dma_wait3A_351 = tpu.memref_slice %arg8[%dma_wait3A_349, %dma_wait3A_350] : memref<200x64xf32, #tpu.memory_space<vmem>> -> memref<104x64xf32, #tpu.memory_space<vmem>>
      %dma_wait3A_352 = arith.constant 0 : i32
      %dma_wait3A_353 = tpu.memref_slice %arg5[%add3A_348, %dma_wait3A_352] : memref<128x200xi32, #tpu.memory_space<vmem>> -> memref<1x104xi32, #tpu.memory_space<vmem>>
      %dma_wait3A_354 = tpu.memref_squeeze %dma_wait3A_353 : memref<1x104xi32, #tpu.memory_space<vmem>> -> memref<104xi32, #tpu.memory_space<vmem>>
      %dma_wait3A_355 = arith.constant 0 : i32
      %dma_wait3A_356 = arith.constant 0 : i32
      %dma_wait3A_357 = tpu.memref_slice %arg3[%dma_wait3A_355, %dma_wait3A_356] : memref<1000000x64xf32, #tpu.memory_space<hbm>> -> memref<1000000x64xf32, #tpu.memory_space<hbm>>
      tpu.wait_indirect_dma semaphore(%arg12 : memref<!tpu.dma_semaphore, #tpu.memory_space<semaphore_mem>>) src(%dma_wait3A_357 : memref<1000000x64xf32, #tpu.memory_space<hbm>>) dst(%dma_wait3A_351 : memref<104x64xf32, #tpu.memory_space<vmem>>)
      %dma_wait3A_358 = arith.constant 104 : i32
      %dma_wait3A_359 = arith.constant 0 : i32
      %dma_wait3A_360 = tpu.memref_slice %arg8[%dma_wait3A_358, %dma_wait3A_359] : memref<200x64xf32, #tpu.memory_space<vmem>> -> memref<96x64xf32, #tpu.memory_space<vmem>>
      %dma_wait3A_361 = arith.constant 104 : i32
      %dma_wait3A_362 = tpu.memref_slice %arg5[%add3A_348, %dma_wait3A_361] : memref<128x200xi32, #tpu.memory_space<vmem>> -> memref<1x96xi32, #tpu.memory_space<vmem>>
      %dma_wait3A_363 = tpu.memref_squeeze %dma_wait3A_362 : memref<1x96xi32, #tpu.memory_space<vmem>> -> memref<96xi32, #tpu.memory_space<vmem>>
      %dma_wait3A_364 = arith.constant 0 : i32
      %dma_wait3A_365 = arith.constant 0 : i32
      %dma_wait3A_366 = tpu.memref_slice %arg3[%dma_wait3A_364, %dma_wait3A_365] : memref<1000000x64xf32, #tpu.memory_space<hbm>> -> memref<1000000x64xf32, #tpu.memory_space<hbm>>
      tpu.wait_indirect_dma semaphore(%arg12 : memref<!tpu.dma_semaphore, #tpu.memory_space<semaphore_mem>>) src(%dma_wait3A_366 : memref<1000000x64xf32, #tpu.memory_space<hbm>>) dst(%dma_wait3A_360 : memref<96x64xf32, #tpu.memory_space<vmem>>)
      %scan3A_367 = arith.constant 0 : i32
      %scan3A_368 = arith.constant 0 : i32
      %scan3A_369 = arith.constant 200 : i32
      %scan3A_370 = arith.addi %scan3A_368, %scan3A_369 : i32
      %scan3A_371 = arith.constant 4 : i32
      scf.for %scan3A_553 = %scan3A_368 to %scan3A_370 step %scan3A_371  : i32 {
        %get3A = arith.index_cast %scan3A_553 : i32 to index
        %get3A_554 = arith.constant 0 : index
        %get3A_555 = tpu.vector_load %arg8[%get3A, %get3A_554] {strides = array<i32>} : memref<200x64xf32, #tpu.memory_space<vmem>>, vector<1x16xf32>,
        %get3A_556 = vector.shape_cast %get3A_555 : vector<1x16xf32> to vector<16xf32>
        %mul3A_557 = arith.constant 8.000000e+00 : f32
        %mul3A_558 = vector.broadcast %mul3A_557 : f32 to vector<16xf32>
        %mul3A_559 = arith.mulf %get3A_556, %mul3A_558 : vector<16xf32>
        %swap3A = arith.index_cast %scan3A_553 : i32 to index
        %swap3A_560 = arith.constant 0 : index
        %swap3A_561 = tpu.vector_load %arg8[%swap3A, %swap3A_560] {strides = array<i32>} : memref<200x64xf32, #tpu.memory_space<vmem>>, vector<1x16xf32>,
        %swap3A_562 = vector.shape_cast %swap3A_561 : vector<1x16xf32> to vector<16xf32>
        %swap3A_563 = vector.shape_cast %mul3A_559 : vector<16xf32> to vector<1x16xf32>
        tpu.vector_store %arg8[%swap3A, %swap3A_560], %swap3A_563 {strides = array<i32>} : memref<200x64xf32, #tpu.memory_space<vmem>>, vector<1x16xf32>,
        %get3A_564 = arith.index_cast %scan3A_553 : i32 to index
        %get3A_565 = arith.constant 16 : index
        %get3A_566 = tpu.vector_load %arg8[%get3A_564, %get3A_565] {strides = array<i32>} : memref<200x64xf32, #tpu.memory_space<vmem>>, vector<1x16xf32>,
        %get3A_567 = vector.shape_cast %get3A_566 : vector<1x16xf32> to vector<16xf32>
        %mul3A_568 = arith.constant 8.000000e+00 : f32
        %mul3A_569 = vector.broadcast %mul3A_568 : f32 to vector<16xf32>
        %mul3A_570 = arith.mulf %get3A_567, %mul3A_569 : vector<16xf32>
        %swap3A_571 = arith.index_cast %scan3A_553 : i32 to index
        %swap3A_572 = arith.constant 16 : index
        %swap3A_573 = tpu.vector_load %arg8[%swap3A_571, %swap3A_572] {strides = array<i32>} : memref<200x64xf32, #tpu.memory_space<vmem>>, vector<1x16xf32>,
        %swap3A_574 = vector.shape_cast %swap3A_573 : vector<1x16xf32> to vector<16xf32>
        %swap3A_575 = vector.shape_cast %mul3A_570 : vector<16xf32> to vector<1x16xf32>
        tpu.vector_store %arg8[%swap3A_571, %swap3A_572], %swap3A_575 {strides = array<i32>} : memref<200x64xf32, #tpu.memory_space<vmem>>, vector<1x16xf32>,
        %get3A_576 = arith.index_cast %scan3A_553 : i32 to index
        %get3A_577 = arith.constant 32 : index
        %get3A_578 = tpu.vector_load %arg8[%get3A_576, %get3A_577] {strides = array<i32>} : memref<200x64xf32, #tpu.memory_space<vmem>>, vector<1x16xf32>,
        %get3A_579 = vector.shape_cast %get3A_578 : vector<1x16xf32> to vector<16xf32>
        %mul3A_580 = arith.constant 8.000000e+00 : f32
        %mul3A_581 = vector.broadcast %mul3A_580 : f32 to vector<16xf32>
        %mul3A_582 = arith.mulf %get3A_579, %mul3A_581 : vector<16xf32>
        %swap3A_583 = arith.index_cast %scan3A_553 : i32 to index
        %swap3A_584 = arith.constant 32 : index
        %swap3A_585 = tpu.vector_load %arg8[%swap3A_583, %swap3A_584] {strides = array<i32>} : memref<200x64xf32, #tpu.memory_space<vmem>>, vector<1x16xf32>,
        %swap3A_586 = vector.shape_cast %swap3A_585 : vector<1x16xf32> to vector<16xf32>
        %swap3A_587 = vector.shape_cast %mul3A_582 : vector<16xf32> to vector<1x16xf32>
        tpu.vector_store %arg8[%swap3A_583, %swap3A_584], %swap3A_587 {strides = array<i32>} : memref<200x64xf32, #tpu.memory_space<vmem>>, vector<1x16xf32>,
        %get3A_588 = arith.index_cast %scan3A_553 : i32 to index
        %get3A_589 = arith.constant 48 : index
        %get3A_590 = tpu.vector_load %arg8[%get3A_588, %get3A_589] {strides = array<i32>} : memref<200x64xf32, #tpu.memory_space<vmem>>, vector<1x16xf32>,
        %get3A_591 = vector.shape_cast %get3A_590 : vector<1x16xf32> to vector<16xf32>
        %mul3A_592 = arith.constant 8.000000e+00 : f32
        %mul3A_593 = vector.broadcast %mul3A_592 : f32 to vector<16xf32>
        %mul3A_594 = arith.mulf %get3A_591, %mul3A_593 : vector<16xf32>
        %swap3A_595 = arith.index_cast %scan3A_553 : i32 to index
        %swap3A_596 = arith.constant 48 : index
        %swap3A_597 = tpu.vector_load %arg8[%swap3A_595, %swap3A_596] {strides = array<i32>} : memref<200x64xf32, #tpu.memory_space<vmem>>, vector<1x16xf32>,
        %swap3A_598 = vector.shape_cast %swap3A_597 : vector<1x16xf32> to vector<16xf32>
        %swap3A_599 = vector.shape_cast %mul3A_594 : vector<16xf32> to vector<1x16xf32>
        tpu.vector_store %arg8[%swap3A_595, %swap3A_596], %swap3A_599 {strides = array<i32>} : memref<200x64xf32, #tpu.memory_space<vmem>>, vector<1x16xf32>,
        %scan3A_600 = arith.constant 1 : i32
        %scan3A_601 = arith.addi %scan3A_553, %scan3A_600 : i32
        %get3A_602 = arith.index_cast %scan3A_601 : i32 to index
        %get3A_603 = arith.constant 0 : index
        %get3A_604 = tpu.vector_load %arg8[%get3A_602, %get3A_603] {strides = array<i32>} : memref<200x64xf32, #tpu.memory_space<vmem>>, vector<1x16xf32>,
        %get3A_605 = vector.shape_cast %get3A_604 : vector<1x16xf32> to vector<16xf32>
        %mul3A_606 = arith.constant 8.000000e+00 : f32
        %mul3A_607 = vector.broadcast %mul3A_606 : f32 to vector<16xf32>
        %mul3A_608 = arith.mulf %get3A_605, %mul3A_607 : vector<16xf32>
        %swap3A_609 = arith.index_cast %scan3A_601 : i32 to index
        %swap3A_610 = arith.constant 0 : index
        %swap3A_611 = tpu.vector_load %arg8[%swap3A_609, %swap3A_610] {strides = array<i32>} : memref<200x64xf32, #tpu.memory_space<vmem>>, vector<1x16xf32>,
        %swap3A_612 = vector.shape_cast %swap3A_611 : vector<1x16xf32> to vector<16xf32>
        %swap3A_613 = vector.shape_cast %mul3A_608 : vector<16xf32> to vector<1x16xf32>
        tpu.vector_store %arg8[%swap3A_609, %swap3A_610], %swap3A_613 {strides = array<i32>} : memref<200x64xf32, #tpu.memory_space<vmem>>, vector<1x16xf32>,
        %get3A_614 = arith.index_cast %scan3A_601 : i32 to index
        %get3A_615 = arith.constant 16 : index
        %get3A_616 = tpu.vector_load %arg8[%get3A_614, %get3A_615] {strides = array<i32>} : memref<200x64xf32, #tpu.memory_space<vmem>>, vector<1x16xf32>,
        %get3A_617 = vector.shape_cast %get3A_616 : vector<1x16xf32> to vector<16xf32>
        %mul3A_618 = arith.constant 8.000000e+00 : f32
        %mul3A_619 = vector.broadcast %mul3A_618 : f32 to vector<16xf32>
        %mul3A_620 = arith.mulf %get3A_617, %mul3A_619 : vector<16xf32>
        %swap3A_621 = arith.index_cast %scan3A_601 : i32 to index
        %swap3A_622 = arith.constant 16 : index
        %swap3A_623 = tpu.vector_load %arg8[%swap3A_621, %swap3A_622] {strides = array<i32>} : memref<200x64xf32, #tpu.memory_space<vmem>>, vector<1x16xf32>,
        %swap3A_624 = vector.shape_cast %swap3A_623 : vector<1x16xf32> to vector<16xf32>
        %swap3A_625 = vector.shape_cast %mul3A_620 : vector<16xf32> to vector<1x16xf32>
        tpu.vector_store %arg8[%swap3A_621, %swap3A_622], %swap3A_625 {strides = array<i32>} : memref<200x64xf32, #tpu.memory_space<vmem>>, vector<1x16xf32>,
        %get3A_626 = arith.index_cast %scan3A_601 : i32 to index
        %get3A_627 = arith.constant 32 : index
        %get3A_628 = tpu.vector_load %arg8[%get3A_626, %get3A_627] {strides = array<i32>} : memref<200x64xf32, #tpu.memory_space<vmem>>, vector<1x16xf32>,
        %get3A_629 = vector.shape_cast %get3A_628 : vector<1x16xf32> to vector<16xf32>
        %mul3A_630 = arith.constant 8.000000e+00 : f32
        %mul3A_631 = vector.broadcast %mul3A_630 : f32 to vector<16xf32>
        %mul3A_632 = arith.mulf %get3A_629, %mul3A_631 : vector<16xf32>
        %swap3A_633 = arith.index_cast %scan3A_601 : i32 to index
        %swap3A_634 = arith.constant 32 : index
        %swap3A_635 = tpu.vector_load %arg8[%swap3A_633, %swap3A_634] {strides = array<i32>} : memref<200x64xf32, #tpu.memory_space<vmem>>, vector<1x16xf32>,
        %swap3A_636 = vector.shape_cast %swap3A_635 : vector<1x16xf32> to vector<16xf32>
        %swap3A_637 = vector.shape_cast %mul3A_632 : vector<16xf32> to vector<1x16xf32>
        tpu.vector_store %arg8[%swap3A_633, %swap3A_634], %swap3A_637 {strides = array<i32>} : memref<200x64xf32, #tpu.memory_space<vmem>>, vector<1x16xf32>,
        %get3A_638 = arith.index_cast %scan3A_601 : i32 to index
        %get3A_639 = arith.constant 48 : index
        %get3A_640 = tpu.vector_load %arg8[%get3A_638, %get3A_639] {strides = array<i32>} : memref<200x64xf32, #tpu.memory_space<vmem>>, vector<1x16xf32>,
        %get3A_641 = vector.shape_cast %get3A_640 : vector<1x16xf32> to vector<16xf32>
        %mul3A_642 = arith.constant 8.000000e+00 : f32
        %mul3A_643 = vector.broadcast %mul3A_642 : f32 to vector<16xf32>
        %mul3A_644 = arith.mulf %get3A_641, %mul3A_643 : vector<16xf32>
        %swap3A_645 = arith.index_cast %scan3A_601 : i32 to index
        %swap3A_646 = arith.constant 48 : index
        %swap3A_647 = tpu.vector_load %arg8[%swap3A_645, %swap3A_646] {strides = array<i32>} : memref<200x64xf32, #tpu.memory_space<vmem>>, vector<1x16xf32>,
        %swap3A_648 = vector.shape_cast %swap3A_647 : vector<1x16xf32> to vector<16xf32>
        %swap3A_649 = vector.shape_cast %mul3A_644 : vector<16xf32> to vector<1x16xf32>
        tpu.vector_store %arg8[%swap3A_645, %swap3A_646], %swap3A_649 {strides = array<i32>} : memref<200x64xf32, #tpu.memory_space<vmem>>, vector<1x16xf32>,
        %scan3A_650 = arith.constant 2 : i32
        %scan3A_651 = arith.addi %scan3A_553, %scan3A_650 : i32
        %get3A_652 = arith.index_cast %scan3A_651 : i32 to index
        %get3A_653 = arith.constant 0 : index
        %get3A_654 = tpu.vector_load %arg8[%get3A_652, %get3A_653] {strides = array<i32>} : memref<200x64xf32, #tpu.memory_space<vmem>>, vector<1x16xf32>,
        %get3A_655 = vector.shape_cast %get3A_654 : vector<1x16xf32> to vector<16xf32>
        %mul3A_656 = arith.constant 8.000000e+00 : f32
        %mul3A_657 = vector.broadcast %mul3A_656 : f32 to vector<16xf32>
        %mul3A_658 = arith.mulf %get3A_655, %mul3A_657 : vector<16xf32>
        %swap3A_659 = arith.index_cast %scan3A_651 : i32 to index
        %swap3A_660 = arith.constant 0 : index
        %swap3A_661 = tpu.vector_load %arg8[%swap3A_659, %swap3A_660] {strides = array<i32>} : memref<200x64xf32, #tpu.memory_space<vmem>>, vector<1x16xf32>,
        %swap3A_662 = vector.shape_cast %swap3A_661 : vector<1x16xf32> to vector<16xf32>
        %swap3A_663 = vector.shape_cast %mul3A_658 : vector<16xf32> to vector<1x16xf32>
        tpu.vector_store %arg8[%swap3A_659, %swap3A_660], %swap3A_663 {strides = array<i32>} : memref<200x64xf32, #tpu.memory_space<vmem>>, vector<1x16xf32>,
        %get3A_664 = arith.index_cast %scan3A_651 : i32 to index
        %get3A_665 = arith.constant 16 : index
        %get3A_666 = tpu.vector_load %arg8[%get3A_664, %get3A_665] {strides = array<i32>} : memref<200x64xf32, #tpu.memory_space<vmem>>, vector<1x16xf32>,
        %get3A_667 = vector.shape_cast %get3A_666 : vector<1x16xf32> to vector<16xf32>
        %mul3A_668 = arith.constant 8.000000e+00 : f32
        %mul3A_669 = vector.broadcast %mul3A_668 : f32 to vector<16xf32>
        %mul3A_670 = arith.mulf %get3A_667, %mul3A_669 : vector<16xf32>
        %swap3A_671 = arith.index_cast %scan3A_651 : i32 to index
        %swap3A_672 = arith.constant 16 : index
        %swap3A_673 = tpu.vector_load %arg8[%swap3A_671, %swap3A_672] {strides = array<i32>} : memref<200x64xf32, #tpu.memory_space<vmem>>, vector<1x16xf32>,
        %swap3A_674 = vector.shape_cast %swap3A_673 : vector<1x16xf32> to vector<16xf32>
        %swap3A_675 = vector.shape_cast %mul3A_670 : vector<16xf32> to vector<1x16xf32>
        tpu.vector_store %arg8[%swap3A_671, %swap3A_672], %swap3A_675 {strides = array<i32>} : memref<200x64xf32, #tpu.memory_space<vmem>>, vector<1x16xf32>,
        %get3A_676 = arith.index_cast %scan3A_651 : i32 to index
        %get3A_677 = arith.constant 32 : index
        %get3A_678 = tpu.vector_load %arg8[%get3A_676, %get3A_677] {strides = array<i32>} : memref<200x64xf32, #tpu.memory_space<vmem>>, vector<1x16xf32>,
        %get3A_679 = vector.shape_cast %get3A_678 : vector<1x16xf32> to vector<16xf32>
        %mul3A_680 = arith.constant 8.000000e+00 : f32
        %mul3A_681 = vector.broadcast %mul3A_680 : f32 to vector<16xf32>
        %mul3A_682 = arith.mulf %get3A_679, %mul3A_681 : vector<16xf32>
        %swap3A_683 = arith.index_cast %scan3A_651 : i32 to index
        %swap3A_684 = arith.constant 32 : index
        %swap3A_685 = tpu.vector_load %arg8[%swap3A_683, %swap3A_684] {strides = array<i32>} : memref<200x64xf32, #tpu.memory_space<vmem>>, vector<1x16xf32>,
        %swap3A_686 = vector.shape_cast %swap3A_685 : vector<1x16xf32> to vector<16xf32>
        %swap3A_687 = vector.shape_cast %mul3A_682 : vector<16xf32> to vector<1x16xf32>
        tpu.vector_store %arg8[%swap3A_683, %swap3A_684], %swap3A_687 {strides = array<i32>} : memref<200x64xf32, #tpu.memory_space<vmem>>, vector<1x16xf32>,
        %get3A_688 = arith.index_cast %scan3A_651 : i32 to index
        %get3A_689 = arith.constant 48 : index
        %get3A_690 = tpu.vector_load %arg8[%get3A_688, %get3A_689] {strides = array<i32>} : memref<200x64xf32, #tpu.memory_space<vmem>>, vector<1x16xf32>,
        %get3A_691 = vector.shape_cast %get3A_690 : vector<1x16xf32> to vector<16xf32>
        %mul3A_692 = arith.constant 8.000000e+00 : f32
        %mul3A_693 = vector.broadcast %mul3A_692 : f32 to vector<16xf32>
        %mul3A_694 = arith.mulf %get3A_691, %mul3A_693 : vector<16xf32>
        %swap3A_695 = arith.index_cast %scan3A_651 : i32 to index
        %swap3A_696 = arith.constant 48 : index
        %swap3A_697 = tpu.vector_load %arg8[%swap3A_695, %swap3A_696] {strides = array<i32>} : memref<200x64xf32, #tpu.memory_space<vmem>>, vector<1x16xf32>,
        %swap3A_698 = vector.shape_cast %swap3A_697 : vector<1x16xf32> to vector<16xf32>
        %swap3A_699 = vector.shape_cast %mul3A_694 : vector<16xf32> to vector<1x16xf32>
        tpu.vector_store %arg8[%swap3A_695, %swap3A_696], %swap3A_699 {strides = array<i32>} : memref<200x64xf32, #tpu.memory_space<vmem>>, vector<1x16xf32>,
        %scan3A_700 = arith.constant 3 : i32
        %scan3A_701 = arith.addi %scan3A_553, %scan3A_700 : i32
        %get3A_702 = arith.index_cast %scan3A_701 : i32 to index
        %get3A_703 = arith.constant 0 : index
        %get3A_704 = tpu.vector_load %arg8[%get3A_702, %get3A_703] {strides = array<i32>} : memref<200x64xf32, #tpu.memory_space<vmem>>, vector<1x16xf32>,
        %get3A_705 = vector.shape_cast %get3A_704 : vector<1x16xf32> to vector<16xf32>
        %mul3A_706 = arith.constant 8.000000e+00 : f32
        %mul3A_707 = vector.broadcast %mul3A_706 : f32 to vector<16xf32>
        %mul3A_708 = arith.mulf %get3A_705, %mul3A_707 : vector<16xf32>
        %swap3A_709 = arith.index_cast %scan3A_701 : i32 to index
        %swap3A_710 = arith.constant 0 : index
        %swap3A_711 = tpu.vector_load %arg8[%swap3A_709, %swap3A_710] {strides = array<i32>} : memref<200x64xf32, #tpu.memory_space<vmem>>, vector<1x16xf32>,
        %swap3A_712 = vector.shape_cast %swap3A_711 : vector<1x16xf32> to vector<16xf32>
        %swap3A_713 = vector.shape_cast %mul3A_708 : vector<16xf32> to vector<1x16xf32>
        tpu.vector_store %arg8[%swap3A_709, %swap3A_710], %swap3A_713 {strides = array<i32>} : memref<200x64xf32, #tpu.memory_space<vmem>>, vector<1x16xf32>,
        %get3A_714 = arith.index_cast %scan3A_701 : i32 to index
        %get3A_715 = arith.constant 16 : index
        %get3A_716 = tpu.vector_load %arg8[%get3A_714, %get3A_715] {strides = array<i32>} : memref<200x64xf32, #tpu.memory_space<vmem>>, vector<1x16xf32>,
        %get3A_717 = vector.shape_cast %get3A_716 : vector<1x16xf32> to vector<16xf32>
        %mul3A_718 = arith.constant 8.000000e+00 : f32
        %mul3A_719 = vector.broadcast %mul3A_718 : f32 to vector<16xf32>
        %mul3A_720 = arith.mulf %get3A_717, %mul3A_719 : vector<16xf32>
        %swap3A_721 = arith.index_cast %scan3A_701 : i32 to index
        %swap3A_722 = arith.constant 16 : index
        %swap3A_723 = tpu.vector_load %arg8[%swap3A_721, %swap3A_722] {strides = array<i32>} : memref<200x64xf32, #tpu.memory_space<vmem>>, vector<1x16xf32>,
        %swap3A_724 = vector.shape_cast %swap3A_723 : vector<1x16xf32> to vector<16xf32>
        %swap3A_725 = vector.shape_cast %mul3A_720 : vector<16xf32> to vector<1x16xf32>
        tpu.vector_store %arg8[%swap3A_721, %swap3A_722], %swap3A_725 {strides = array<i32>} : memref<200x64xf32, #tpu.memory_space<vmem>>, vector<1x16xf32>,
        %get3A_726 = arith.index_cast %scan3A_701 : i32 to index
        %get3A_727 = arith.constant 32 : index
        %get3A_728 = tpu.vector_load %arg8[%get3A_726, %get3A_727] {strides = array<i32>} : memref<200x64xf32, #tpu.memory_space<vmem>>, vector<1x16xf32>,
        %get3A_729 = vector.shape_cast %get3A_728 : vector<1x16xf32> to vector<16xf32>
        %mul3A_730 = arith.constant 8.000000e+00 : f32
        %mul3A_731 = vector.broadcast %mul3A_730 : f32 to vector<16xf32>
        %mul3A_732 = arith.mulf %get3A_729, %mul3A_731 : vector<16xf32>
        %swap3A_733 = arith.index_cast %scan3A_701 : i32 to index
        %swap3A_734 = arith.constant 32 : index
        %swap3A_735 = tpu.vector_load %arg8[%swap3A_733, %swap3A_734] {strides = array<i32>} : memref<200x64xf32, #tpu.memory_space<vmem>>, vector<1x16xf32>,
        %swap3A_736 = vector.shape_cast %swap3A_735 : vector<1x16xf32> to vector<16xf32>
        %swap3A_737 = vector.shape_cast %mul3A_732 : vector<16xf32> to vector<1x16xf32>
        tpu.vector_store %arg8[%swap3A_733, %swap3A_734], %swap3A_737 {strides = array<i32>} : memref<200x64xf32, #tpu.memory_space<vmem>>, vector<1x16xf32>,
        %get3A_738 = arith.index_cast %scan3A_701 : i32 to index
        %get3A_739 = arith.constant 48 : index
        %get3A_740 = tpu.vector_load %arg8[%get3A_738, %get3A_739] {strides = array<i32>} : memref<200x64xf32, #tpu.memory_space<vmem>>, vector<1x16xf32>,
        %get3A_741 = vector.shape_cast %get3A_740 : vector<1x16xf32> to vector<16xf32>
        %mul3A_742 = arith.constant 8.000000e+00 : f32
        %mul3A_743 = vector.broadcast %mul3A_742 : f32 to vector<16xf32>
        %mul3A_744 = arith.mulf %get3A_741, %mul3A_743 : vector<16xf32>
        %swap3A_745 = arith.index_cast %scan3A_701 : i32 to index
        %swap3A_746 = arith.constant 48 : index
        %swap3A_747 = tpu.vector_load %arg8[%swap3A_745, %swap3A_746] {strides = array<i32>} : memref<200x64xf32, #tpu.memory_space<vmem>>, vector<1x16xf32>,
        %swap3A_748 = vector.shape_cast %swap3A_747 : vector<1x16xf32> to vector<16xf32>
        %swap3A_749 = vector.shape_cast %mul3A_744 : vector<16xf32> to vector<1x16xf32>
        tpu.vector_store %arg8[%swap3A_745, %swap3A_746], %swap3A_749 {strides = array<i32>} : memref<200x64xf32, #tpu.memory_space<vmem>>, vector<1x16xf32>,
      }
      %scan3A_372 = arith.constant 200 : i32
      %add3A_373 = arith.constant 2 : i32
      %add3A_374 = arith.addi %mul3A_272, %add3A_373 : i32
      %add3A_375 = arith.addi %mul3A_2, %add3A_374 : i32
      %dma_start3A_376 = arith.constant 0 : i32
      %dma_start3A_377 = arith.constant 0 : i32
      %dma_start3A_378 = tpu.memref_slice %arg4[%add3A_375, %dma_start3A_376, %dma_start3A_377] : memref<4096x200x64xf32, #tpu.memory_space<hbm>> -> memref<1x200x64xf32, #tpu.memory_space<hbm>>
      %dma_start3A_379 = tpu.memref_squeeze %dma_start3A_378 : memref<1x200x64xf32, #tpu.memory_space<hbm>> -> memref<200x64xf32, #tpu.memory_space<hbm>>
      %dma_start3A_380 = arith.constant 0 : i32
      %dma_start3A_381 = arith.constant 0 : i32
      %dma_start3A_382 = tpu.memref_slice %arg4[%add3A_375, %dma_start3A_380, %dma_start3A_381] : memref<4096x200x64xf32, #tpu.memory_space<hbm>> -> memref<1x200x64xf32, #tpu.memory_space<hbm>>
      %dma_start3A_383 = tpu.memref_squeeze %dma_start3A_382 : memref<1x200x64xf32, #tpu.memory_space<hbm>> -> memref<200x64xf32, #tpu.memory_space<hbm>>
      tpu.enqueue_dma source(%arg8 : memref<200x64xf32, #tpu.memory_space<vmem>>) target(%dma_start3A_383 : memref<200x64xf32, #tpu.memory_space<hbm>>) target_semaphore(%arg16 : memref<!tpu.dma_semaphore, #tpu.memory_space<semaphore_mem>>)
      %add3A_384 = arith.constant 3 : i32
      %add3A_385 = arith.addi %mul3A_272, %add3A_384 : i32
      %dma_wait3A_386 = arith.constant 0 : i32
      %dma_wait3A_387 = arith.constant 0 : i32
      %dma_wait3A_388 = tpu.memref_slice %arg9[%dma_wait3A_386, %dma_wait3A_387] : memref<200x64xf32, #tpu.memory_space<vmem>> -> memref<104x64xf32, #tpu.memory_space<vmem>>
      %dma_wait3A_389 = arith.constant 0 : i32
      %dma_wait3A_390 = tpu.memref_slice %arg5[%add3A_385, %dma_wait3A_389] : memref<128x200xi32, #tpu.memory_space<vmem>> -> memref<1x104xi32, #tpu.memory_space<vmem>>
      %dma_wait3A_391 = tpu.memref_squeeze %dma_wait3A_390 : memref<1x104xi32, #tpu.memory_space<vmem>> -> memref<104xi32, #tpu.memory_space<vmem>>
      %dma_wait3A_392 = arith.constant 0 : i32
      %dma_wait3A_393 = arith.constant 0 : i32
      %dma_wait3A_394 = tpu.memref_slice %arg3[%dma_wait3A_392, %dma_wait3A_393] : memref<1000000x64xf32, #tpu.memory_space<hbm>> -> memref<1000000x64xf32, #tpu.memory_space<hbm>>
      tpu.wait_indirect_dma semaphore(%arg13 : memref<!tpu.dma_semaphore, #tpu.memory_space<semaphore_mem>>) src(%dma_wait3A_394 : memref<1000000x64xf32, #tpu.memory_space<hbm>>) dst(%dma_wait3A_388 : memref<104x64xf32, #tpu.memory_space<vmem>>)
      %dma_wait3A_395 = arith.constant 104 : i32
      %dma_wait3A_396 = arith.constant 0 : i32
      %dma_wait3A_397 = tpu.memref_slice %arg9[%dma_wait3A_395, %dma_wait3A_396] : memref<200x64xf32, #tpu.memory_space<vmem>> -> memref<96x64xf32, #tpu.memory_space<vmem>>
      %dma_wait3A_398 = arith.constant 104 : i32
      %dma_wait3A_399 = tpu.memref_slice %arg5[%add3A_385, %dma_wait3A_398] : memref<128x200xi32, #tpu.memory_space<vmem>> -> memref<1x96xi32, #tpu.memory_space<vmem>>
      %dma_wait3A_400 = tpu.memref_squeeze %dma_wait3A_399 : memref<1x96xi32, #tpu.memory_space<vmem>> -> memref<96xi32, #tpu.memory_space<vmem>>
      %dma_wait3A_401 = arith.constant 0 : i32
      %dma_wait3A_402 = arith.constant 0 : i32
      %dma_wait3A_403 = tpu.memref_slice %arg3[%dma_wait3A_401, %dma_wait3A_402] : memref<1000000x64xf32, #tpu.memory_space<hbm>> -> memref<1000000x64xf32, #tpu.memory_space<hbm>>
      tpu.wait_indirect_dma semaphore(%arg13 : memref<!tpu.dma_semaphore, #tpu.memory_space<semaphore_mem>>) src(%dma_wait3A_403 : memref<1000000x64xf32, #tpu.memory_space<hbm>>) dst(%dma_wait3A_397 : memref<96x64xf32, #tpu.memory_space<vmem>>)
      %scan3A_404 = arith.constant 0 : i32
      %scan3A_405 = arith.constant 0 : i32
      %scan3A_406 = arith.constant 200 : i32
      %scan3A_407 = arith.addi %scan3A_405, %scan3A_406 : i32
      %scan3A_408 = arith.constant 4 : i32
      scf.for %scan3A_553 = %scan3A_405 to %scan3A_407 step %scan3A_408  : i32 {
        %get3A = arith.index_cast %scan3A_553 : i32 to index
        %get3A_554 = arith.constant 0 : index
        %get3A_555 = tpu.vector_load %arg9[%get3A, %get3A_554] {strides = array<i32>} : memref<200x64xf32, #tpu.memory_space<vmem>>, vector<1x16xf32>,
        %get3A_556 = vector.shape_cast %get3A_555 : vector<1x16xf32> to vector<16xf32>
        %mul3A_557 = arith.constant 8.000000e+00 : f32
        %mul3A_558 = vector.broadcast %mul3A_557 : f32 to vector<16xf32>
        %mul3A_559 = arith.mulf %get3A_556, %mul3A_558 : vector<16xf32>
        %swap3A = arith.index_cast %scan3A_553 : i32 to index
        %swap3A_560 = arith.constant 0 : index
        %swap3A_561 = tpu.vector_load %arg9[%swap3A, %swap3A_560] {strides = array<i32>} : memref<200x64xf32, #tpu.memory_space<vmem>>, vector<1x16xf32>,
        %swap3A_562 = vector.shape_cast %swap3A_561 : vector<1x16xf32> to vector<16xf32>
        %swap3A_563 = vector.shape_cast %mul3A_559 : vector<16xf32> to vector<1x16xf32>
        tpu.vector_store %arg9[%swap3A, %swap3A_560], %swap3A_563 {strides = array<i32>} : memref<200x64xf32, #tpu.memory_space<vmem>>, vector<1x16xf32>,
        %get3A_564 = arith.index_cast %scan3A_553 : i32 to index
        %get3A_565 = arith.constant 16 : index
        %get3A_566 = tpu.vector_load %arg9[%get3A_564, %get3A_565] {strides = array<i32>} : memref<200x64xf32, #tpu.memory_space<vmem>>, vector<1x16xf32>,
        %get3A_567 = vector.shape_cast %get3A_566 : vector<1x16xf32> to vector<16xf32>
        %mul3A_568 = arith.constant 8.000000e+00 : f32
        %mul3A_569 = vector.broadcast %mul3A_568 : f32 to vector<16xf32>
        %mul3A_570 = arith.mulf %get3A_567, %mul3A_569 : vector<16xf32>
        %swap3A_571 = arith.index_cast %scan3A_553 : i32 to index
        %swap3A_572 = arith.constant 16 : index
        %swap3A_573 = tpu.vector_load %arg9[%swap3A_571, %swap3A_572] {strides = array<i32>} : memref<200x64xf32, #tpu.memory_space<vmem>>, vector<1x16xf32>,
        %swap3A_574 = vector.shape_cast %swap3A_573 : vector<1x16xf32> to vector<16xf32>
        %swap3A_575 = vector.shape_cast %mul3A_570 : vector<16xf32> to vector<1x16xf32>
        tpu.vector_store %arg9[%swap3A_571, %swap3A_572], %swap3A_575 {strides = array<i32>} : memref<200x64xf32, #tpu.memory_space<vmem>>, vector<1x16xf32>,
        %get3A_576 = arith.index_cast %scan3A_553 : i32 to index
        %get3A_577 = arith.constant 32 : index
        %get3A_578 = tpu.vector_load %arg9[%get3A_576, %get3A_577] {strides = array<i32>} : memref<200x64xf32, #tpu.memory_space<vmem>>, vector<1x16xf32>,
        %get3A_579 = vector.shape_cast %get3A_578 : vector<1x16xf32> to vector<16xf32>
        %mul3A_580 = arith.constant 8.000000e+00 : f32
        %mul3A_581 = vector.broadcast %mul3A_580 : f32 to vector<16xf32>
        %mul3A_582 = arith.mulf %get3A_579, %mul3A_581 : vector<16xf32>
        %swap3A_583 = arith.index_cast %scan3A_553 : i32 to index
        %swap3A_584 = arith.constant 32 : index
        %swap3A_585 = tpu.vector_load %arg9[%swap3A_583, %swap3A_584] {strides = array<i32>} : memref<200x64xf32, #tpu.memory_space<vmem>>, vector<1x16xf32>,
        %swap3A_586 = vector.shape_cast %swap3A_585 : vector<1x16xf32> to vector<16xf32>
        %swap3A_587 = vector.shape_cast %mul3A_582 : vector<16xf32> to vector<1x16xf32>
        tpu.vector_store %arg9[%swap3A_583, %swap3A_584], %swap3A_587 {strides = array<i32>} : memref<200x64xf32, #tpu.memory_space<vmem>>, vector<1x16xf32>,
        %get3A_588 = arith.index_cast %scan3A_553 : i32 to index
        %get3A_589 = arith.constant 48 : index
        %get3A_590 = tpu.vector_load %arg9[%get3A_588, %get3A_589] {strides = array<i32>} : memref<200x64xf32, #tpu.memory_space<vmem>>, vector<1x16xf32>,
        %get3A_591 = vector.shape_cast %get3A_590 : vector<1x16xf32> to vector<16xf32>
        %mul3A_592 = arith.constant 8.000000e+00 : f32
        %mul3A_593 = vector.broadcast %mul3A_592 : f32 to vector<16xf32>
        %mul3A_594 = arith.mulf %get3A_591, %mul3A_593 : vector<16xf32>
        %swap3A_595 = arith.index_cast %scan3A_553 : i32 to index
        %swap3A_596 = arith.constant 48 : index
        %swap3A_597 = tpu.vector_load %arg9[%swap3A_595, %swap3A_596] {strides = array<i32>} : memref<200x64xf32, #tpu.memory_space<vmem>>, vector<1x16xf32>,
        %swap3A_598 = vector.shape_cast %swap3A_597 : vector<1x16xf32> to vector<16xf32>
        %swap3A_599 = vector.shape_cast %mul3A_594 : vector<16xf32> to vector<1x16xf32>
        tpu.vector_store %arg9[%swap3A_595, %swap3A_596], %swap3A_599 {strides = array<i32>} : memref<200x64xf32, #tpu.memory_space<vmem>>, vector<1x16xf32>,
        %scan3A_600 = arith.constant 1 : i32
        %scan3A_601 = arith.addi %scan3A_553, %scan3A_600 : i32
        %get3A_602 = arith.index_cast %scan3A_601 : i32 to index
        %get3A_603 = arith.constant 0 : index
        %get3A_604 = tpu.vector_load %arg9[%get3A_602, %get3A_603] {strides = array<i32>} : memref<200x64xf32, #tpu.memory_space<vmem>>, vector<1x16xf32>,
        %get3A_605 = vector.shape_cast %get3A_604 : vector<1x16xf32> to vector<16xf32>
        %mul3A_606 = arith.constant 8.000000e+00 : f32
        %mul3A_607 = vector.broadcast %mul3A_606 : f32 to vector<16xf32>
        %mul3A_608 = arith.mulf %get3A_605, %mul3A_607 : vector<16xf32>
        %swap3A_609 = arith.index_cast %scan3A_601 : i32 to index
        %swap3A_610 = arith.constant 0 : index
        %swap3A_611 = tpu.vector_load %arg9[%swap3A_609, %swap3A_610] {strides = array<i32>} : memref<200x64xf32, #tpu.memory_space<vmem>>, vector<1x16xf32>,
        %swap3A_612 = vector.shape_cast %swap3A_611 : vector<1x16xf32> to vector<16xf32>
        %swap3A_613 = vector.shape_cast %mul3A_608 : vector<16xf32> to vector<1x16xf32>
        tpu.vector_store %arg9[%swap3A_609, %swap3A_610], %swap3A_613 {strides = array<i32>} : memref<200x64xf32, #tpu.memory_space<vmem>>, vector<1x16xf32>,
        %get3A_614 = arith.index_cast %scan3A_601 : i32 to index
        %get3A_615 = arith.constant 16 : index
        %get3A_616 = tpu.vector_load %arg9[%get3A_614, %get3A_615] {strides = array<i32>} : memref<200x64xf32, #tpu.memory_space<vmem>>, vector<1x16xf32>,
        %get3A_617 = vector.shape_cast %get3A_616 : vector<1x16xf32> to vector<16xf32>
        %mul3A_618 = arith.constant 8.000000e+00 : f32
        %mul3A_619 = vector.broadcast %mul3A_618 : f32 to vector<16xf32>
        %mul3A_620 = arith.mulf %get3A_617, %mul3A_619 : vector<16xf32>
        %swap3A_621 = arith.index_cast %scan3A_601 : i32 to index
        %swap3A_622 = arith.constant 16 : index
        %swap3A_623 = tpu.vector_load %arg9[%swap3A_621, %swap3A_622] {strides = array<i32>} : memref<200x64xf32, #tpu.memory_space<vmem>>, vector<1x16xf32>,
        %swap3A_624 = vector.shape_cast %swap3A_623 : vector<1x16xf32> to vector<16xf32>
        %swap3A_625 = vector.shape_cast %mul3A_620 : vector<16xf32> to vector<1x16xf32>
        tpu.vector_store %arg9[%swap3A_621, %swap3A_622], %swap3A_625 {strides = array<i32>} : memref<200x64xf32, #tpu.memory_space<vmem>>, vector<1x16xf32>,
        %get3A_626 = arith.index_cast %scan3A_601 : i32 to index
        %get3A_627 = arith.constant 32 : index
        %get3A_628 = tpu.vector_load %arg9[%get3A_626, %get3A_627] {strides = array<i32>} : memref<200x64xf32, #tpu.memory_space<vmem>>, vector<1x16xf32>,
        %get3A_629 = vector.shape_cast %get3A_628 : vector<1x16xf32> to vector<16xf32>
        %mul3A_630 = arith.constant 8.000000e+00 : f32
        %mul3A_631 = vector.broadcast %mul3A_630 : f32 to vector<16xf32>
        %mul3A_632 = arith.mulf %get3A_629, %mul3A_631 : vector<16xf32>
        %swap3A_633 = arith.index_cast %scan3A_601 : i32 to index
        %swap3A_634 = arith.constant 32 : index
        %swap3A_635 = tpu.vector_load %arg9[%swap3A_633, %swap3A_634] {strides = array<i32>} : memref<200x64xf32, #tpu.memory_space<vmem>>, vector<1x16xf32>,
        %swap3A_636 = vector.shape_cast %swap3A_635 : vector<1x16xf32> to vector<16xf32>
        %swap3A_637 = vector.shape_cast %mul3A_632 : vector<16xf32> to vector<1x16xf32>
        tpu.vector_store %arg9[%swap3A_633, %swap3A_634], %swap3A_637 {strides = array<i32>} : memref<200x64xf32, #tpu.memory_space<vmem>>, vector<1x16xf32>,
        %get3A_638 = arith.index_cast %scan3A_601 : i32 to index
        %get3A_639 = arith.constant 48 : index
        %get3A_640 = tpu.vector_load %arg9[%get3A_638, %get3A_639] {strides = array<i32>} : memref<200x64xf32, #tpu.memory_space<vmem>>, vector<1x16xf32>,
        %get3A_641 = vector.shape_cast %get3A_640 : vector<1x16xf32> to vector<16xf32>
        %mul3A_642 = arith.constant 8.000000e+00 : f32
        %mul3A_643 = vector.broadcast %mul3A_642 : f32 to vector<16xf32>
        %mul3A_644 = arith.mulf %get3A_641, %mul3A_643 : vector<16xf32>
        %swap3A_645 = arith.index_cast %scan3A_601 : i32 to index
        %swap3A_646 = arith.constant 48 : index
        %swap3A_647 = tpu.vector_load %arg9[%swap3A_645, %swap3A_646] {strides = array<i32>} : memref<200x64xf32, #tpu.memory_space<vmem>>, vector<1x16xf32>,
        %swap3A_648 = vector.shape_cast %swap3A_647 : vector<1x16xf32> to vector<16xf32>
        %swap3A_649 = vector.shape_cast %mul3A_644 : vector<16xf32> to vector<1x16xf32>
        tpu.vector_store %arg9[%swap3A_645, %swap3A_646], %swap3A_649 {strides = array<i32>} : memref<200x64xf32, #tpu.memory_space<vmem>>, vector<1x16xf32>,
        %scan3A_650 = arith.constant 2 : i32
        %scan3A_651 = arith.addi %scan3A_553, %scan3A_650 : i32
        %get3A_652 = arith.index_cast %scan3A_651 : i32 to index
        %get3A_653 = arith.constant 0 : index
        %get3A_654 = tpu.vector_load %arg9[%get3A_652, %get3A_653] {strides = array<i32>} : memref<200x64xf32, #tpu.memory_space<vmem>>, vector<1x16xf32>,
        %get3A_655 = vector.shape_cast %get3A_654 : vector<1x16xf32> to vector<16xf32>
        %mul3A_656 = arith.constant 8.000000e+00 : f32
        %mul3A_657 = vector.broadcast %mul3A_656 : f32 to vector<16xf32>
        %mul3A_658 = arith.mulf %get3A_655, %mul3A_657 : vector<16xf32>
        %swap3A_659 = arith.index_cast %scan3A_651 : i32 to index
        %swap3A_660 = arith.constant 0 : index
        %swap3A_661 = tpu.vector_load %arg9[%swap3A_659, %swap3A_660] {strides = array<i32>} : memref<200x64xf32, #tpu.memory_space<vmem>>, vector<1x16xf32>,
        %swap3A_662 = vector.shape_cast %swap3A_661 : vector<1x16xf32> to vector<16xf32>
        %swap3A_663 = vector.shape_cast %mul3A_658 : vector<16xf32> to vector<1x16xf32>
        tpu.vector_store %arg9[%swap3A_659, %swap3A_660], %swap3A_663 {strides = array<i32>} : memref<200x64xf32, #tpu.memory_space<vmem>>, vector<1x16xf32>,
        %get3A_664 = arith.index_cast %scan3A_651 : i32 to index
        %get3A_665 = arith.constant 16 : index
        %get3A_666 = tpu.vector_load %arg9[%get3A_664, %get3A_665] {strides = array<i32>} : memref<200x64xf32, #tpu.memory_space<vmem>>, vector<1x16xf32>,
        %get3A_667 = vector.shape_cast %get3A_666 : vector<1x16xf32> to vector<16xf32>
        %mul3A_668 = arith.constant 8.000000e+00 : f32
        %mul3A_669 = vector.broadcast %mul3A_668 : f32 to vector<16xf32>
        %mul3A_670 = arith.mulf %get3A_667, %mul3A_669 : vector<16xf32>
        %swap3A_671 = arith.index_cast %scan3A_651 : i32 to index
        %swap3A_672 = arith.constant 16 : index
        %swap3A_673 = tpu.vector_load %arg9[%swap3A_671, %swap3A_672] {strides = array<i32>} : memref<200x64xf32, #tpu.memory_space<vmem>>, vector<1x16xf32>,
        %swap3A_674 = vector.shape_cast %swap3A_673 : vector<1x16xf32> to vector<16xf32>
        %swap3A_675 = vector.shape_cast %mul3A_670 : vector<16xf32> to vector<1x16xf32>
        tpu.vector_store %arg9[%swap3A_671, %swap3A_672], %swap3A_675 {strides = array<i32>} : memref<200x64xf32, #tpu.memory_space<vmem>>, vector<1x16xf32>,
        %get3A_676 = arith.index_cast %scan3A_651 : i32 to index
        %get3A_677 = arith.constant 32 : index
        %get3A_678 = tpu.vector_load %arg9[%get3A_676, %get3A_677] {strides = array<i32>} : memref<200x64xf32, #tpu.memory_space<vmem>>, vector<1x16xf32>,
        %get3A_679 = vector.shape_cast %get3A_678 : vector<1x16xf32> to vector<16xf32>
        %mul3A_680 = arith.constant 8.000000e+00 : f32
        %mul3A_681 = vector.broadcast %mul3A_680 : f32 to vector<16xf32>
        %mul3A_682 = arith.mulf %get3A_679, %mul3A_681 : vector<16xf32>
        %swap3A_683 = arith.index_cast %scan3A_651 : i32 to index
        %swap3A_684 = arith.constant 32 : index
        %swap3A_685 = tpu.vector_load %arg9[%swap3A_683, %swap3A_684] {strides = array<i32>} : memref<200x64xf32, #tpu.memory_space<vmem>>, vector<1x16xf32>,
        %swap3A_686 = vector.shape_cast %swap3A_685 : vector<1x16xf32> to vector<16xf32>
        %swap3A_687 = vector.shape_cast %mul3A_682 : vector<16xf32> to vector<1x16xf32>
        tpu.vector_store %arg9[%swap3A_683, %swap3A_684], %swap3A_687 {strides = array<i32>} : memref<200x64xf32, #tpu.memory_space<vmem>>, vector<1x16xf32>,
        %get3A_688 = arith.index_cast %scan3A_651 : i32 to index
        %get3A_689 = arith.constant 48 : index
        %get3A_690 = tpu.vector_load %arg9[%get3A_688, %get3A_689] {strides = array<i32>} : memref<200x64xf32, #tpu.memory_space<vmem>>, vector<1x16xf32>,
        %get3A_691 = vector.shape_cast %get3A_690 : vector<1x16xf32> to vector<16xf32>
        %mul3A_692 = arith.constant 8.000000e+00 : f32
        %mul3A_693 = vector.broadcast %mul3A_692 : f32 to vector<16xf32>
        %mul3A_694 = arith.mulf %get3A_691, %mul3A_693 : vector<16xf32>
        %swap3A_695 = arith.index_cast %scan3A_651 : i32 to index
        %swap3A_696 = arith.constant 48 : index
        %swap3A_697 = tpu.vector_load %arg9[%swap3A_695, %swap3A_696] {strides = array<i32>} : memref<200x64xf32, #tpu.memory_space<vmem>>, vector<1x16xf32>,
        %swap3A_698 = vector.shape_cast %swap3A_697 : vector<1x16xf32> to vector<16xf32>
        %swap3A_699 = vector.shape_cast %mul3A_694 : vector<16xf32> to vector<1x16xf32>
        tpu.vector_store %arg9[%swap3A_695, %swap3A_696], %swap3A_699 {strides = array<i32>} : memref<200x64xf32, #tpu.memory_space<vmem>>, vector<1x16xf32>,
        %scan3A_700 = arith.constant 3 : i32
        %scan3A_701 = arith.addi %scan3A_553, %scan3A_700 : i32
        %get3A_702 = arith.index_cast %scan3A_701 : i32 to index
        %get3A_703 = arith.constant 0 : index
        %get3A_704 = tpu.vector_load %arg9[%get3A_702, %get3A_703] {strides = array<i32>} : memref<200x64xf32, #tpu.memory_space<vmem>>, vector<1x16xf32>,
        %get3A_705 = vector.shape_cast %get3A_704 : vector<1x16xf32> to vector<16xf32>
        %mul3A_706 = arith.constant 8.000000e+00 : f32
        %mul3A_707 = vector.broadcast %mul3A_706 : f32 to vector<16xf32>
        %mul3A_708 = arith.mulf %get3A_705, %mul3A_707 : vector<16xf32>
        %swap3A_709 = arith.index_cast %scan3A_701 : i32 to index
        %swap3A_710 = arith.constant 0 : index
        %swap3A_711 = tpu.vector_load %arg9[%swap3A_709, %swap3A_710] {strides = array<i32>} : memref<200x64xf32, #tpu.memory_space<vmem>>, vector<1x16xf32>,
        %swap3A_712 = vector.shape_cast %swap3A_711 : vector<1x16xf32> to vector<16xf32>
        %swap3A_713 = vector.shape_cast %mul3A_708 : vector<16xf32> to vector<1x16xf32>
        tpu.vector_store %arg9[%swap3A_709, %swap3A_710], %swap3A_713 {strides = array<i32>} : memref<200x64xf32, #tpu.memory_space<vmem>>, vector<1x16xf32>,
        %get3A_714 = arith.index_cast %scan3A_701 : i32 to index
        %get3A_715 = arith.constant 16 : index
        %get3A_716 = tpu.vector_load %arg9[%get3A_714, %get3A_715] {strides = array<i32>} : memref<200x64xf32, #tpu.memory_space<vmem>>, vector<1x16xf32>,
        %get3A_717 = vector.shape_cast %get3A_716 : vector<1x16xf32> to vector<16xf32>
        %mul3A_718 = arith.constant 8.000000e+00 : f32
        %mul3A_719 = vector.broadcast %mul3A_718 : f32 to vector<16xf32>
        %mul3A_720 = arith.mulf %get3A_717, %mul3A_719 : vector<16xf32>
        %swap3A_721 = arith.index_cast %scan3A_701 : i32 to index
        %swap3A_722 = arith.constant 16 : index
        %swap3A_723 = tpu.vector_load %arg9[%swap3A_721, %swap3A_722] {strides = array<i32>} : memref<200x64xf32, #tpu.memory_space<vmem>>, vector<1x16xf32>,
        %swap3A_724 = vector.shape_cast %swap3A_723 : vector<1x16xf32> to vector<16xf32>
        %swap3A_725 = vector.shape_cast %mul3A_720 : vector<16xf32> to vector<1x16xf32>
        tpu.vector_store %arg9[%swap3A_721, %swap3A_722], %swap3A_725 {strides = array<i32>} : memref<200x64xf32, #tpu.memory_space<vmem>>, vector<1x16xf32>,
        %get3A_726 = arith.index_cast %scan3A_701 : i32 to index
        %get3A_727 = arith.constant 32 : index
        %get3A_728 = tpu.vector_load %arg9[%get3A_726, %get3A_727] {strides = array<i32>} : memref<200x64xf32, #tpu.memory_space<vmem>>, vector<1x16xf32>,
        %get3A_729 = vector.shape_cast %get3A_728 : vector<1x16xf32> to vector<16xf32>
        %mul3A_730 = arith.constant 8.000000e+00 : f32
        %mul3A_731 = vector.broadcast %mul3A_730 : f32 to vector<16xf32>
        %mul3A_732 = arith.mulf %get3A_729, %mul3A_731 : vector<16xf32>
        %swap3A_733 = arith.index_cast %scan3A_701 : i32 to index
        %swap3A_734 = arith.constant 32 : index
        %swap3A_735 = tpu.vector_load %arg9[%swap3A_733, %swap3A_734] {strides = array<i32>} : memref<200x64xf32, #tpu.memory_space<vmem>>, vector<1x16xf32>,
        %swap3A_736 = vector.shape_cast %swap3A_735 : vector<1x16xf32> to vector<16xf32>
        %swap3A_737 = vector.shape_cast %mul3A_732 : vector<16xf32> to vector<1x16xf32>
        tpu.vector_store %arg9[%swap3A_733, %swap3A_734], %swap3A_737 {strides = array<i32>} : memref<200x64xf32, #tpu.memory_space<vmem>>, vector<1x16xf32>,
        %get3A_738 = arith.index_cast %scan3A_701 : i32 to index
        %get3A_739 = arith.constant 48 : index
        %get3A_740 = tpu.vector_load %arg9[%get3A_738, %get3A_739] {strides = array<i32>} : memref<200x64xf32, #tpu.memory_space<vmem>>, vector<1x16xf32>,
        %get3A_741 = vector.shape_cast %get3A_740 : vector<1x16xf32> to vector<16xf32>
        %mul3A_742 = arith.constant 8.000000e+00 : f32
        %mul3A_743 = vector.broadcast %mul3A_742 : f32 to vector<16xf32>
        %mul3A_744 = arith.mulf %get3A_741, %mul3A_743 : vector<16xf32>
        %swap3A_745 = arith.index_cast %scan3A_701 : i32 to index
        %swap3A_746 = arith.constant 48 : index
        %swap3A_747 = tpu.vector_load %arg9[%swap3A_745, %swap3A_746] {strides = array<i32>} : memref<200x64xf32, #tpu.memory_space<vmem>>, vector<1x16xf32>,
        %swap3A_748 = vector.shape_cast %swap3A_747 : vector<1x16xf32> to vector<16xf32>
        %swap3A_749 = vector.shape_cast %mul3A_744 : vector<16xf32> to vector<1x16xf32>
        tpu.vector_store %arg9[%swap3A_745, %swap3A_746], %swap3A_749 {strides = array<i32>} : memref<200x64xf32, #tpu.memory_space<vmem>>, vector<1x16xf32>,
      }
      %scan3A_409 = arith.constant 200 : i32
      %add3A_410 = arith.constant 3 : i32
      %add3A_411 = arith.addi %mul3A_272, %add3A_410 : i32
      %add3A_412 = arith.addi %mul3A_2, %add3A_411 : i32
      %dma_start3A_413 = arith.constant 0 : i32
      %dma_start3A_414 = arith.constant 0 : i32
      %dma_start3A_415 = tpu.memref_slice %arg4[%add3A_412, %dma_start3A_413, %dma_start3A_414] : memref<4096x200x64xf32, #tpu.memory_space<hbm>> -> memref<1x200x64xf32, #tpu.memory_space<hbm>>
      %dma_start3A_416 = tpu.memref_squeeze %dma_start3A_415 : memref<1x200x64xf32, #tpu.memory_space<hbm>> -> memref<200x64xf32, #tpu.memory_space<hbm>>
      %dma_start3A_417 = arith.constant 0 : i32
      %dma_start3A_418 = arith.constant 0 : i32
      %dma_start3A_419 = tpu.memref_slice %arg4[%add3A_412, %dma_start3A_417, %dma_start3A_418] : memref<4096x200x64xf32, #tpu.memory_space<hbm>> -> memref<1x200x64xf32, #tpu.memory_space<hbm>>
      %dma_start3A_420 = tpu.memref_squeeze %dma_start3A_419 : memref<1x200x64xf32, #tpu.memory_space<hbm>> -> memref<200x64xf32, #tpu.memory_space<hbm>>
      tpu.enqueue_dma source(%arg9 : memref<200x64xf32, #tpu.memory_space<vmem>>) target(%dma_start3A_420 : memref<200x64xf32, #tpu.memory_space<hbm>>) target_semaphore(%arg17 : memref<!tpu.dma_semaphore, #tpu.memory_space<semaphore_mem>>)
      %add3A_421 = arith.constant 0 : i32
      %add3A_422 = arith.addi %mul3A_272, %add3A_421 : i32
      %add3A_423 = arith.addi %mul3A_2, %add3A_422 : i32
      %dma_wait3A_424 = arith.constant 0 : i32
      %dma_wait3A_425 = arith.constant 0 : i32
      %dma_wait3A_426 = tpu.memref_slice %arg4[%add3A_423, %dma_wait3A_424, %dma_wait3A_425] : memref<4096x200x64xf32, #tpu.memory_space<hbm>> -> memref<1x200x64xf32, #tpu.memory_space<hbm>>
      %dma_wait3A_427 = tpu.memref_squeeze %dma_wait3A_426 : memref<1x200x64xf32, #tpu.memory_space<hbm>> -> memref<200x64xf32, #tpu.memory_space<hbm>>
      %dma_wait3A_428 = arith.constant 0 : i32
      %dma_wait3A_429 = arith.constant 0 : i32
      %dma_wait3A_430 = tpu.memref_slice %arg4[%add3A_423, %dma_wait3A_428, %dma_wait3A_429] : memref<4096x200x64xf32, #tpu.memory_space<hbm>> -> memref<1x200x64xf32, #tpu.memory_space<hbm>>
      %dma_wait3A_431 = tpu.memref_squeeze %dma_wait3A_430 : memref<1x200x64xf32, #tpu.memory_space<hbm>> -> memref<200x64xf32, #tpu.memory_space<hbm>>
      tpu.wait_dma2 semaphore(%arg14 : memref<!tpu.dma_semaphore, #tpu.memory_space<semaphore_mem>>) src(%arg6 : memref<200x64xf32, #tpu.memory_space<vmem>>) dst(%dma_wait3A_431 : memref<200x64xf32, #tpu.memory_space<hbm>>)
      %add3A_432 = arith.constant 4 : i32
      %add3A_433 = arith.addi %mul3A_272, %add3A_432 : i32
      %add3A_434 = arith.constant 0 : i32
      %add3A_435 = arith.addi %add3A_433, %add3A_434 : i32
      %dma_start3A_436 = arith.constant 0 : i32
      %dma_start3A_437 = arith.constant 0 : i32
      %dma_start3A_438 = tpu.memref_slice %arg6[%dma_start3A_436, %dma_start3A_437] : memref<200x64xf32, #tpu.memory_space<vmem>> -> memref<104x64xf32, #tpu.memory_space<vmem>>
      %dma_start3A_439 = arith.constant 0 : i32
      %dma_start3A_440 = tpu.memref_slice %arg5[%add3A_435, %dma_start3A_439] : memref<128x200xi32, #tpu.memory_space<vmem>> -> memref<1x104xi32, #tpu.memory_space<vmem>>
      %dma_start3A_441 = tpu.memref_squeeze %dma_start3A_440 : memref<1x104xi32, #tpu.memory_space<vmem>> -> memref<104xi32, #tpu.memory_space<vmem>>
      %dma_start3A_442 = arith.constant 0 : i32
      %dma_start3A_443 = arith.constant 0 : i32
      %dma_start3A_444 = tpu.memref_slice %arg3[%dma_start3A_442, %dma_start3A_443] : memref<1000000x64xf32, #tpu.memory_space<hbm>> -> memref<1000000x64xf32, #tpu.memory_space<hbm>>
      tpu.enqueue_indirect_dma source(%dma_start3A_444 : memref<1000000x64xf32, #tpu.memory_space<hbm>>) target(%dma_start3A_438 : memref<104x64xf32, #tpu.memory_space<vmem>>) offsets(%dma_start3A_441 : memref<104xi32, #tpu.memory_space<vmem>>) semaphore(%arg10 : memref<!tpu.dma_semaphore, #tpu.memory_space<semaphore_mem>>)
      %dma_start3A_445 = arith.constant 104 : i32
      %dma_start3A_446 = arith.constant 0 : i32
      %dma_start3A_447 = tpu.memref_slice %arg6[%dma_start3A_445, %dma_start3A_446] : memref<200x64xf32, #tpu.memory_space<vmem>> -> memref<96x64xf32, #tpu.memory_space<vmem>>
      %dma_start3A_448 = arith.constant 104 : i32
      %dma_start3A_449 = tpu.memref_slice %arg5[%add3A_435, %dma_start3A_448] : memref<128x200xi32, #tpu.memory_space<vmem>> -> memref<1x96xi32, #tpu.memory_space<vmem>>
      %dma_start3A_450 = tpu.memref_squeeze %dma_start3A_449 : memref<1x96xi32, #tpu.memory_space<vmem>> -> memref<96xi32, #tpu.memory_space<vmem>>
      %dma_start3A_451 = arith.constant 0 : i32
      %dma_start3A_452 = arith.constant 0 : i32
      %dma_start3A_453 = tpu.memref_slice %arg3[%dma_start3A_451, %dma_start3A_452] : memref<1000000x64xf32, #tpu.memory_space<hbm>> -> memref<1000000x64xf32, #tpu.memory_space<hbm>>
      tpu.enqueue_indirect_dma source(%dma_start3A_453 : memref<1000000x64xf32, #tpu.memory_space<hbm>>) target(%dma_start3A_447 : memref<96x64xf32, #tpu.memory_space<vmem>>) offsets(%dma_start3A_450 : memref<96xi32, #tpu.memory_space<vmem>>) semaphore(%arg10 : memref<!tpu.dma_semaphore, #tpu.memory_space<semaphore_mem>>)
      %add3A_454 = arith.constant 1 : i32
      %add3A_455 = arith.addi %mul3A_272, %add3A_454 : i32
      %add3A_456 = arith.addi %mul3A_2, %add3A_455 : i32
      %dma_wait3A_457 = arith.constant 0 : i32
      %dma_wait3A_458 = arith.constant 0 : i32
      %dma_wait3A_459 = tpu.memref_slice %arg4[%add3A_456, %dma_wait3A_457, %dma_wait3A_458] : memref<4096x200x64xf32, #tpu.memory_space<hbm>> -> memref<1x200x64xf32, #tpu.memory_space<hbm>>
      %dma_wait3A_460 = tpu.memref_squeeze %dma_wait3A_459 : memref<1x200x64xf32, #tpu.memory_space<hbm>> -> memref<200x64xf32, #tpu.memory_space<hbm>>
      %dma_wait3A_461 = arith.constant 0 : i32
      %dma_wait3A_462 = arith.constant 0 : i32
      %dma_wait3A_463 = tpu.memref_slice %arg4[%add3A_456, %dma_wait3A_461, %dma_wait3A_462] : memref<4096x200x64xf32, #tpu.memory_space<hbm>> -> memref<1x200x64xf32, #tpu.memory_space<hbm>>
      %dma_wait3A_464 = tpu.memref_squeeze %dma_wait3A_463 : memref<1x200x64xf32, #tpu.memory_space<hbm>> -> memref<200x64xf32, #tpu.memory_space<hbm>>
      tpu.wait_dma2 semaphore(%arg15 : memref<!tpu.dma_semaphore, #tpu.memory_space<semaphore_mem>>) src(%arg7 : memref<200x64xf32, #tpu.memory_space<vmem>>) dst(%dma_wait3A_464 : memref<200x64xf32, #tpu.memory_space<hbm>>)
      %add3A_465 = arith.constant 4 : i32
      %add3A_466 = arith.addi %mul3A_272, %add3A_465 : i32
      %add3A_467 = arith.constant 1 : i32
      %add3A_468 = arith.addi %add3A_466, %add3A_467 : i32
      %dma_start3A_469 = arith.constant 0 : i32
      %dma_start3A_470 = arith.constant 0 : i32
      %dma_start3A_471 = tpu.memref_slice %arg7[%dma_start3A_469, %dma_start3A_470] : memref<200x64xf32, #tpu.memory_space<vmem>> -> memref<104x64xf32, #tpu.memory_space<vmem>>
      %dma_start3A_472 = arith.constant 0 : i32
      %dma_start3A_473 = tpu.memref_slice %arg5[%add3A_468, %dma_start3A_472] : memref<128x200xi32, #tpu.memory_space<vmem>> -> memref<1x104xi32, #tpu.memory_space<vmem>>
      %dma_start3A_474 = tpu.memref_squeeze %dma_start3A_473 : memref<1x104xi32, #tpu.memory_space<vmem>> -> memref<104xi32, #tpu.memory_space<vmem>>
      %dma_start3A_475 = arith.constant 0 : i32
      %dma_start3A_476 = arith.constant 0 : i32
      %dma_start3A_477 = tpu.memref_slice %arg3[%dma_start3A_475, %dma_start3A_476] : memref<1000000x64xf32, #tpu.memory_space<hbm>> -> memref<1000000x64xf32, #tpu.memory_space<hbm>>
      tpu.enqueue_indirect_dma source(%dma_start3A_477 : memref<1000000x64xf32, #tpu.memory_space<hbm>>) target(%dma_start3A_471 : memref<104x64xf32, #tpu.memory_space<vmem>>) offsets(%dma_start3A_474 : memref<104xi32, #tpu.memory_space<vmem>>) semaphore(%arg11 : memref<!tpu.dma_semaphore, #tpu.memory_space<semaphore_mem>>)
      %dma_start3A_478 = arith.constant 104 : i32
      %dma_start3A_479 = arith.constant 0 : i32
      %dma_start3A_480 = tpu.memref_slice %arg7[%dma_start3A_478, %dma_start3A_479] : memref<200x64xf32, #tpu.memory_space<vmem>> -> memref<96x64xf32, #tpu.memory_space<vmem>>
      %dma_start3A_481 = arith.constant 104 : i32
      %dma_start3A_482 = tpu.memref_slice %arg5[%add3A_468, %dma_start3A_481] : memref<128x200xi32, #tpu.memory_space<vmem>> -> memref<1x96xi32, #tpu.memory_space<vmem>>
      %dma_start3A_483 = tpu.memref_squeeze %dma_start3A_482 : memref<1x96xi32, #tpu.memory_space<vmem>> -> memref<96xi32, #tpu.memory_space<vmem>>
      %dma_start3A_484 = arith.constant 0 : i32
      %dma_start3A_485 = arith.constant 0 : i32
      %dma_start3A_486 = tpu.memref_slice %arg3[%dma_start3A_484, %dma_start3A_485] : memref<1000000x64xf32, #tpu.memory_space<hbm>> -> memref<1000000x64xf32, #tpu.memory_space<hbm>>
      tpu.enqueue_indirect_dma source(%dma_start3A_486 : memref<1000000x64xf32, #tpu.memory_space<hbm>>) target(%dma_start3A_480 : memref<96x64xf32, #tpu.memory_space<vmem>>) offsets(%dma_start3A_483 : memref<96xi32, #tpu.memory_space<vmem>>) semaphore(%arg11 : memref<!tpu.dma_semaphore, #tpu.memory_space<semaphore_mem>>)
      %add3A_487 = arith.constant 2 : i32
      %add3A_488 = arith.addi %mul3A_272, %add3A_487 : i32
      %add3A_489 = arith.addi %mul3A_2, %add3A_488 : i32
      %dma_wait3A_490 = arith.constant 0 : i32
      %dma_wait3A_491 = arith.constant 0 : i32
      %dma_wait3A_492 = tpu.memref_slice %arg4[%add3A_489, %dma_wait3A_490, %dma_wait3A_491] : memref<4096x200x64xf32, #tpu.memory_space<hbm>> -> memref<1x200x64xf32, #tpu.memory_space<hbm>>
      %dma_wait3A_493 = tpu.memref_squeeze %dma_wait3A_492 : memref<1x200x64xf32, #tpu.memory_space<hbm>> -> memref<200x64xf32, #tpu.memory_space<hbm>>
      %dma_wait3A_494 = arith.constant 0 : i32
      %dma_wait3A_495 = arith.constant 0 : i32
      %dma_wait3A_496 = tpu.memref_slice %arg4[%add3A_489, %dma_wait3A_494, %dma_wait3A_495] : memref<4096x200x64xf32, #tpu.memory_space<hbm>> -> memref<1x200x64xf32, #tpu.memory_space<hbm>>
      %dma_wait3A_497 = tpu.memref_squeeze %dma_wait3A_496 : memref<1x200x64xf32, #tpu.memory_space<hbm>> -> memref<200x64xf32, #tpu.memory_space<hbm>>
      tpu.wait_dma2 semaphore(%arg16 : memref<!tpu.dma_semaphore, #tpu.memory_space<semaphore_mem>>) src(%arg8 : memref<200x64xf32, #tpu.memory_space<vmem>>) dst(%dma_wait3A_497 : memref<200x64xf32, #tpu.memory_space<hbm>>)
      %add3A_498 = arith.constant 4 : i32
      %add3A_499 = arith.addi %mul3A_272, %add3A_498 : i32
      %add3A_500 = arith.constant 2 : i32
      %add3A_501 = arith.addi %add3A_499, %add3A_500 : i32
      %dma_start3A_502 = arith.constant 0 : i32
      %dma_start3A_503 = arith.constant 0 : i32
      %dma_start3A_504 = tpu.memref_slice %arg8[%dma_start3A_502, %dma_start3A_503] : memref<200x64xf32, #tpu.memory_space<vmem>> -> memref<104x64xf32, #tpu.memory_space<vmem>>
      %dma_start3A_505 = arith.constant 0 : i32
      %dma_start3A_506 = tpu.memref_slice %arg5[%add3A_501, %dma_start3A_505] : memref<128x200xi32, #tpu.memory_space<vmem>> -> memref<1x104xi32, #tpu.memory_space<vmem>>
      %dma_start3A_507 = tpu.memref_squeeze %dma_start3A_506 : memref<1x104xi32, #tpu.memory_space<vmem>> -> memref<104xi32, #tpu.memory_space<vmem>>
      %dma_start3A_508 = arith.constant 0 : i32
      %dma_start3A_509 = arith.constant 0 : i32
      %dma_start3A_510 = tpu.memref_slice %arg3[%dma_start3A_508, %dma_start3A_509] : memref<1000000x64xf32, #tpu.memory_space<hbm>> -> memref<1000000x64xf32, #tpu.memory_space<hbm>>
      tpu.enqueue_indirect_dma source(%dma_start3A_510 : memref<1000000x64xf32, #tpu.memory_space<hbm>>) target(%dma_start3A_504 : memref<104x64xf32, #tpu.memory_space<vmem>>) offsets(%dma_start3A_507 : memref<104xi32, #tpu.memory_space<vmem>>) semaphore(%arg12 : memref<!tpu.dma_semaphore, #tpu.memory_space<semaphore_mem>>)
      %dma_start3A_511 = arith.constant 104 : i32
      %dma_start3A_512 = arith.constant 0 : i32
      %dma_start3A_513 = tpu.memref_slice %arg8[%dma_start3A_511, %dma_start3A_512] : memref<200x64xf32, #tpu.memory_space<vmem>> -> memref<96x64xf32, #tpu.memory_space<vmem>>
      %dma_start3A_514 = arith.constant 104 : i32
      %dma_start3A_515 = tpu.memref_slice %arg5[%add3A_501, %dma_start3A_514] : memref<128x200xi32, #tpu.memory_space<vmem>> -> memref<1x96xi32, #tpu.memory_space<vmem>>
      %dma_start3A_516 = tpu.memref_squeeze %dma_start3A_515 : memref<1x96xi32, #tpu.memory_space<vmem>> -> memref<96xi32, #tpu.memory_space<vmem>>
      %dma_start3A_517 = arith.constant 0 : i32
      %dma_start3A_518 = arith.constant 0 : i32
      %dma_start3A_519 = tpu.memref_slice %arg3[%dma_start3A_517, %dma_start3A_518] : memref<1000000x64xf32, #tpu.memory_space<hbm>> -> memref<1000000x64xf32, #tpu.memory_space<hbm>>
      tpu.enqueue_indirect_dma source(%dma_start3A_519 : memref<1000000x64xf32, #tpu.memory_space<hbm>>) target(%dma_start3A_513 : memref<96x64xf32, #tpu.memory_space<vmem>>) offsets(%dma_start3A_516 : memref<96xi32, #tpu.memory_space<vmem>>) semaphore(%arg12 : memref<!tpu.dma_semaphore, #tpu.memory_space<semaphore_mem>>)
      %add3A_520 = arith.constant 3 : i32
      %add3A_521 = arith.addi %mul3A_272, %add3A_520 : i32
      %add3A_522 = arith.addi %mul3A_2, %add3A_521 : i32
      %dma_wait3A_523 = arith.constant 0 : i32
      %dma_wait3A_524 = arith.constant 0 : i32
      %dma_wait3A_525 = tpu.memref_slice %arg4[%add3A_522, %dma_wait3A_523, %dma_wait3A_524] : memref<4096x200x64xf32, #tpu.memory_space<hbm>> -> memref<1x200x64xf32, #tpu.memory_space<hbm>>
      %dma_wait3A_526 = tpu.memref_squeeze %dma_wait3A_525 : memref<1x200x64xf32, #tpu.memory_space<hbm>> -> memref<200x64xf32, #tpu.memory_space<hbm>>
      %dma_wait3A_527 = arith.constant 0 : i32
      %dma_wait3A_528 = arith.constant 0 : i32
      %dma_wait3A_529 = tpu.memref_slice %arg4[%add3A_522, %dma_wait3A_527, %dma_wait3A_528] : memref<4096x200x64xf32, #tpu.memory_space<hbm>> -> memref<1x200x64xf32, #tpu.memory_space<hbm>>
      %dma_wait3A_530 = tpu.memref_squeeze %dma_wait3A_529 : memref<1x200x64xf32, #tpu.memory_space<hbm>> -> memref<200x64xf32, #tpu.memory_space<hbm>>
      tpu.wait_dma2 semaphore(%arg17 : memref<!tpu.dma_semaphore, #tpu.memory_space<semaphore_mem>>) src(%arg9 : memref<200x64xf32, #tpu.memory_space<vmem>>) dst(%dma_wait3A_530 : memref<200x64xf32, #tpu.memory_space<hbm>>)
      %add3A_531 = arith.constant 4 : i32
      %add3A_532 = arith.addi %mul3A_272, %add3A_531 : i32
      %add3A_533 = arith.constant 3 : i32
      %add3A_534 = arith.addi %add3A_532, %add3A_533 : i32
      %dma_start3A_535 = arith.constant 0 : i32
      %dma_start3A_536 = arith.constant 0 : i32
      %dma_start3A_537 = tpu.memref_slice %arg9[%dma_start3A_535, %dma_start3A_536] : memref<200x64xf32, #tpu.memory_space<vmem>> -> memref<104x64xf32, #tpu.memory_space<vmem>>
      %dma_start3A_538 = arith.constant 0 : i32
      %dma_start3A_539 = tpu.memref_slice %arg5[%add3A_534, %dma_start3A_538] : memref<128x200xi32, #tpu.memory_space<vmem>> -> memref<1x104xi32, #tpu.memory_space<vmem>>
      %dma_start3A_540 = tpu.memref_squeeze %dma_start3A_539 : memref<1x104xi32, #tpu.memory_space<vmem>> -> memref<104xi32, #tpu.memory_space<vmem>>
      %dma_start3A_541 = arith.constant 0 : i32
      %dma_start3A_542 = arith.constant 0 : i32
      %dma_start3A_543 = tpu.memref_slice %arg3[%dma_start3A_541, %dma_start3A_542] : memref<1000000x64xf32, #tpu.memory_space<hbm>> -> memref<1000000x64xf32, #tpu.memory_space<hbm>>
      tpu.enqueue_indirect_dma source(%dma_start3A_543 : memref<1000000x64xf32, #tpu.memory_space<hbm>>) target(%dma_start3A_537 : memref<104x64xf32, #tpu.memory_space<vmem>>) offsets(%dma_start3A_540 : memref<104xi32, #tpu.memory_space<vmem>>) semaphore(%arg13 : memref<!tpu.dma_semaphore, #tpu.memory_space<semaphore_mem>>)
      %dma_start3A_544 = arith.constant 104 : i32
      %dma_start3A_545 = arith.constant 0 : i32
      %dma_start3A_546 = tpu.memref_slice %arg9[%dma_start3A_544, %dma_start3A_545] : memref<200x64xf32, #tpu.memory_space<vmem>> -> memref<96x64xf32, #tpu.memory_space<vmem>>
      %dma_start3A_547 = arith.constant 104 : i32
      %dma_start3A_548 = tpu.memref_slice %arg5[%add3A_534, %dma_start3A_547] : memref<128x200xi32, #tpu.memory_space<vmem>> -> memref<1x96xi32, #tpu.memory_space<vmem>>
      %dma_start3A_549 = tpu.memref_squeeze %dma_start3A_548 : memref<1x96xi32, #tpu.memory_space<vmem>> -> memref<96xi32, #tpu.memory_space<vmem>>
      %dma_start3A_550 = arith.constant 0 : i32
      %dma_start3A_551 = arith.constant 0 : i32
      %dma_start3A_552 = tpu.memref_slice %arg3[%dma_start3A_550, %dma_start3A_551] : memref<1000000x64xf32, #tpu.memory_space<hbm>> -> memref<1000000x64xf32, #tpu.memory_space<hbm>>
      tpu.enqueue_indirect_dma source(%dma_start3A_552 : memref<1000000x64xf32, #tpu.memory_space<hbm>>) target(%dma_start3A_546 : memref<96x64xf32, #tpu.memory_space<vmem>>) offsets(%dma_start3A_549 : memref<96xi32, #tpu.memory_space<vmem>>) semaphore(%arg13 : memref<!tpu.dma_semaphore, #tpu.memory_space<semaphore_mem>>)
    }
    %scan3A_86 = arith.constant 31 : i32
    %dma_wait3A = arith.constant 124 : i32
    %dma_wait3A_87 = arith.constant 0 : i32
    %dma_wait3A_88 = arith.constant 0 : i32
    %dma_wait3A_89 = tpu.memref_slice %arg6[%dma_wait3A_87, %dma_wait3A_88] : memref<200x64xf32, #tpu.memory_space<vmem>> -> memref<104x64xf32, #tpu.memory_space<vmem>>
    %dma_wait3A_90 = arith.constant 0 : i32
    %dma_wait3A_91 = tpu.memref_slice %arg5[%dma_wait3A, %dma_wait3A_90] : memref<128x200xi32, #tpu.memory_space<vmem>> -> memref<1x104xi32, #tpu.memory_space<vmem>>
    %dma_wait3A_92 = tpu.memref_squeeze %dma_wait3A_91 : memref<1x104xi32, #tpu.memory_space<vmem>> -> memref<104xi32, #tpu.memory_space<vmem>>
    %dma_wait3A_93 = arith.constant 0 : i32
    %dma_wait3A_94 = arith.constant 0 : i32
    %dma_wait3A_95 = tpu.memref_slice %arg3[%dma_wait3A_93, %dma_wait3A_94] : memref<1000000x64xf32, #tpu.memory_space<hbm>> -> memref<1000000x64xf32, #tpu.memory_space<hbm>>
    tpu.wait_indirect_dma semaphore(%arg10 : memref<!tpu.dma_semaphore, #tpu.memory_space<semaphore_mem>>) src(%dma_wait3A_95 : memref<1000000x64xf32, #tpu.memory_space<hbm>>) dst(%dma_wait3A_89 : memref<104x64xf32, #tpu.memory_space<vmem>>)
    %dma_wait3A_96 = arith.constant 124 : i32
    %dma_wait3A_97 = arith.constant 104 : i32
    %dma_wait3A_98 = arith.constant 0 : i32
    %dma_wait3A_99 = tpu.memref_slice %arg6[%dma_wait3A_97, %dma_wait3A_98] : memref<200x64xf32, #tpu.memory_space<vmem>> -> memref<96x64xf32, #tpu.memory_space<vmem>>
    %dma_wait3A_100 = arith.constant 104 : i32
    %dma_wait3A_101 = tpu.memref_slice %arg5[%dma_wait3A_96, %dma_wait3A_100] : memref<128x200xi32, #tpu.memory_space<vmem>> -> memref<1x96xi32, #tpu.memory_space<vmem>>
    %dma_wait3A_102 = tpu.memref_squeeze %dma_wait3A_101 : memref<1x96xi32, #tpu.memory_space<vmem>> -> memref<96xi32, #tpu.memory_space<vmem>>
    %dma_wait3A_103 = arith.constant 0 : i32
    %dma_wait3A_104 = arith.constant 0 : i32
    %dma_wait3A_105 = tpu.memref_slice %arg3[%dma_wait3A_103, %dma_wait3A_104] : memref<1000000x64xf32, #tpu.memory_space<hbm>> -> memref<1000000x64xf32, #tpu.memory_space<hbm>>
    tpu.wait_indirect_dma semaphore(%arg10 : memref<!tpu.dma_semaphore, #tpu.memory_space<semaphore_mem>>) src(%dma_wait3A_105 : memref<1000000x64xf32, #tpu.memory_space<hbm>>) dst(%dma_wait3A_99 : memref<96x64xf32, #tpu.memory_space<vmem>>)
    %scan3A_106 = arith.constant 0 : i32
    %scan3A_107 = arith.constant 0 : i32
    %scan3A_108 = arith.constant 200 : i32
    %scan3A_109 = arith.addi %scan3A_107, %scan3A_108 : i32
    %scan3A_110 = arith.constant 4 : i32
    scf.for %scan3A_270 = %scan3A_107 to %scan3A_109 step %scan3A_110  : i32 {
      %get3A = arith.index_cast %scan3A_270 : i32 to index
      %get3A_271 = arith.constant 0 : index
      %get3A_272 = tpu.vector_load %arg6[%get3A, %get3A_271] {strides = array<i32>} : memref<200x64xf32, #tpu.memory_space<vmem>>, vector<1x16xf32>,
      %get3A_273 = vector.shape_cast %get3A_272 : vector<1x16xf32> to vector<16xf32>
      %mul3A_274 = arith.constant 8.000000e+00 : f32
      %mul3A_275 = vector.broadcast %mul3A_274 : f32 to vector<16xf32>
      %mul3A_276 = arith.mulf %get3A_273, %mul3A_275 : vector<16xf32>
      %swap3A = arith.index_cast %scan3A_270 : i32 to index
      %swap3A_277 = arith.constant 0 : index
      %swap3A_278 = tpu.vector_load %arg6[%swap3A, %swap3A_277] {strides = array<i32>} : memref<200x64xf32, #tpu.memory_space<vmem>>, vector<1x16xf32>,
      %swap3A_279 = vector.shape_cast %swap3A_278 : vector<1x16xf32> to vector<16xf32>
      %swap3A_280 = vector.shape_cast %mul3A_276 : vector<16xf32> to vector<1x16xf32>
      tpu.vector_store %arg6[%swap3A, %swap3A_277], %swap3A_280 {strides = array<i32>} : memref<200x64xf32, #tpu.memory_space<vmem>>, vector<1x16xf32>,
      %get3A_281 = arith.index_cast %scan3A_270 : i32 to index
      %get3A_282 = arith.constant 16 : index
      %get3A_283 = tpu.vector_load %arg6[%get3A_281, %get3A_282] {strides = array<i32>} : memref<200x64xf32, #tpu.memory_space<vmem>>, vector<1x16xf32>,
      %get3A_284 = vector.shape_cast %get3A_283 : vector<1x16xf32> to vector<16xf32>
      %mul3A_285 = arith.constant 8.000000e+00 : f32
      %mul3A_286 = vector.broadcast %mul3A_285 : f32 to vector<16xf32>
      %mul3A_287 = arith.mulf %get3A_284, %mul3A_286 : vector<16xf32>
      %swap3A_288 = arith.index_cast %scan3A_270 : i32 to index
      %swap3A_289 = arith.constant 16 : index
      %swap3A_290 = tpu.vector_load %arg6[%swap3A_288, %swap3A_289] {strides = array<i32>} : memref<200x64xf32, #tpu.memory_space<vmem>>, vector<1x16xf32>,
      %swap3A_291 = vector.shape_cast %swap3A_290 : vector<1x16xf32> to vector<16xf32>
      %swap3A_292 = vector.shape_cast %mul3A_287 : vector<16xf32> to vector<1x16xf32>
      tpu.vector_store %arg6[%swap3A_288, %swap3A_289], %swap3A_292 {strides = array<i32>} : memref<200x64xf32, #tpu.memory_space<vmem>>, vector<1x16xf32>,
      %get3A_293 = arith.index_cast %scan3A_270 : i32 to index
      %get3A_294 = arith.constant 32 : index
      %get3A_295 = tpu.vector_load %arg6[%get3A_293, %get3A_294] {strides = array<i32>} : memref<200x64xf32, #tpu.memory_space<vmem>>, vector<1x16xf32>,
      %get3A_296 = vector.shape_cast %get3A_295 : vector<1x16xf32> to vector<16xf32>
      %mul3A_297 = arith.constant 8.000000e+00 : f32
      %mul3A_298 = vector.broadcast %mul3A_297 : f32 to vector<16xf32>
      %mul3A_299 = arith.mulf %get3A_296, %mul3A_298 : vector<16xf32>
      %swap3A_300 = arith.index_cast %scan3A_270 : i32 to index
      %swap3A_301 = arith.constant 32 : index
      %swap3A_302 = tpu.vector_load %arg6[%swap3A_300, %swap3A_301] {strides = array<i32>} : memref<200x64xf32, #tpu.memory_space<vmem>>, vector<1x16xf32>,
      %swap3A_303 = vector.shape_cast %swap3A_302 : vector<1x16xf32> to vector<16xf32>
      %swap3A_304 = vector.shape_cast %mul3A_299 : vector<16xf32> to vector<1x16xf32>
      tpu.vector_store %arg6[%swap3A_300, %swap3A_301], %swap3A_304 {strides = array<i32>} : memref<200x64xf32, #tpu.memory_space<vmem>>, vector<1x16xf32>,
      %get3A_305 = arith.index_cast %scan3A_270 : i32 to index
      %get3A_306 = arith.constant 48 : index
      %get3A_307 = tpu.vector_load %arg6[%get3A_305, %get3A_306] {strides = array<i32>} : memref<200x64xf32, #tpu.memory_space<vmem>>, vector<1x16xf32>,
      %get3A_308 = vector.shape_cast %get3A_307 : vector<1x16xf32> to vector<16xf32>
      %mul3A_309 = arith.constant 8.000000e+00 : f32
      %mul3A_310 = vector.broadcast %mul3A_309 : f32 to vector<16xf32>
      %mul3A_311 = arith.mulf %get3A_308, %mul3A_310 : vector<16xf32>
      %swap3A_312 = arith.index_cast %scan3A_270 : i32 to index
      %swap3A_313 = arith.constant 48 : index
      %swap3A_314 = tpu.vector_load %arg6[%swap3A_312, %swap3A_313] {strides = array<i32>} : memref<200x64xf32, #tpu.memory_space<vmem>>, vector<1x16xf32>,
      %swap3A_315 = vector.shape_cast %swap3A_314 : vector<1x16xf32> to vector<16xf32>
      %swap3A_316 = vector.shape_cast %mul3A_311 : vector<16xf32> to vector<1x16xf32>
      tpu.vector_store %arg6[%swap3A_312, %swap3A_313], %swap3A_316 {strides = array<i32>} : memref<200x64xf32, #tpu.memory_space<vmem>>, vector<1x16xf32>,
      %scan3A_317 = arith.constant 1 : i32
      %scan3A_318 = arith.addi %scan3A_270, %scan3A_317 : i32
      %get3A_319 = arith.index_cast %scan3A_318 : i32 to index
      %get3A_320 = arith.constant 0 : index
      %get3A_321 = tpu.vector_load %arg6[%get3A_319, %get3A_320] {strides = array<i32>} : memref<200x64xf32, #tpu.memory_space<vmem>>, vector<1x16xf32>,
      %get3A_322 = vector.shape_cast %get3A_321 : vector<1x16xf32> to vector<16xf32>
      %mul3A_323 = arith.constant 8.000000e+00 : f32
      %mul3A_324 = vector.broadcast %mul3A_323 : f32 to vector<16xf32>
      %mul3A_325 = arith.mulf %get3A_322, %mul3A_324 : vector<16xf32>
      %swap3A_326 = arith.index_cast %scan3A_318 : i32 to index
      %swap3A_327 = arith.constant 0 : index
      %swap3A_328 = tpu.vector_load %arg6[%swap3A_326, %swap3A_327] {strides = array<i32>} : memref<200x64xf32, #tpu.memory_space<vmem>>, vector<1x16xf32>,
      %swap3A_329 = vector.shape_cast %swap3A_328 : vector<1x16xf32> to vector<16xf32>
      %swap3A_330 = vector.shape_cast %mul3A_325 : vector<16xf32> to vector<1x16xf32>
      tpu.vector_store %arg6[%swap3A_326, %swap3A_327], %swap3A_330 {strides = array<i32>} : memref<200x64xf32, #tpu.memory_space<vmem>>, vector<1x16xf32>,
      %get3A_331 = arith.index_cast %scan3A_318 : i32 to index
      %get3A_332 = arith.constant 16 : index
      %get3A_333 = tpu.vector_load %arg6[%get3A_331, %get3A_332] {strides = array<i32>} : memref<200x64xf32, #tpu.memory_space<vmem>>, vector<1x16xf32>,
      %get3A_334 = vector.shape_cast %get3A_333 : vector<1x16xf32> to vector<16xf32>
      %mul3A_335 = arith.constant 8.000000e+00 : f32
      %mul3A_336 = vector.broadcast %mul3A_335 : f32 to vector<16xf32>
      %mul3A_337 = arith.mulf %get3A_334, %mul3A_336 : vector<16xf32>
      %swap3A_338 = arith.index_cast %scan3A_318 : i32 to index
      %swap3A_339 = arith.constant 16 : index
      %swap3A_340 = tpu.vector_load %arg6[%swap3A_338, %swap3A_339] {strides = array<i32>} : memref<200x64xf32, #tpu.memory_space<vmem>>, vector<1x16xf32>,
      %swap3A_341 = vector.shape_cast %swap3A_340 : vector<1x16xf32> to vector<16xf32>
      %swap3A_342 = vector.shape_cast %mul3A_337 : vector<16xf32> to vector<1x16xf32>
      tpu.vector_store %arg6[%swap3A_338, %swap3A_339], %swap3A_342 {strides = array<i32>} : memref<200x64xf32, #tpu.memory_space<vmem>>, vector<1x16xf32>,
      %get3A_343 = arith.index_cast %scan3A_318 : i32 to index
      %get3A_344 = arith.constant 32 : index
      %get3A_345 = tpu.vector_load %arg6[%get3A_343, %get3A_344] {strides = array<i32>} : memref<200x64xf32, #tpu.memory_space<vmem>>, vector<1x16xf32>,
      %get3A_346 = vector.shape_cast %get3A_345 : vector<1x16xf32> to vector<16xf32>
      %mul3A_347 = arith.constant 8.000000e+00 : f32
      %mul3A_348 = vector.broadcast %mul3A_347 : f32 to vector<16xf32>
      %mul3A_349 = arith.mulf %get3A_346, %mul3A_348 : vector<16xf32>
      %swap3A_350 = arith.index_cast %scan3A_318 : i32 to index
      %swap3A_351 = arith.constant 32 : index
      %swap3A_352 = tpu.vector_load %arg6[%swap3A_350, %swap3A_351] {strides = array<i32>} : memref<200x64xf32, #tpu.memory_space<vmem>>, vector<1x16xf32>,
      %swap3A_353 = vector.shape_cast %swap3A_352 : vector<1x16xf32> to vector<16xf32>
      %swap3A_354 = vector.shape_cast %mul3A_349 : vector<16xf32> to vector<1x16xf32>
      tpu.vector_store %arg6[%swap3A_350, %swap3A_351], %swap3A_354 {strides = array<i32>} : memref<200x64xf32, #tpu.memory_space<vmem>>, vector<1x16xf32>,
      %get3A_355 = arith.index_cast %scan3A_318 : i32 to index
      %get3A_356 = arith.constant 48 : index
      %get3A_357 = tpu.vector_load %arg6[%get3A_355, %get3A_356] {strides = array<i32>} : memref<200x64xf32, #tpu.memory_space<vmem>>, vector<1x16xf32>,
      %get3A_358 = vector.shape_cast %get3A_357 : vector<1x16xf32> to vector<16xf32>
      %mul3A_359 = arith.constant 8.000000e+00 : f32
      %mul3A_360 = vector.broadcast %mul3A_359 : f32 to vector<16xf32>
      %mul3A_361 = arith.mulf %get3A_358, %mul3A_360 : vector<16xf32>
      %swap3A_362 = arith.index_cast %scan3A_318 : i32 to index
      %swap3A_363 = arith.constant 48 : index
      %swap3A_364 = tpu.vector_load %arg6[%swap3A_362, %swap3A_363] {strides = array<i32>} : memref<200x64xf32, #tpu.memory_space<vmem>>, vector<1x16xf32>,
      %swap3A_365 = vector.shape_cast %swap3A_364 : vector<1x16xf32> to vector<16xf32>
      %swap3A_366 = vector.shape_cast %mul3A_361 : vector<16xf32> to vector<1x16xf32>
      tpu.vector_store %arg6[%swap3A_362, %swap3A_363], %swap3A_366 {strides = array<i32>} : memref<200x64xf32, #tpu.memory_space<vmem>>, vector<1x16xf32>,
      %scan3A_367 = arith.constant 2 : i32
      %scan3A_368 = arith.addi %scan3A_270, %scan3A_367 : i32
      %get3A_369 = arith.index_cast %scan3A_368 : i32 to index
      %get3A_370 = arith.constant 0 : index
      %get3A_371 = tpu.vector_load %arg6[%get3A_369, %get3A_370] {strides = array<i32>} : memref<200x64xf32, #tpu.memory_space<vmem>>, vector<1x16xf32>,
      %get3A_372 = vector.shape_cast %get3A_371 : vector<1x16xf32> to vector<16xf32>
      %mul3A_373 = arith.constant 8.000000e+00 : f32
      %mul3A_374 = vector.broadcast %mul3A_373 : f32 to vector<16xf32>
      %mul3A_375 = arith.mulf %get3A_372, %mul3A_374 : vector<16xf32>
      %swap3A_376 = arith.index_cast %scan3A_368 : i32 to index
      %swap3A_377 = arith.constant 0 : index
      %swap3A_378 = tpu.vector_load %arg6[%swap3A_376, %swap3A_377] {strides = array<i32>} : memref<200x64xf32, #tpu.memory_space<vmem>>, vector<1x16xf32>,
      %swap3A_379 = vector.shape_cast %swap3A_378 : vector<1x16xf32> to vector<16xf32>
      %swap3A_380 = vector.shape_cast %mul3A_375 : vector<16xf32> to vector<1x16xf32>
      tpu.vector_store %arg6[%swap3A_376, %swap3A_377], %swap3A_380 {strides = array<i32>} : memref<200x64xf32, #tpu.memory_space<vmem>>, vector<1x16xf32>,
      %get3A_381 = arith.index_cast %scan3A_368 : i32 to index
      %get3A_382 = arith.constant 16 : index
      %get3A_383 = tpu.vector_load %arg6[%get3A_381, %get3A_382] {strides = array<i32>} : memref<200x64xf32, #tpu.memory_space<vmem>>, vector<1x16xf32>,
      %get3A_384 = vector.shape_cast %get3A_383 : vector<1x16xf32> to vector<16xf32>
      %mul3A_385 = arith.constant 8.000000e+00 : f32
      %mul3A_386 = vector.broadcast %mul3A_385 : f32 to vector<16xf32>
      %mul3A_387 = arith.mulf %get3A_384, %mul3A_386 : vector<16xf32>
      %swap3A_388 = arith.index_cast %scan3A_368 : i32 to index
      %swap3A_389 = arith.constant 16 : index
      %swap3A_390 = tpu.vector_load %arg6[%swap3A_388, %swap3A_389] {strides = array<i32>} : memref<200x64xf32, #tpu.memory_space<vmem>>, vector<1x16xf32>,
      %swap3A_391 = vector.shape_cast %swap3A_390 : vector<1x16xf32> to vector<16xf32>
      %swap3A_392 = vector.shape_cast %mul3A_387 : vector<16xf32> to vector<1x16xf32>
      tpu.vector_store %arg6[%swap3A_388, %swap3A_389], %swap3A_392 {strides = array<i32>} : memref<200x64xf32, #tpu.memory_space<vmem>>, vector<1x16xf32>,
      %get3A_393 = arith.index_cast %scan3A_368 : i32 to index
      %get3A_394 = arith.constant 32 : index
      %get3A_395 = tpu.vector_load %arg6[%get3A_393, %get3A_394] {strides = array<i32>} : memref<200x64xf32, #tpu.memory_space<vmem>>, vector<1x16xf32>,
      %get3A_396 = vector.shape_cast %get3A_395 : vector<1x16xf32> to vector<16xf32>
      %mul3A_397 = arith.constant 8.000000e+00 : f32
      %mul3A_398 = vector.broadcast %mul3A_397 : f32 to vector<16xf32>
      %mul3A_399 = arith.mulf %get3A_396, %mul3A_398 : vector<16xf32>
      %swap3A_400 = arith.index_cast %scan3A_368 : i32 to index
      %swap3A_401 = arith.constant 32 : index
      %swap3A_402 = tpu.vector_load %arg6[%swap3A_400, %swap3A_401] {strides = array<i32>} : memref<200x64xf32, #tpu.memory_space<vmem>>, vector<1x16xf32>,
      %swap3A_403 = vector.shape_cast %swap3A_402 : vector<1x16xf32> to vector<16xf32>
      %swap3A_404 = vector.shape_cast %mul3A_399 : vector<16xf32> to vector<1x16xf32>
      tpu.vector_store %arg6[%swap3A_400, %swap3A_401], %swap3A_404 {strides = array<i32>} : memref<200x64xf32, #tpu.memory_space<vmem>>, vector<1x16xf32>,
      %get3A_405 = arith.index_cast %scan3A_368 : i32 to index
      %get3A_406 = arith.constant 48 : index
      %get3A_407 = tpu.vector_load %arg6[%get3A_405, %get3A_406] {strides = array<i32>} : memref<200x64xf32, #tpu.memory_space<vmem>>, vector<1x16xf32>,
      %get3A_408 = vector.shape_cast %get3A_407 : vector<1x16xf32> to vector<16xf32>
      %mul3A_409 = arith.constant 8.000000e+00 : f32
      %mul3A_410 = vector.broadcast %mul3A_409 : f32 to vector<16xf32>
      %mul3A_411 = arith.mulf %get3A_408, %mul3A_410 : vector<16xf32>
      %swap3A_412 = arith.index_cast %scan3A_368 : i32 to index
      %swap3A_413 = arith.constant 48 : index
      %swap3A_414 = tpu.vector_load %arg6[%swap3A_412, %swap3A_413] {strides = array<i32>} : memref<200x64xf32, #tpu.memory_space<vmem>>, vector<1x16xf32>,
      %swap3A_415 = vector.shape_cast %swap3A_414 : vector<1x16xf32> to vector<16xf32>
      %swap3A_416 = vector.shape_cast %mul3A_411 : vector<16xf32> to vector<1x16xf32>
      tpu.vector_store %arg6[%swap3A_412, %swap3A_413], %swap3A_416 {strides = array<i32>} : memref<200x64xf32, #tpu.memory_space<vmem>>, vector<1x16xf32>,
      %scan3A_417 = arith.constant 3 : i32
      %scan3A_418 = arith.addi %scan3A_270, %scan3A_417 : i32
      %get3A_419 = arith.index_cast %scan3A_418 : i32 to index
      %get3A_420 = arith.constant 0 : index
      %get3A_421 = tpu.vector_load %arg6[%get3A_419, %get3A_420] {strides = array<i32>} : memref<200x64xf32, #tpu.memory_space<vmem>>, vector<1x16xf32>,
      %get3A_422 = vector.shape_cast %get3A_421 : vector<1x16xf32> to vector<16xf32>
      %mul3A_423 = arith.constant 8.000000e+00 : f32
      %mul3A_424 = vector.broadcast %mul3A_423 : f32 to vector<16xf32>
      %mul3A_425 = arith.mulf %get3A_422, %mul3A_424 : vector<16xf32>
      %swap3A_426 = arith.index_cast %scan3A_418 : i32 to index
      %swap3A_427 = arith.constant 0 : index
      %swap3A_428 = tpu.vector_load %arg6[%swap3A_426, %swap3A_427] {strides = array<i32>} : memref<200x64xf32, #tpu.memory_space<vmem>>, vector<1x16xf32>,
      %swap3A_429 = vector.shape_cast %swap3A_428 : vector<1x16xf32> to vector<16xf32>
      %swap3A_430 = vector.shape_cast %mul3A_425 : vector<16xf32> to vector<1x16xf32>
      tpu.vector_store %arg6[%swap3A_426, %swap3A_427], %swap3A_430 {strides = array<i32>} : memref<200x64xf32, #tpu.memory_space<vmem>>, vector<1x16xf32>,
      %get3A_431 = arith.index_cast %scan3A_418 : i32 to index
      %get3A_432 = arith.constant 16 : index
      %get3A_433 = tpu.vector_load %arg6[%get3A_431, %get3A_432] {strides = array<i32>} : memref<200x64xf32, #tpu.memory_space<vmem>>, vector<1x16xf32>,
      %get3A_434 = vector.shape_cast %get3A_433 : vector<1x16xf32> to vector<16xf32>
      %mul3A_435 = arith.constant 8.000000e+00 : f32
      %mul3A_436 = vector.broadcast %mul3A_435 : f32 to vector<16xf32>
      %mul3A_437 = arith.mulf %get3A_434, %mul3A_436 : vector<16xf32>
      %swap3A_438 = arith.index_cast %scan3A_418 : i32 to index
      %swap3A_439 = arith.constant 16 : index
      %swap3A_440 = tpu.vector_load %arg6[%swap3A_438, %swap3A_439] {strides = array<i32>} : memref<200x64xf32, #tpu.memory_space<vmem>>, vector<1x16xf32>,
      %swap3A_441 = vector.shape_cast %swap3A_440 : vector<1x16xf32> to vector<16xf32>
      %swap3A_442 = vector.shape_cast %mul3A_437 : vector<16xf32> to vector<1x16xf32>
      tpu.vector_store %arg6[%swap3A_438, %swap3A_439], %swap3A_442 {strides = array<i32>} : memref<200x64xf32, #tpu.memory_space<vmem>>, vector<1x16xf32>,
      %get3A_443 = arith.index_cast %scan3A_418 : i32 to index
      %get3A_444 = arith.constant 32 : index
      %get3A_445 = tpu.vector_load %arg6[%get3A_443, %get3A_444] {strides = array<i32>} : memref<200x64xf32, #tpu.memory_space<vmem>>, vector<1x16xf32>,
      %get3A_446 = vector.shape_cast %get3A_445 : vector<1x16xf32> to vector<16xf32>
      %mul3A_447 = arith.constant 8.000000e+00 : f32
      %mul3A_448 = vector.broadcast %mul3A_447 : f32 to vector<16xf32>
      %mul3A_449 = arith.mulf %get3A_446, %mul3A_448 : vector<16xf32>
      %swap3A_450 = arith.index_cast %scan3A_418 : i32 to index
      %swap3A_451 = arith.constant 32 : index
      %swap3A_452 = tpu.vector_load %arg6[%swap3A_450, %swap3A_451] {strides = array<i32>} : memref<200x64xf32, #tpu.memory_space<vmem>>, vector<1x16xf32>,
      %swap3A_453 = vector.shape_cast %swap3A_452 : vector<1x16xf32> to vector<16xf32>
      %swap3A_454 = vector.shape_cast %mul3A_449 : vector<16xf32> to vector<1x16xf32>
      tpu.vector_store %arg6[%swap3A_450, %swap3A_451], %swap3A_454 {strides = array<i32>} : memref<200x64xf32, #tpu.memory_space<vmem>>, vector<1x16xf32>,
      %get3A_455 = arith.index_cast %scan3A_418 : i32 to index
      %get3A_456 = arith.constant 48 : index
      %get3A_457 = tpu.vector_load %arg6[%get3A_455, %get3A_456] {strides = array<i32>} : memref<200x64xf32, #tpu.memory_space<vmem>>, vector<1x16xf32>,
      %get3A_458 = vector.shape_cast %get3A_457 : vector<1x16xf32> to vector<16xf32>
      %mul3A_459 = arith.constant 8.000000e+00 : f32
      %mul3A_460 = vector.broadcast %mul3A_459 : f32 to vector<16xf32>
      %mul3A_461 = arith.mulf %get3A_458, %mul3A_460 : vector<16xf32>
      %swap3A_462 = arith.index_cast %scan3A_418 : i32 to index
      %swap3A_463 = arith.constant 48 : index
      %swap3A_464 = tpu.vector_load %arg6[%swap3A_462, %swap3A_463] {strides = array<i32>} : memref<200x64xf32, #tpu.memory_space<vmem>>, vector<1x16xf32>,
      %swap3A_465 = vector.shape_cast %swap3A_464 : vector<1x16xf32> to vector<16xf32>
      %swap3A_466 = vector.shape_cast %mul3A_461 : vector<16xf32> to vector<1x16xf32>
      tpu.vector_store %arg6[%swap3A_462, %swap3A_463], %swap3A_466 {strides = array<i32>} : memref<200x64xf32, #tpu.memory_space<vmem>>, vector<1x16xf32>,
    }
    %scan3A_111 = arith.constant 200 : i32
    %add3A_112 = arith.constant 124 : i32
    %add3A_113 = arith.addi %mul3A_2, %add3A_112 : i32
    %dma_start3A_114 = arith.constant 0 : i32
    %dma_start3A_115 = arith.constant 0 : i32
    %dma_start3A_116 = tpu.memref_slice %arg4[%add3A_113, %dma_start3A_114, %dma_start3A_115] : memref<4096x200x64xf32, #tpu.memory_space<hbm>> -> memref<1x200x64xf32, #tpu.memory_space<hbm>>
    %dma_start3A_117 = tpu.memref_squeeze %dma_start3A_116 : memref<1x200x64xf32, #tpu.memory_space<hbm>> -> memref<200x64xf32, #tpu.memory_space<hbm>>
    %dma_start3A_118 = arith.constant 0 : i32
    %dma_start3A_119 = arith.constant 0 : i32
    %dma_start3A_120 = tpu.memref_slice %arg4[%add3A_113, %dma_start3A_118, %dma_start3A_119] : memref<4096x200x64xf32, #tpu.memory_space<hbm>> -> memref<1x200x64xf32, #tpu.memory_space<hbm>>
    %dma_start3A_121 = tpu.memref_squeeze %dma_start3A_120 : memref<1x200x64xf32, #tpu.memory_space<hbm>> -> memref<200x64xf32, #tpu.memory_space<hbm>>
    tpu.enqueue_dma source(%arg6 : memref<200x64xf32, #tpu.memory_space<vmem>>) target(%dma_start3A_121 : memref<200x64xf32, #tpu.memory_space<hbm>>) target_semaphore(%arg14 : memref<!tpu.dma_semaphore, #tpu.memory_space<semaphore_mem>>)
    %dma_wait3A_122 = arith.constant 125 : i32
    %dma_wait3A_123 = arith.constant 0 : i32
    %dma_wait3A_124 = arith.constant 0 : i32
    %dma_wait3A_125 = tpu.memref_slice %arg7[%dma_wait3A_123, %dma_wait3A_124] : memref<200x64xf32, #tpu.memory_space<vmem>> -> memref<104x64xf32, #tpu.memory_space<vmem>>
    %dma_wait3A_126 = arith.constant 0 : i32
    %dma_wait3A_127 = tpu.memref_slice %arg5[%dma_wait3A_122, %dma_wait3A_126] : memref<128x200xi32, #tpu.memory_space<vmem>> -> memref<1x104xi32, #tpu.memory_space<vmem>>
    %dma_wait3A_128 = tpu.memref_squeeze %dma_wait3A_127 : memref<1x104xi32, #tpu.memory_space<vmem>> -> memref<104xi32, #tpu.memory_space<vmem>>
    %dma_wait3A_129 = arith.constant 0 : i32
    %dma_wait3A_130 = arith.constant 0 : i32
    %dma_wait3A_131 = tpu.memref_slice %arg3[%dma_wait3A_129, %dma_wait3A_130] : memref<1000000x64xf32, #tpu.memory_space<hbm>> -> memref<1000000x64xf32, #tpu.memory_space<hbm>>
    tpu.wait_indirect_dma semaphore(%arg11 : memref<!tpu.dma_semaphore, #tpu.memory_space<semaphore_mem>>) src(%dma_wait3A_131 : memref<1000000x64xf32, #tpu.memory_space<hbm>>) dst(%dma_wait3A_125 : memref<104x64xf32, #tpu.memory_space<vmem>>)
    %dma_wait3A_132 = arith.constant 125 : i32
    %dma_wait3A_133 = arith.constant 104 : i32
    %dma_wait3A_134 = arith.constant 0 : i32
    %dma_wait3A_135 = tpu.memref_slice %arg7[%dma_wait3A_133, %dma_wait3A_134] : memref<200x64xf32, #tpu.memory_space<vmem>> -> memref<96x64xf32, #tpu.memory_space<vmem>>
    %dma_wait3A_136 = arith.constant 104 : i32
    %dma_wait3A_137 = tpu.memref_slice %arg5[%dma_wait3A_132, %dma_wait3A_136] : memref<128x200xi32, #tpu.memory_space<vmem>> -> memref<1x96xi32, #tpu.memory_space<vmem>>
    %dma_wait3A_138 = tpu.memref_squeeze %dma_wait3A_137 : memref<1x96xi32, #tpu.memory_space<vmem>> -> memref<96xi32, #tpu.memory_space<vmem>>
    %dma_wait3A_139 = arith.constant 0 : i32
    %dma_wait3A_140 = arith.constant 0 : i32
    %dma_wait3A_141 = tpu.memref_slice %arg3[%dma_wait3A_139, %dma_wait3A_140] : memref<1000000x64xf32, #tpu.memory_space<hbm>> -> memref<1000000x64xf32, #tpu.memory_space<hbm>>
    tpu.wait_indirect_dma semaphore(%arg11 : memref<!tpu.dma_semaphore, #tpu.memory_space<semaphore_mem>>) src(%dma_wait3A_141 : memref<1000000x64xf32, #tpu.memory_space<hbm>>) dst(%dma_wait3A_135 : memref<96x64xf32, #tpu.memory_space<vmem>>)
    %scan3A_142 = arith.constant 0 : i32
    %scan3A_143 = arith.constant 0 : i32
    %scan3A_144 = arith.constant 200 : i32
    %scan3A_145 = arith.addi %scan3A_143, %scan3A_144 : i32
    %scan3A_146 = arith.constant 4 : i32
    scf.for %scan3A_270 = %scan3A_143 to %scan3A_145 step %scan3A_146  : i32 {
      %get3A = arith.index_cast %scan3A_270 : i32 to index
      %get3A_271 = arith.constant 0 : index
      %get3A_272 = tpu.vector_load %arg7[%get3A, %get3A_271] {strides = array<i32>} : memref<200x64xf32, #tpu.memory_space<vmem>>, vector<1x16xf32>,
      %get3A_273 = vector.shape_cast %get3A_272 : vector<1x16xf32> to vector<16xf32>
      %mul3A_274 = arith.constant 8.000000e+00 : f32
      %mul3A_275 = vector.broadcast %mul3A_274 : f32 to vector<16xf32>
      %mul3A_276 = arith.mulf %get3A_273, %mul3A_275 : vector<16xf32>
      %swap3A = arith.index_cast %scan3A_270 : i32 to index
      %swap3A_277 = arith.constant 0 : index
      %swap3A_278 = tpu.vector_load %arg7[%swap3A, %swap3A_277] {strides = array<i32>} : memref<200x64xf32, #tpu.memory_space<vmem>>, vector<1x16xf32>,
      %swap3A_279 = vector.shape_cast %swap3A_278 : vector<1x16xf32> to vector<16xf32>
      %swap3A_280 = vector.shape_cast %mul3A_276 : vector<16xf32> to vector<1x16xf32>
      tpu.vector_store %arg7[%swap3A, %swap3A_277], %swap3A_280 {strides = array<i32>} : memref<200x64xf32, #tpu.memory_space<vmem>>, vector<1x16xf32>,
      %get3A_281 = arith.index_cast %scan3A_270 : i32 to index
      %get3A_282 = arith.constant 16 : index
      %get3A_283 = tpu.vector_load %arg7[%get3A_281, %get3A_282] {strides = array<i32>} : memref<200x64xf32, #tpu.memory_space<vmem>>, vector<1x16xf32>,
      %get3A_284 = vector.shape_cast %get3A_283 : vector<1x16xf32> to vector<16xf32>
      %mul3A_285 = arith.constant 8.000000e+00 : f32
      %mul3A_286 = vector.broadcast %mul3A_285 : f32 to vector<16xf32>
      %mul3A_287 = arith.mulf %get3A_284, %mul3A_286 : vector<16xf32>
      %swap3A_288 = arith.index_cast %scan3A_270 : i32 to index
      %swap3A_289 = arith.constant 16 : index
      %swap3A_290 = tpu.vector_load %arg7[%swap3A_288, %swap3A_289] {strides = array<i32>} : memref<200x64xf32, #tpu.memory_space<vmem>>, vector<1x16xf32>,
      %swap3A_291 = vector.shape_cast %swap3A_290 : vector<1x16xf32> to vector<16xf32>
      %swap3A_292 = vector.shape_cast %mul3A_287 : vector<16xf32> to vector<1x16xf32>
      tpu.vector_store %arg7[%swap3A_288, %swap3A_289], %swap3A_292 {strides = array<i32>} : memref<200x64xf32, #tpu.memory_space<vmem>>, vector<1x16xf32>,
      %get3A_293 = arith.index_cast %scan3A_270 : i32 to index
      %get3A_294 = arith.constant 32 : index
      %get3A_295 = tpu.vector_load %arg7[%get3A_293, %get3A_294] {strides = array<i32>} : memref<200x64xf32, #tpu.memory_space<vmem>>, vector<1x16xf32>,
      %get3A_296 = vector.shape_cast %get3A_295 : vector<1x16xf32> to vector<16xf32>
      %mul3A_297 = arith.constant 8.000000e+00 : f32
      %mul3A_298 = vector.broadcast %mul3A_297 : f32 to vector<16xf32>
      %mul3A_299 = arith.mulf %get3A_296, %mul3A_298 : vector<16xf32>
      %swap3A_300 = arith.index_cast %scan3A_270 : i32 to index
      %swap3A_301 = arith.constant 32 : index
      %swap3A_302 = tpu.vector_load %arg7[%swap3A_300, %swap3A_301] {strides = array<i32>} : memref<200x64xf32, #tpu.memory_space<vmem>>, vector<1x16xf32>,
      %swap3A_303 = vector.shape_cast %swap3A_302 : vector<1x16xf32> to vector<16xf32>
      %swap3A_304 = vector.shape_cast %mul3A_299 : vector<16xf32> to vector<1x16xf32>
      tpu.vector_store %arg7[%swap3A_300, %swap3A_301], %swap3A_304 {strides = array<i32>} : memref<200x64xf32, #tpu.memory_space<vmem>>, vector<1x16xf32>,
      %get3A_305 = arith.index_cast %scan3A_270 : i32 to index
      %get3A_306 = arith.constant 48 : index
      %get3A_307 = tpu.vector_load %arg7[%get3A_305, %get3A_306] {strides = array<i32>} : memref<200x64xf32, #tpu.memory_space<vmem>>, vector<1x16xf32>,
      %get3A_308 = vector.shape_cast %get3A_307 : vector<1x16xf32> to vector<16xf32>
      %mul3A_309 = arith.constant 8.000000e+00 : f32
      %mul3A_310 = vector.broadcast %mul3A_309 : f32 to vector<16xf32>
      %mul3A_311 = arith.mulf %get3A_308, %mul3A_310 : vector<16xf32>
      %swap3A_312 = arith.index_cast %scan3A_270 : i32 to index
      %swap3A_313 = arith.constant 48 : index
      %swap3A_314 = tpu.vector_load %arg7[%swap3A_312, %swap3A_313] {strides = array<i32>} : memref<200x64xf32, #tpu.memory_space<vmem>>, vector<1x16xf32>,
      %swap3A_315 = vector.shape_cast %swap3A_314 : vector<1x16xf32> to vector<16xf32>
      %swap3A_316 = vector.shape_cast %mul3A_311 : vector<16xf32> to vector<1x16xf32>
      tpu.vector_store %arg7[%swap3A_312, %swap3A_313], %swap3A_316 {strides = array<i32>} : memref<200x64xf32, #tpu.memory_space<vmem>>, vector<1x16xf32>,
      %scan3A_317 = arith.constant 1 : i32
      %scan3A_318 = arith.addi %scan3A_270, %scan3A_317 : i32
      %get3A_319 = arith.index_cast %scan3A_318 : i32 to index
      %get3A_320 = arith.constant 0 : index
      %get3A_321 = tpu.vector_load %arg7[%get3A_319, %get3A_320] {strides = array<i32>} : memref<200x64xf32, #tpu.memory_space<vmem>>, vector<1x16xf32>,
      %get3A_322 = vector.shape_cast %get3A_321 : vector<1x16xf32> to vector<16xf32>
      %mul3A_323 = arith.constant 8.000000e+00 : f32
      %mul3A_324 = vector.broadcast %mul3A_323 : f32 to vector<16xf32>
      %mul3A_325 = arith.mulf %get3A_322, %mul3A_324 : vector<16xf32>
      %swap3A_326 = arith.index_cast %scan3A_318 : i32 to index
      %swap3A_327 = arith.constant 0 : index
      %swap3A_328 = tpu.vector_load %arg7[%swap3A_326, %swap3A_327] {strides = array<i32>} : memref<200x64xf32, #tpu.memory_space<vmem>>, vector<1x16xf32>,
      %swap3A_329 = vector.shape_cast %swap3A_328 : vector<1x16xf32> to vector<16xf32>
      %swap3A_330 = vector.shape_cast %mul3A_325 : vector<16xf32> to vector<1x16xf32>
      tpu.vector_store %arg7[%swap3A_326, %swap3A_327], %swap3A_330 {strides = array<i32>} : memref<200x64xf32, #tpu.memory_space<vmem>>, vector<1x16xf32>,
      %get3A_331 = arith.index_cast %scan3A_318 : i32 to index
      %get3A_332 = arith.constant 16 : index
      %get3A_333 = tpu.vector_load %arg7[%get3A_331, %get3A_332] {strides = array<i32>} : memref<200x64xf32, #tpu.memory_space<vmem>>, vector<1x16xf32>,
      %get3A_334 = vector.shape_cast %get3A_333 : vector<1x16xf32> to vector<16xf32>
      %mul3A_335 = arith.constant 8.000000e+00 : f32
      %mul3A_336 = vector.broadcast %mul3A_335 : f32 to vector<16xf32>
      %mul3A_337 = arith.mulf %get3A_334, %mul3A_336 : vector<16xf32>
      %swap3A_338 = arith.index_cast %scan3A_318 : i32 to index
      %swap3A_339 = arith.constant 16 : index
      %swap3A_340 = tpu.vector_load %arg7[%swap3A_338, %swap3A_339] {strides = array<i32>} : memref<200x64xf32, #tpu.memory_space<vmem>>, vector<1x16xf32>,
      %swap3A_341 = vector.shape_cast %swap3A_340 : vector<1x16xf32> to vector<16xf32>
      %swap3A_342 = vector.shape_cast %mul3A_337 : vector<16xf32> to vector<1x16xf32>
      tpu.vector_store %arg7[%swap3A_338, %swap3A_339], %swap3A_342 {strides = array<i32>} : memref<200x64xf32, #tpu.memory_space<vmem>>, vector<1x16xf32>,
      %get3A_343 = arith.index_cast %scan3A_318 : i32 to index
      %get3A_344 = arith.constant 32 : index
      %get3A_345 = tpu.vector_load %arg7[%get3A_343, %get3A_344] {strides = array<i32>} : memref<200x64xf32, #tpu.memory_space<vmem>>, vector<1x16xf32>,
      %get3A_346 = vector.shape_cast %get3A_345 : vector<1x16xf32> to vector<16xf32>
      %mul3A_347 = arith.constant 8.000000e+00 : f32
      %mul3A_348 = vector.broadcast %mul3A_347 : f32 to vector<16xf32>
      %mul3A_349 = arith.mulf %get3A_346, %mul3A_348 : vector<16xf32>
      %swap3A_350 = arith.index_cast %scan3A_318 : i32 to index
      %swap3A_351 = arith.constant 32 : index
      %swap3A_352 = tpu.vector_load %arg7[%swap3A_350, %swap3A_351] {strides = array<i32>} : memref<200x64xf32, #tpu.memory_space<vmem>>, vector<1x16xf32>,
      %swap3A_353 = vector.shape_cast %swap3A_352 : vector<1x16xf32> to vector<16xf32>
      %swap3A_354 = vector.shape_cast %mul3A_349 : vector<16xf32> to vector<1x16xf32>
      tpu.vector_store %arg7[%swap3A_350, %swap3A_351], %swap3A_354 {strides = array<i32>} : memref<200x64xf32, #tpu.memory_space<vmem>>, vector<1x16xf32>,
      %get3A_355 = arith.index_cast %scan3A_318 : i32 to index
      %get3A_356 = arith.constant 48 : index
      %get3A_357 = tpu.vector_load %arg7[%get3A_355, %get3A_356] {strides = array<i32>} : memref<200x64xf32, #tpu.memory_space<vmem>>, vector<1x16xf32>,
      %get3A_358 = vector.shape_cast %get3A_357 : vector<1x16xf32> to vector<16xf32>
      %mul3A_359 = arith.constant 8.000000e+00 : f32
      %mul3A_360 = vector.broadcast %mul3A_359 : f32 to vector<16xf32>
      %mul3A_361 = arith.mulf %get3A_358, %mul3A_360 : vector<16xf32>
      %swap3A_362 = arith.index_cast %scan3A_318 : i32 to index
      %swap3A_363 = arith.constant 48 : index
      %swap3A_364 = tpu.vector_load %arg7[%swap3A_362, %swap3A_363] {strides = array<i32>} : memref<200x64xf32, #tpu.memory_space<vmem>>, vector<1x16xf32>,
      %swap3A_365 = vector.shape_cast %swap3A_364 : vector<1x16xf32> to vector<16xf32>
      %swap3A_366 = vector.shape_cast %mul3A_361 : vector<16xf32> to vector<1x16xf32>
      tpu.vector_store %arg7[%swap3A_362, %swap3A_363], %swap3A_366 {strides = array<i32>} : memref<200x64xf32, #tpu.memory_space<vmem>>, vector<1x16xf32>,
      %scan3A_367 = arith.constant 2 : i32
      %scan3A_368 = arith.addi %scan3A_270, %scan3A_367 : i32
      %get3A_369 = arith.index_cast %scan3A_368 : i32 to index
      %get3A_370 = arith.constant 0 : index
      %get3A_371 = tpu.vector_load %arg7[%get3A_369, %get3A_370] {strides = array<i32>} : memref<200x64xf32, #tpu.memory_space<vmem>>, vector<1x16xf32>,
      %get3A_372 = vector.shape_cast %get3A_371 : vector<1x16xf32> to vector<16xf32>
      %mul3A_373 = arith.constant 8.000000e+00 : f32
      %mul3A_374 = vector.broadcast %mul3A_373 : f32 to vector<16xf32>
      %mul3A_375 = arith.mulf %get3A_372, %mul3A_374 : vector<16xf32>
      %swap3A_376 = arith.index_cast %scan3A_368 : i32 to index
      %swap3A_377 = arith.constant 0 : index
      %swap3A_378 = tpu.vector_load %arg7[%swap3A_376, %swap3A_377] {strides = array<i32>} : memref<200x64xf32, #tpu.memory_space<vmem>>, vector<1x16xf32>,
      %swap3A_379 = vector.shape_cast %swap3A_378 : vector<1x16xf32> to vector<16xf32>
      %swap3A_380 = vector.shape_cast %mul3A_375 : vector<16xf32> to vector<1x16xf32>
      tpu.vector_store %arg7[%swap3A_376, %swap3A_377], %swap3A_380 {strides = array<i32>} : memref<200x64xf32, #tpu.memory_space<vmem>>, vector<1x16xf32>,
      %get3A_381 = arith.index_cast %scan3A_368 : i32 to index
      %get3A_382 = arith.constant 16 : index
      %get3A_383 = tpu.vector_load %arg7[%get3A_381, %get3A_382] {strides = array<i32>} : memref<200x64xf32, #tpu.memory_space<vmem>>, vector<1x16xf32>,
      %get3A_384 = vector.shape_cast %get3A_383 : vector<1x16xf32> to vector<16xf32>
      %mul3A_385 = arith.constant 8.000000e+00 : f32
      %mul3A_386 = vector.broadcast %mul3A_385 : f32 to vector<16xf32>
      %mul3A_387 = arith.mulf %get3A_384, %mul3A_386 : vector<16xf32>
      %swap3A_388 = arith.index_cast %scan3A_368 : i32 to index
      %swap3A_389 = arith.constant 16 : index
      %swap3A_390 = tpu.vector_load %arg7[%swap3A_388, %swap3A_389] {strides = array<i32>} : memref<200x64xf32, #tpu.memory_space<vmem>>, vector<1x16xf32>,
      %swap3A_391 = vector.shape_cast %swap3A_390 : vector<1x16xf32> to vector<16xf32>
      %swap3A_392 = vector.shape_cast %mul3A_387 : vector<16xf32> to vector<1x16xf32>
      tpu.vector_store %arg7[%swap3A_388, %swap3A_389], %swap3A_392 {strides = array<i32>} : memref<200x64xf32, #tpu.memory_space<vmem>>, vector<1x16xf32>,
      %get3A_393 = arith.index_cast %scan3A_368 : i32 to index
      %get3A_394 = arith.constant 32 : index
      %get3A_395 = tpu.vector_load %arg7[%get3A_393, %get3A_394] {strides = array<i32>} : memref<200x64xf32, #tpu.memory_space<vmem>>, vector<1x16xf32>,
      %get3A_396 = vector.shape_cast %get3A_395 : vector<1x16xf32> to vector<16xf32>
      %mul3A_397 = arith.constant 8.000000e+00 : f32
      %mul3A_398 = vector.broadcast %mul3A_397 : f32 to vector<16xf32>
      %mul3A_399 = arith.mulf %get3A_396, %mul3A_398 : vector<16xf32>
      %swap3A_400 = arith.index_cast %scan3A_368 : i32 to index
      %swap3A_401 = arith.constant 32 : index
      %swap3A_402 = tpu.vector_load %arg7[%swap3A_400, %swap3A_401] {strides = array<i32>} : memref<200x64xf32, #tpu.memory_space<vmem>>, vector<1x16xf32>,
      %swap3A_403 = vector.shape_cast %swap3A_402 : vector<1x16xf32> to vector<16xf32>
      %swap3A_404 = vector.shape_cast %mul3A_399 : vector<16xf32> to vector<1x16xf32>
      tpu.vector_store %arg7[%swap3A_400, %swap3A_401], %swap3A_404 {strides = array<i32>} : memref<200x64xf32, #tpu.memory_space<vmem>>, vector<1x16xf32>,
      %get3A_405 = arith.index_cast %scan3A_368 : i32 to index
      %get3A_406 = arith.constant 48 : index
      %get3A_407 = tpu.vector_load %arg7[%get3A_405, %get3A_406] {strides = array<i32>} : memref<200x64xf32, #tpu.memory_space<vmem>>, vector<1x16xf32>,
      %get3A_408 = vector.shape_cast %get3A_407 : vector<1x16xf32> to vector<16xf32>
      %mul3A_409 = arith.constant 8.000000e+00 : f32
      %mul3A_410 = vector.broadcast %mul3A_409 : f32 to vector<16xf32>
      %mul3A_411 = arith.mulf %get3A_408, %mul3A_410 : vector<16xf32>
      %swap3A_412 = arith.index_cast %scan3A_368 : i32 to index
      %swap3A_413 = arith.constant 48 : index
      %swap3A_414 = tpu.vector_load %arg7[%swap3A_412, %swap3A_413] {strides = array<i32>} : memref<200x64xf32, #tpu.memory_space<vmem>>, vector<1x16xf32>,
      %swap3A_415 = vector.shape_cast %swap3A_414 : vector<1x16xf32> to vector<16xf32>
      %swap3A_416 = vector.shape_cast %mul3A_411 : vector<16xf32> to vector<1x16xf32>
      tpu.vector_store %arg7[%swap3A_412, %swap3A_413], %swap3A_416 {strides = array<i32>} : memref<200x64xf32, #tpu.memory_space<vmem>>, vector<1x16xf32>,
      %scan3A_417 = arith.constant 3 : i32
      %scan3A_418 = arith.addi %scan3A_270, %scan3A_417 : i32
      %get3A_419 = arith.index_cast %scan3A_418 : i32 to index
      %get3A_420 = arith.constant 0 : index
      %get3A_421 = tpu.vector_load %arg7[%get3A_419, %get3A_420] {strides = array<i32>} : memref<200x64xf32, #tpu.memory_space<vmem>>, vector<1x16xf32>,
      %get3A_422 = vector.shape_cast %get3A_421 : vector<1x16xf32> to vector<16xf32>
      %mul3A_423 = arith.constant 8.000000e+00 : f32
      %mul3A_424 = vector.broadcast %mul3A_423 : f32 to vector<16xf32>
      %mul3A_425 = arith.mulf %get3A_422, %mul3A_424 : vector<16xf32>
      %swap3A_426 = arith.index_cast %scan3A_418 : i32 to index
      %swap3A_427 = arith.constant 0 : index
      %swap3A_428 = tpu.vector_load %arg7[%swap3A_426, %swap3A_427] {strides = array<i32>} : memref<200x64xf32, #tpu.memory_space<vmem>>, vector<1x16xf32>,
      %swap3A_429 = vector.shape_cast %swap3A_428 : vector<1x16xf32> to vector<16xf32>
      %swap3A_430 = vector.shape_cast %mul3A_425 : vector<16xf32> to vector<1x16xf32>
      tpu.vector_store %arg7[%swap3A_426, %swap3A_427], %swap3A_430 {strides = array<i32>} : memref<200x64xf32, #tpu.memory_space<vmem>>, vector<1x16xf32>,
      %get3A_431 = arith.index_cast %scan3A_418 : i32 to index
      %get3A_432 = arith.constant 16 : index
      %get3A_433 = tpu.vector_load %arg7[%get3A_431, %get3A_432] {strides = array<i32>} : memref<200x64xf32, #tpu.memory_space<vmem>>, vector<1x16xf32>,
      %get3A_434 = vector.shape_cast %get3A_433 : vector<1x16xf32> to vector<16xf32>
      %mul3A_435 = arith.constant 8.000000e+00 : f32
      %mul3A_436 = vector.broadcast %mul3A_435 : f32 to vector<16xf32>
      %mul3A_437 = arith.mulf %get3A_434, %mul3A_436 : vector<16xf32>
      %swap3A_438 = arith.index_cast %scan3A_418 : i32 to index
      %swap3A_439 = arith.constant 16 : index
      %swap3A_440 = tpu.vector_load %arg7[%swap3A_438, %swap3A_439] {strides = array<i32>} : memref<200x64xf32, #tpu.memory_space<vmem>>, vector<1x16xf32>,
      %swap3A_441 = vector.shape_cast %swap3A_440 : vector<1x16xf32> to vector<16xf32>
      %swap3A_442 = vector.shape_cast %mul3A_437 : vector<16xf32> to vector<1x16xf32>
      tpu.vector_store %arg7[%swap3A_438, %swap3A_439], %swap3A_442 {strides = array<i32>} : memref<200x64xf32, #tpu.memory_space<vmem>>, vector<1x16xf32>,
      %get3A_443 = arith.index_cast %scan3A_418 : i32 to index
      %get3A_444 = arith.constant 32 : index
      %get3A_445 = tpu.vector_load %arg7[%get3A_443, %get3A_444] {strides = array<i32>} : memref<200x64xf32, #tpu.memory_space<vmem>>, vector<1x16xf32>,
      %get3A_446 = vector.shape_cast %get3A_445 : vector<1x16xf32> to vector<16xf32>
      %mul3A_447 = arith.constant 8.000000e+00 : f32
      %mul3A_448 = vector.broadcast %mul3A_447 : f32 to vector<16xf32>
      %mul3A_449 = arith.mulf %get3A_446, %mul3A_448 : vector<16xf32>
      %swap3A_450 = arith.index_cast %scan3A_418 : i32 to index
      %swap3A_451 = arith.constant 32 : index
      %swap3A_452 = tpu.vector_load %arg7[%swap3A_450, %swap3A_451] {strides = array<i32>} : memref<200x64xf32, #tpu.memory_space<vmem>>, vector<1x16xf32>,
      %swap3A_453 = vector.shape_cast %swap3A_452 : vector<1x16xf32> to vector<16xf32>
      %swap3A_454 = vector.shape_cast %mul3A_449 : vector<16xf32> to vector<1x16xf32>
      tpu.vector_store %arg7[%swap3A_450, %swap3A_451], %swap3A_454 {strides = array<i32>} : memref<200x64xf32, #tpu.memory_space<vmem>>, vector<1x16xf32>,
      %get3A_455 = arith.index_cast %scan3A_418 : i32 to index
      %get3A_456 = arith.constant 48 : index
      %get3A_457 = tpu.vector_load %arg7[%get3A_455, %get3A_456] {strides = array<i32>} : memref<200x64xf32, #tpu.memory_space<vmem>>, vector<1x16xf32>,
      %get3A_458 = vector.shape_cast %get3A_457 : vector<1x16xf32> to vector<16xf32>
      %mul3A_459 = arith.constant 8.000000e+00 : f32
      %mul3A_460 = vector.broadcast %mul3A_459 : f32 to vector<16xf32>
      %mul3A_461 = arith.mulf %get3A_458, %mul3A_460 : vector<16xf32>
      %swap3A_462 = arith.index_cast %scan3A_418 : i32 to index
      %swap3A_463 = arith.constant 48 : index
      %swap3A_464 = tpu.vector_load %arg7[%swap3A_462, %swap3A_463] {strides = array<i32>} : memref<200x64xf32, #tpu.memory_space<vmem>>, vector<1x16xf32>,
      %swap3A_465 = vector.shape_cast %swap3A_464 : vector<1x16xf32> to vector<16xf32>
      %swap3A_466 = vector.shape_cast %mul3A_461 : vector<16xf32> to vector<1x16xf32>
      tpu.vector_store %arg7[%swap3A_462, %swap3A_463], %swap3A_466 {strides = array<i32>} : memref<200x64xf32, #tpu.memory_space<vmem>>, vector<1x16xf32>,
    }
    %scan3A_147 = arith.constant 200 : i32
    %add3A_148 = arith.constant 125 : i32
    %add3A_149 = arith.addi %mul3A_2, %add3A_148 : i32
    %dma_start3A_150 = arith.constant 0 : i32
    %dma_start3A_151 = arith.constant 0 : i32
    %dma_start3A_152 = tpu.memref_slice %arg4[%add3A_149, %dma_start3A_150, %dma_start3A_151] : memref<4096x200x64xf32, #tpu.memory_space<hbm>> -> memref<1x200x64xf32, #tpu.memory_space<hbm>>
    %dma_start3A_153 = tpu.memref_squeeze %dma_start3A_152 : memref<1x200x64xf32, #tpu.memory_space<hbm>> -> memref<200x64xf32, #tpu.memory_space<hbm>>
    %dma_start3A_154 = arith.constant 0 : i32
    %dma_start3A_155 = arith.constant 0 : i32
    %dma_start3A_156 = tpu.memref_slice %arg4[%add3A_149, %dma_start3A_154, %dma_start3A_155] : memref<4096x200x64xf32, #tpu.memory_space<hbm>> -> memref<1x200x64xf32, #tpu.memory_space<hbm>>
    %dma_start3A_157 = tpu.memref_squeeze %dma_start3A_156 : memref<1x200x64xf32, #tpu.memory_space<hbm>> -> memref<200x64xf32, #tpu.memory_space<hbm>>
    tpu.enqueue_dma source(%arg7 : memref<200x64xf32, #tpu.memory_space<vmem>>) target(%dma_start3A_157 : memref<200x64xf32, #tpu.memory_space<hbm>>) target_semaphore(%arg15 : memref<!tpu.dma_semaphore, #tpu.memory_space<semaphore_mem>>)
    %dma_wait3A_158 = arith.constant 126 : i32
    %dma_wait3A_159 = arith.constant 0 : i32
    %dma_wait3A_160 = arith.constant 0 : i32
    %dma_wait3A_161 = tpu.memref_slice %arg8[%dma_wait3A_159, %dma_wait3A_160] : memref<200x64xf32, #tpu.memory_space<vmem>> -> memref<104x64xf32, #tpu.memory_space<vmem>>
    %dma_wait3A_162 = arith.constant 0 : i32
    %dma_wait3A_163 = tpu.memref_slice %arg5[%dma_wait3A_158, %dma_wait3A_162] : memref<128x200xi32, #tpu.memory_space<vmem>> -> memref<1x104xi32, #tpu.memory_space<vmem>>
    %dma_wait3A_164 = tpu.memref_squeeze %dma_wait3A_163 : memref<1x104xi32, #tpu.memory_space<vmem>> -> memref<104xi32, #tpu.memory_space<vmem>>
    %dma_wait3A_165 = arith.constant 0 : i32
    %dma_wait3A_166 = arith.constant 0 : i32
    %dma_wait3A_167 = tpu.memref_slice %arg3[%dma_wait3A_165, %dma_wait3A_166] : memref<1000000x64xf32, #tpu.memory_space<hbm>> -> memref<1000000x64xf32, #tpu.memory_space<hbm>>
    tpu.wait_indirect_dma semaphore(%arg12 : memref<!tpu.dma_semaphore, #tpu.memory_space<semaphore_mem>>) src(%dma_wait3A_167 : memref<1000000x64xf32, #tpu.memory_space<hbm>>) dst(%dma_wait3A_161 : memref<104x64xf32, #tpu.memory_space<vmem>>)
    %dma_wait3A_168 = arith.constant 126 : i32
    %dma_wait3A_169 = arith.constant 104 : i32
    %dma_wait3A_170 = arith.constant 0 : i32
    %dma_wait3A_171 = tpu.memref_slice %arg8[%dma_wait3A_169, %dma_wait3A_170] : memref<200x64xf32, #tpu.memory_space<vmem>> -> memref<96x64xf32, #tpu.memory_space<vmem>>
    %dma_wait3A_172 = arith.constant 104 : i32
    %dma_wait3A_173 = tpu.memref_slice %arg5[%dma_wait3A_168, %dma_wait3A_172] : memref<128x200xi32, #tpu.memory_space<vmem>> -> memref<1x96xi32, #tpu.memory_space<vmem>>
    %dma_wait3A_174 = tpu.memref_squeeze %dma_wait3A_173 : memref<1x96xi32, #tpu.memory_space<vmem>> -> memref<96xi32, #tpu.memory_space<vmem>>
    %dma_wait3A_175 = arith.constant 0 : i32
    %dma_wait3A_176 = arith.constant 0 : i32
    %dma_wait3A_177 = tpu.memref_slice %arg3[%dma_wait3A_175, %dma_wait3A_176] : memref<1000000x64xf32, #tpu.memory_space<hbm>> -> memref<1000000x64xf32, #tpu.memory_space<hbm>>
    tpu.wait_indirect_dma semaphore(%arg12 : memref<!tpu.dma_semaphore, #tpu.memory_space<semaphore_mem>>) src(%dma_wait3A_177 : memref<1000000x64xf32, #tpu.memory_space<hbm>>) dst(%dma_wait3A_171 : memref<96x64xf32, #tpu.memory_space<vmem>>)
    %scan3A_178 = arith.constant 0 : i32
    %scan3A_179 = arith.constant 0 : i32
    %scan3A_180 = arith.constant 200 : i32
    %scan3A_181 = arith.addi %scan3A_179, %scan3A_180 : i32
    %scan3A_182 = arith.constant 4 : i32
    scf.for %scan3A_270 = %scan3A_179 to %scan3A_181 step %scan3A_182  : i32 {
      %get3A = arith.index_cast %scan3A_270 : i32 to index
      %get3A_271 = arith.constant 0 : index
      %get3A_272 = tpu.vector_load %arg8[%get3A, %get3A_271] {strides = array<i32>} : memref<200x64xf32, #tpu.memory_space<vmem>>, vector<1x16xf32>,
      %get3A_273 = vector.shape_cast %get3A_272 : vector<1x16xf32> to vector<16xf32>
      %mul3A_274 = arith.constant 8.000000e+00 : f32
      %mul3A_275 = vector.broadcast %mul3A_274 : f32 to vector<16xf32>
      %mul3A_276 = arith.mulf %get3A_273, %mul3A_275 : vector<16xf32>
      %swap3A = arith.index_cast %scan3A_270 : i32 to index
      %swap3A_277 = arith.constant 0 : index
      %swap3A_278 = tpu.vector_load %arg8[%swap3A, %swap3A_277] {strides = array<i32>} : memref<200x64xf32, #tpu.memory_space<vmem>>, vector<1x16xf32>,
      %swap3A_279 = vector.shape_cast %swap3A_278 : vector<1x16xf32> to vector<16xf32>
      %swap3A_280 = vector.shape_cast %mul3A_276 : vector<16xf32> to vector<1x16xf32>
      tpu.vector_store %arg8[%swap3A, %swap3A_277], %swap3A_280 {strides = array<i32>} : memref<200x64xf32, #tpu.memory_space<vmem>>, vector<1x16xf32>,
      %get3A_281 = arith.index_cast %scan3A_270 : i32 to index
      %get3A_282 = arith.constant 16 : index
      %get3A_283 = tpu.vector_load %arg8[%get3A_281, %get3A_282] {strides = array<i32>} : memref<200x64xf32, #tpu.memory_space<vmem>>, vector<1x16xf32>,
      %get3A_284 = vector.shape_cast %get3A_283 : vector<1x16xf32> to vector<16xf32>
      %mul3A_285 = arith.constant 8.000000e+00 : f32
      %mul3A_286 = vector.broadcast %mul3A_285 : f32 to vector<16xf32>
      %mul3A_287 = arith.mulf %get3A_284, %mul3A_286 : vector<16xf32>
      %swap3A_288 = arith.index_cast %scan3A_270 : i32 to index
      %swap3A_289 = arith.constant 16 : index
      %swap3A_290 = tpu.vector_load %arg8[%swap3A_288, %swap3A_289] {strides = array<i32>} : memref<200x64xf32, #tpu.memory_space<vmem>>, vector<1x16xf32>,
      %swap3A_291 = vector.shape_cast %swap3A_290 : vector<1x16xf32> to vector<16xf32>
      %swap3A_292 = vector.shape_cast %mul3A_287 : vector<16xf32> to vector<1x16xf32>
      tpu.vector_store %arg8[%swap3A_288, %swap3A_289], %swap3A_292 {strides = array<i32>} : memref<200x64xf32, #tpu.memory_space<vmem>>, vector<1x16xf32>,
      %get3A_293 = arith.index_cast %scan3A_270 : i32 to index
      %get3A_294 = arith.constant 32 : index
      %get3A_295 = tpu.vector_load %arg8[%get3A_293, %get3A_294] {strides = array<i32>} : memref<200x64xf32, #tpu.memory_space<vmem>>, vector<1x16xf32>,
      %get3A_296 = vector.shape_cast %get3A_295 : vector<1x16xf32> to vector<16xf32>
      %mul3A_297 = arith.constant 8.000000e+00 : f32
      %mul3A_298 = vector.broadcast %mul3A_297 : f32 to vector<16xf32>
      %mul3A_299 = arith.mulf %get3A_296, %mul3A_298 : vector<16xf32>
      %swap3A_300 = arith.index_cast %scan3A_270 : i32 to index
      %swap3A_301 = arith.constant 32 : index
      %swap3A_302 = tpu.vector_load %arg8[%swap3A_300, %swap3A_301] {strides = array<i32>} : memref<200x64xf32, #tpu.memory_space<vmem>>, vector<1x16xf32>,
      %swap3A_303 = vector.shape_cast %swap3A_302 : vector<1x16xf32> to vector<16xf32>
      %swap3A_304 = vector.shape_cast %mul3A_299 : vector<16xf32> to vector<1x16xf32>
      tpu.vector_store %arg8[%swap3A_300, %swap3A_301], %swap3A_304 {strides = array<i32>} : memref<200x64xf32, #tpu.memory_space<vmem>>, vector<1x16xf32>,
      %get3A_305 = arith.index_cast %scan3A_270 : i32 to index
      %get3A_306 = arith.constant 48 : index
      %get3A_307 = tpu.vector_load %arg8[%get3A_305, %get3A_306] {strides = array<i32>} : memref<200x64xf32, #tpu.memory_space<vmem>>, vector<1x16xf32>,
      %get3A_308 = vector.shape_cast %get3A_307 : vector<1x16xf32> to vector<16xf32>
      %mul3A_309 = arith.constant 8.000000e+00 : f32
      %mul3A_310 = vector.broadcast %mul3A_309 : f32 to vector<16xf32>
      %mul3A_311 = arith.mulf %get3A_308, %mul3A_310 : vector<16xf32>
      %swap3A_312 = arith.index_cast %scan3A_270 : i32 to index
      %swap3A_313 = arith.constant 48 : index
      %swap3A_314 = tpu.vector_load %arg8[%swap3A_312, %swap3A_313] {strides = array<i32>} : memref<200x64xf32, #tpu.memory_space<vmem>>, vector<1x16xf32>,
      %swap3A_315 = vector.shape_cast %swap3A_314 : vector<1x16xf32> to vector<16xf32>
      %swap3A_316 = vector.shape_cast %mul3A_311 : vector<16xf32> to vector<1x16xf32>
      tpu.vector_store %arg8[%swap3A_312, %swap3A_313], %swap3A_316 {strides = array<i32>} : memref<200x64xf32, #tpu.memory_space<vmem>>, vector<1x16xf32>,
      %scan3A_317 = arith.constant 1 : i32
      %scan3A_318 = arith.addi %scan3A_270, %scan3A_317 : i32
      %get3A_319 = arith.index_cast %scan3A_318 : i32 to index
      %get3A_320 = arith.constant 0 : index
      %get3A_321 = tpu.vector_load %arg8[%get3A_319, %get3A_320] {strides = array<i32>} : memref<200x64xf32, #tpu.memory_space<vmem>>, vector<1x16xf32>,
      %get3A_322 = vector.shape_cast %get3A_321 : vector<1x16xf32> to vector<16xf32>
      %mul3A_323 = arith.constant 8.000000e+00 : f32
      %mul3A_324 = vector.broadcast %mul3A_323 : f32 to vector<16xf32>
      %mul3A_325 = arith.mulf %get3A_322, %mul3A_324 : vector<16xf32>
      %swap3A_326 = arith.index_cast %scan3A_318 : i32 to index
      %swap3A_327 = arith.constant 0 : index
      %swap3A_328 = tpu.vector_load %arg8[%swap3A_326, %swap3A_327] {strides = array<i32>} : memref<200x64xf32, #tpu.memory_space<vmem>>, vector<1x16xf32>,
      %swap3A_329 = vector.shape_cast %swap3A_328 : vector<1x16xf32> to vector<16xf32>
      %swap3A_330 = vector.shape_cast %mul3A_325 : vector<16xf32> to vector<1x16xf32>
      tpu.vector_store %arg8[%swap3A_326, %swap3A_327], %swap3A_330 {strides = array<i32>} : memref<200x64xf32, #tpu.memory_space<vmem>>, vector<1x16xf32>,
      %get3A_331 = arith.index_cast %scan3A_318 : i32 to index
      %get3A_332 = arith.constant 16 : index
      %get3A_333 = tpu.vector_load %arg8[%get3A_331, %get3A_332] {strides = array<i32>} : memref<200x64xf32, #tpu.memory_space<vmem>>, vector<1x16xf32>,
      %get3A_334 = vector.shape_cast %get3A_333 : vector<1x16xf32> to vector<16xf32>
      %mul3A_335 = arith.constant 8.000000e+00 : f32
      %mul3A_336 = vector.broadcast %mul3A_335 : f32 to vector<16xf32>
      %mul3A_337 = arith.mulf %get3A_334, %mul3A_336 : vector<16xf32>
      %swap3A_338 = arith.index_cast %scan3A_318 : i32 to index
      %swap3A_339 = arith.constant 16 : index
      %swap3A_340 = tpu.vector_load %arg8[%swap3A_338, %swap3A_339] {strides = array<i32>} : memref<200x64xf32, #tpu.memory_space<vmem>>, vector<1x16xf32>,
      %swap3A_341 = vector.shape_cast %swap3A_340 : vector<1x16xf32> to vector<16xf32>
      %swap3A_342 = vector.shape_cast %mul3A_337 : vector<16xf32> to vector<1x16xf32>
      tpu.vector_store %arg8[%swap3A_338, %swap3A_339], %swap3A_342 {strides = array<i32>} : memref<200x64xf32, #tpu.memory_space<vmem>>, vector<1x16xf32>,
      %get3A_343 = arith.index_cast %scan3A_318 : i32 to index
      %get3A_344 = arith.constant 32 : index
      %get3A_345 = tpu.vector_load %arg8[%get3A_343, %get3A_344] {strides = array<i32>} : memref<200x64xf32, #tpu.memory_space<vmem>>, vector<1x16xf32>,
      %get3A_346 = vector.shape_cast %get3A_345 : vector<1x16xf32> to vector<16xf32>
      %mul3A_347 = arith.constant 8.000000e+00 : f32
      %mul3A_348 = vector.broadcast %mul3A_347 : f32 to vector<16xf32>
      %mul3A_349 = arith.mulf %get3A_346, %mul3A_348 : vector<16xf32>
      %swap3A_350 = arith.index_cast %scan3A_318 : i32 to index
      %swap3A_351 = arith.constant 32 : index
      %swap3A_352 = tpu.vector_load %arg8[%swap3A_350, %swap3A_351] {strides = array<i32>} : memref<200x64xf32, #tpu.memory_space<vmem>>, vector<1x16xf32>,
      %swap3A_353 = vector.shape_cast %swap3A_352 : vector<1x16xf32> to vector<16xf32>
      %swap3A_354 = vector.shape_cast %mul3A_349 : vector<16xf32> to vector<1x16xf32>
      tpu.vector_store %arg8[%swap3A_350, %swap3A_351], %swap3A_354 {strides = array<i32>} : memref<200x64xf32, #tpu.memory_space<vmem>>, vector<1x16xf32>,
      %get3A_355 = arith.index_cast %scan3A_318 : i32 to index
      %get3A_356 = arith.constant 48 : index
      %get3A_357 = tpu.vector_load %arg8[%get3A_355, %get3A_356] {strides = array<i32>} : memref<200x64xf32, #tpu.memory_space<vmem>>, vector<1x16xf32>,
      %get3A_358 = vector.shape_cast %get3A_357 : vector<1x16xf32> to vector<16xf32>
      %mul3A_359 = arith.constant 8.000000e+00 : f32
      %mul3A_360 = vector.broadcast %mul3A_359 : f32 to vector<16xf32>
      %mul3A_361 = arith.mulf %get3A_358, %mul3A_360 : vector<16xf32>
      %swap3A_362 = arith.index_cast %scan3A_318 : i32 to index
      %swap3A_363 = arith.constant 48 : index
      %swap3A_364 = tpu.vector_load %arg8[%swap3A_362, %swap3A_363] {strides = array<i32>} : memref<200x64xf32, #tpu.memory_space<vmem>>, vector<1x16xf32>,
      %swap3A_365 = vector.shape_cast %swap3A_364 : vector<1x16xf32> to vector<16xf32>
      %swap3A_366 = vector.shape_cast %mul3A_361 : vector<16xf32> to vector<1x16xf32>
      tpu.vector_store %arg8[%swap3A_362, %swap3A_363], %swap3A_366 {strides = array<i32>} : memref<200x64xf32, #tpu.memory_space<vmem>>, vector<1x16xf32>,
      %scan3A_367 = arith.constant 2 : i32
      %scan3A_368 = arith.addi %scan3A_270, %scan3A_367 : i32
      %get3A_369 = arith.index_cast %scan3A_368 : i32 to index
      %get3A_370 = arith.constant 0 : index
      %get3A_371 = tpu.vector_load %arg8[%get3A_369, %get3A_370] {strides = array<i32>} : memref<200x64xf32, #tpu.memory_space<vmem>>, vector<1x16xf32>,
      %get3A_372 = vector.shape_cast %get3A_371 : vector<1x16xf32> to vector<16xf32>
      %mul3A_373 = arith.constant 8.000000e+00 : f32
      %mul3A_374 = vector.broadcast %mul3A_373 : f32 to vector<16xf32>
      %mul3A_375 = arith.mulf %get3A_372, %mul3A_374 : vector<16xf32>
      %swap3A_376 = arith.index_cast %scan3A_368 : i32 to index
      %swap3A_377 = arith.constant 0 : index
      %swap3A_378 = tpu.vector_load %arg8[%swap3A_376, %swap3A_377] {strides = array<i32>} : memref<200x64xf32, #tpu.memory_space<vmem>>, vector<1x16xf32>,
      %swap3A_379 = vector.shape_cast %swap3A_378 : vector<1x16xf32> to vector<16xf32>
      %swap3A_380 = vector.shape_cast %mul3A_375 : vector<16xf32> to vector<1x16xf32>
      tpu.vector_store %arg8[%swap3A_376, %swap3A_377], %swap3A_380 {strides = array<i32>} : memref<200x64xf32, #tpu.memory_space<vmem>>, vector<1x16xf32>,
      %get3A_381 = arith.index_cast %scan3A_368 : i32 to index
      %get3A_382 = arith.constant 16 : index
      %get3A_383 = tpu.vector_load %arg8[%get3A_381, %get3A_382] {strides = array<i32>} : memref<200x64xf32, #tpu.memory_space<vmem>>, vector<1x16xf32>,
      %get3A_384 = vector.shape_cast %get3A_383 : vector<1x16xf32> to vector<16xf32>
      %mul3A_385 = arith.constant 8.000000e+00 : f32
      %mul3A_386 = vector.broadcast %mul3A_385 : f32 to vector<16xf32>
      %mul3A_387 = arith.mulf %get3A_384, %mul3A_386 : vector<16xf32>
      %swap3A_388 = arith.index_cast %scan3A_368 : i32 to index
      %swap3A_389 = arith.constant 16 : index
      %swap3A_390 = tpu.vector_load %arg8[%swap3A_388, %swap3A_389] {strides = array<i32>} : memref<200x64xf32, #tpu.memory_space<vmem>>, vector<1x16xf32>,
      %swap3A_391 = vector.shape_cast %swap3A_390 : vector<1x16xf32> to vector<16xf32>
      %swap3A_392 = vector.shape_cast %mul3A_387 : vector<16xf32> to vector<1x16xf32>
      tpu.vector_store %arg8[%swap3A_388, %swap3A_389], %swap3A_392 {strides = array<i32>} : memref<200x64xf32, #tpu.memory_space<vmem>>, vector<1x16xf32>,
      %get3A_393 = arith.index_cast %scan3A_368 : i32 to index
      %get3A_394 = arith.constant 32 : index
      %get3A_395 = tpu.vector_load %arg8[%get3A_393, %get3A_394] {strides = array<i32>} : memref<200x64xf32, #tpu.memory_space<vmem>>, vector<1x16xf32>,
      %get3A_396 = vector.shape_cast %get3A_395 : vector<1x16xf32> to vector<16xf32>
      %mul3A_397 = arith.constant 8.000000e+00 : f32
      %mul3A_398 = vector.broadcast %mul3A_397 : f32 to vector<16xf32>
      %mul3A_399 = arith.mulf %get3A_396, %mul3A_398 : vector<16xf32>
      %swap3A_400 = arith.index_cast %scan3A_368 : i32 to index
      %swap3A_401 = arith.constant 32 : index
      %swap3A_402 = tpu.vector_load %arg8[%swap3A_400, %swap3A_401] {strides = array<i32>} : memref<200x64xf32, #tpu.memory_space<vmem>>, vector<1x16xf32>,
      %swap3A_403 = vector.shape_cast %swap3A_402 : vector<1x16xf32> to vector<16xf32>
      %swap3A_404 = vector.shape_cast %mul3A_399 : vector<16xf32> to vector<1x16xf32>
      tpu.vector_store %arg8[%swap3A_400, %swap3A_401], %swap3A_404 {strides = array<i32>} : memref<200x64xf32, #tpu.memory_space<vmem>>, vector<1x16xf32>,
      %get3A_405 = arith.index_cast %scan3A_368 : i32 to index
      %get3A_406 = arith.constant 48 : index
      %get3A_407 = tpu.vector_load %arg8[%get3A_405, %get3A_406] {strides = array<i32>} : memref<200x64xf32, #tpu.memory_space<vmem>>, vector<1x16xf32>,
      %get3A_408 = vector.shape_cast %get3A_407 : vector<1x16xf32> to vector<16xf32>
      %mul3A_409 = arith.constant 8.000000e+00 : f32
      %mul3A_410 = vector.broadcast %mul3A_409 : f32 to vector<16xf32>
      %mul3A_411 = arith.mulf %get3A_408, %mul3A_410 : vector<16xf32>
      %swap3A_412 = arith.index_cast %scan3A_368 : i32 to index
      %swap3A_413 = arith.constant 48 : index
      %swap3A_414 = tpu.vector_load %arg8[%swap3A_412, %swap3A_413] {strides = array<i32>} : memref<200x64xf32, #tpu.memory_space<vmem>>, vector<1x16xf32>,
      %swap3A_415 = vector.shape_cast %swap3A_414 : vector<1x16xf32> to vector<16xf32>
      %swap3A_416 = vector.shape_cast %mul3A_411 : vector<16xf32> to vector<1x16xf32>
      tpu.vector_store %arg8[%swap3A_412, %swap3A_413], %swap3A_416 {strides = array<i32>} : memref<200x64xf32, #tpu.memory_space<vmem>>, vector<1x16xf32>,
      %scan3A_417 = arith.constant 3 : i32
      %scan3A_418 = arith.addi %scan3A_270, %scan3A_417 : i32
      %get3A_419 = arith.index_cast %scan3A_418 : i32 to index
      %get3A_420 = arith.constant 0 : index
      %get3A_421 = tpu.vector_load %arg8[%get3A_419, %get3A_420] {strides = array<i32>} : memref<200x64xf32, #tpu.memory_space<vmem>>, vector<1x16xf32>,
      %get3A_422 = vector.shape_cast %get3A_421 : vector<1x16xf32> to vector<16xf32>
      %mul3A_423 = arith.constant 8.000000e+00 : f32
      %mul3A_424 = vector.broadcast %mul3A_423 : f32 to vector<16xf32>
      %mul3A_425 = arith.mulf %get3A_422, %mul3A_424 : vector<16xf32>
      %swap3A_426 = arith.index_cast %scan3A_418 : i32 to index
      %swap3A_427 = arith.constant 0 : index
      %swap3A_428 = tpu.vector_load %arg8[%swap3A_426, %swap3A_427] {strides = array<i32>} : memref<200x64xf32, #tpu.memory_space<vmem>>, vector<1x16xf32>,
      %swap3A_429 = vector.shape_cast %swap3A_428 : vector<1x16xf32> to vector<16xf32>
      %swap3A_430 = vector.shape_cast %mul3A_425 : vector<16xf32> to vector<1x16xf32>
      tpu.vector_store %arg8[%swap3A_426, %swap3A_427], %swap3A_430 {strides = array<i32>} : memref<200x64xf32, #tpu.memory_space<vmem>>, vector<1x16xf32>,
      %get3A_431 = arith.index_cast %scan3A_418 : i32 to index
      %get3A_432 = arith.constant 16 : index
      %get3A_433 = tpu.vector_load %arg8[%get3A_431, %get3A_432] {strides = array<i32>} : memref<200x64xf32, #tpu.memory_space<vmem>>, vector<1x16xf32>,
      %get3A_434 = vector.shape_cast %get3A_433 : vector<1x16xf32> to vector<16xf32>
      %mul3A_435 = arith.constant 8.000000e+00 : f32
      %mul3A_436 = vector.broadcast %mul3A_435 : f32 to vector<16xf32>
      %mul3A_437 = arith.mulf %get3A_434, %mul3A_436 : vector<16xf32>
      %swap3A_438 = arith.index_cast %scan3A_418 : i32 to index
      %swap3A_439 = arith.constant 16 : index
      %swap3A_440 = tpu.vector_load %arg8[%swap3A_438, %swap3A_439] {strides = array<i32>} : memref<200x64xf32, #tpu.memory_space<vmem>>, vector<1x16xf32>,
      %swap3A_441 = vector.shape_cast %swap3A_440 : vector<1x16xf32> to vector<16xf32>
      %swap3A_442 = vector.shape_cast %mul3A_437 : vector<16xf32> to vector<1x16xf32>
      tpu.vector_store %arg8[%swap3A_438, %swap3A_439], %swap3A_442 {strides = array<i32>} : memref<200x64xf32, #tpu.memory_space<vmem>>, vector<1x16xf32>,
      %get3A_443 = arith.index_cast %scan3A_418 : i32 to index
      %get3A_444 = arith.constant 32 : index
      %get3A_445 = tpu.vector_load %arg8[%get3A_443, %get3A_444] {strides = array<i32>} : memref<200x64xf32, #tpu.memory_space<vmem>>, vector<1x16xf32>,
      %get3A_446 = vector.shape_cast %get3A_445 : vector<1x16xf32> to vector<16xf32>
      %mul3A_447 = arith.constant 8.000000e+00 : f32
      %mul3A_448 = vector.broadcast %mul3A_447 : f32 to vector<16xf32>
      %mul3A_449 = arith.mulf %get3A_446, %mul3A_448 : vector<16xf32>
      %swap3A_450 = arith.index_cast %scan3A_418 : i32 to index
      %swap3A_451 = arith.constant 32 : index
      %swap3A_452 = tpu.vector_load %arg8[%swap3A_450, %swap3A_451] {strides = array<i32>} : memref<200x64xf32, #tpu.memory_space<vmem>>, vector<1x16xf32>,
      %swap3A_453 = vector.shape_cast %swap3A_452 : vector<1x16xf32> to vector<16xf32>
      %swap3A_454 = vector.shape_cast %mul3A_449 : vector<16xf32> to vector<1x16xf32>
      tpu.vector_store %arg8[%swap3A_450, %swap3A_451], %swap3A_454 {strides = array<i32>} : memref<200x64xf32, #tpu.memory_space<vmem>>, vector<1x16xf32>,
      %get3A_455 = arith.index_cast %scan3A_418 : i32 to index
      %get3A_456 = arith.constant 48 : index
      %get3A_457 = tpu.vector_load %arg8[%get3A_455, %get3A_456] {strides = array<i32>} : memref<200x64xf32, #tpu.memory_space<vmem>>, vector<1x16xf32>,
      %get3A_458 = vector.shape_cast %get3A_457 : vector<1x16xf32> to vector<16xf32>
      %mul3A_459 = arith.constant 8.000000e+00 : f32
      %mul3A_460 = vector.broadcast %mul3A_459 : f32 to vector<16xf32>
      %mul3A_461 = arith.mulf %get3A_458, %mul3A_460 : vector<16xf32>
      %swap3A_462 = arith.index_cast %scan3A_418 : i32 to index
      %swap3A_463 = arith.constant 48 : index
      %swap3A_464 = tpu.vector_load %arg8[%swap3A_462, %swap3A_463] {strides = array<i32>} : memref<200x64xf32, #tpu.memory_space<vmem>>, vector<1x16xf32>,
      %swap3A_465 = vector.shape_cast %swap3A_464 : vector<1x16xf32> to vector<16xf32>
      %swap3A_466 = vector.shape_cast %mul3A_461 : vector<16xf32> to vector<1x16xf32>
      tpu.vector_store %arg8[%swap3A_462, %swap3A_463], %swap3A_466 {strides = array<i32>} : memref<200x64xf32, #tpu.memory_space<vmem>>, vector<1x16xf32>,
    }
    %scan3A_183 = arith.constant 200 : i32
    %add3A_184 = arith.constant 126 : i32
    %add3A_185 = arith.addi %mul3A_2, %add3A_184 : i32
    %dma_start3A_186 = arith.constant 0 : i32
    %dma_start3A_187 = arith.constant 0 : i32
    %dma_start3A_188 = tpu.memref_slice %arg4[%add3A_185, %dma_start3A_186, %dma_start3A_187] : memref<4096x200x64xf32, #tpu.memory_space<hbm>> -> memref<1x200x64xf32, #tpu.memory_space<hbm>>
    %dma_start3A_189 = tpu.memref_squeeze %dma_start3A_188 : memref<1x200x64xf32, #tpu.memory_space<hbm>> -> memref<200x64xf32, #tpu.memory_space<hbm>>
    %dma_start3A_190 = arith.constant 0 : i32
    %dma_start3A_191 = arith.constant 0 : i32
    %dma_start3A_192 = tpu.memref_slice %arg4[%add3A_185, %dma_start3A_190, %dma_start3A_191] : memref<4096x200x64xf32, #tpu.memory_space<hbm>> -> memref<1x200x64xf32, #tpu.memory_space<hbm>>
    %dma_start3A_193 = tpu.memref_squeeze %dma_start3A_192 : memref<1x200x64xf32, #tpu.memory_space<hbm>> -> memref<200x64xf32, #tpu.memory_space<hbm>>
    tpu.enqueue_dma source(%arg8 : memref<200x64xf32, #tpu.memory_space<vmem>>) target(%dma_start3A_193 : memref<200x64xf32, #tpu.memory_space<hbm>>) target_semaphore(%arg16 : memref<!tpu.dma_semaphore, #tpu.memory_space<semaphore_mem>>)
    %dma_wait3A_194 = arith.constant 127 : i32
    %dma_wait3A_195 = arith.constant 0 : i32
    %dma_wait3A_196 = arith.constant 0 : i32
    %dma_wait3A_197 = tpu.memref_slice %arg9[%dma_wait3A_195, %dma_wait3A_196] : memref<200x64xf32, #tpu.memory_space<vmem>> -> memref<104x64xf32, #tpu.memory_space<vmem>>
    %dma_wait3A_198 = arith.constant 0 : i32
    %dma_wait3A_199 = tpu.memref_slice %arg5[%dma_wait3A_194, %dma_wait3A_198] : memref<128x200xi32, #tpu.memory_space<vmem>> -> memref<1x104xi32, #tpu.memory_space<vmem>>
    %dma_wait3A_200 = tpu.memref_squeeze %dma_wait3A_199 : memref<1x104xi32, #tpu.memory_space<vmem>> -> memref<104xi32, #tpu.memory_space<vmem>>
    %dma_wait3A_201 = arith.constant 0 : i32
    %dma_wait3A_202 = arith.constant 0 : i32
    %dma_wait3A_203 = tpu.memref_slice %arg3[%dma_wait3A_201, %dma_wait3A_202] : memref<1000000x64xf32, #tpu.memory_space<hbm>> -> memref<1000000x64xf32, #tpu.memory_space<hbm>>
    tpu.wait_indirect_dma semaphore(%arg13 : memref<!tpu.dma_semaphore, #tpu.memory_space<semaphore_mem>>) src(%dma_wait3A_203 : memref<1000000x64xf32, #tpu.memory_space<hbm>>) dst(%dma_wait3A_197 : memref<104x64xf32, #tpu.memory_space<vmem>>)
    %dma_wait3A_204 = arith.constant 127 : i32
    %dma_wait3A_205 = arith.constant 104 : i32
    %dma_wait3A_206 = arith.constant 0 : i32
    %dma_wait3A_207 = tpu.memref_slice %arg9[%dma_wait3A_205, %dma_wait3A_206] : memref<200x64xf32, #tpu.memory_space<vmem>> -> memref<96x64xf32, #tpu.memory_space<vmem>>
    %dma_wait3A_208 = arith.constant 104 : i32
    %dma_wait3A_209 = tpu.memref_slice %arg5[%dma_wait3A_204, %dma_wait3A_208] : memref<128x200xi32, #tpu.memory_space<vmem>> -> memref<1x96xi32, #tpu.memory_space<vmem>>
    %dma_wait3A_210 = tpu.memref_squeeze %dma_wait3A_209 : memref<1x96xi32, #tpu.memory_space<vmem>> -> memref<96xi32, #tpu.memory_space<vmem>>
    %dma_wait3A_211 = arith.constant 0 : i32
    %dma_wait3A_212 = arith.constant 0 : i32
    %dma_wait3A_213 = tpu.memref_slice %arg3[%dma_wait3A_211, %dma_wait3A_212] : memref<1000000x64xf32, #tpu.memory_space<hbm>> -> memref<1000000x64xf32, #tpu.memory_space<hbm>>
    tpu.wait_indirect_dma semaphore(%arg13 : memref<!tpu.dma_semaphore, #tpu.memory_space<semaphore_mem>>) src(%dma_wait3A_213 : memref<1000000x64xf32, #tpu.memory_space<hbm>>) dst(%dma_wait3A_207 : memref<96x64xf32, #tpu.memory_space<vmem>>)
    %scan3A_214 = arith.constant 0 : i32
    %scan3A_215 = arith.constant 0 : i32
    %scan3A_216 = arith.constant 200 : i32
    %scan3A_217 = arith.addi %scan3A_215, %scan3A_216 : i32
    %scan3A_218 = arith.constant 4 : i32
    scf.for %scan3A_270 = %scan3A_215 to %scan3A_217 step %scan3A_218  : i32 {
      %get3A = arith.index_cast %scan3A_270 : i32 to index
      %get3A_271 = arith.constant 0 : index
      %get3A_272 = tpu.vector_load %arg9[%get3A, %get3A_271] {strides = array<i32>} : memref<200x64xf32, #tpu.memory_space<vmem>>, vector<1x16xf32>,
      %get3A_273 = vector.shape_cast %get3A_272 : vector<1x16xf32> to vector<16xf32>
      %mul3A_274 = arith.constant 8.000000e+00 : f32
      %mul3A_275 = vector.broadcast %mul3A_274 : f32 to vector<16xf32>
      %mul3A_276 = arith.mulf %get3A_273, %mul3A_275 : vector<16xf32>
      %swap3A = arith.index_cast %scan3A_270 : i32 to index
      %swap3A_277 = arith.constant 0 : index
      %swap3A_278 = tpu.vector_load %arg9[%swap3A, %swap3A_277] {strides = array<i32>} : memref<200x64xf32, #tpu.memory_space<vmem>>, vector<1x16xf32>,
      %swap3A_279 = vector.shape_cast %swap3A_278 : vector<1x16xf32> to vector<16xf32>
      %swap3A_280 = vector.shape_cast %mul3A_276 : vector<16xf32> to vector<1x16xf32>
      tpu.vector_store %arg9[%swap3A, %swap3A_277], %swap3A_280 {strides = array<i32>} : memref<200x64xf32, #tpu.memory_space<vmem>>, vector<1x16xf32>,
      %get3A_281 = arith.index_cast %scan3A_270 : i32 to index
      %get3A_282 = arith.constant 16 : index
      %get3A_283 = tpu.vector_load %arg9[%get3A_281, %get3A_282] {strides = array<i32>} : memref<200x64xf32, #tpu.memory_space<vmem>>, vector<1x16xf32>,
      %get3A_284 = vector.shape_cast %get3A_283 : vector<1x16xf32> to vector<16xf32>
      %mul3A_285 = arith.constant 8.000000e+00 : f32
      %mul3A_286 = vector.broadcast %mul3A_285 : f32 to vector<16xf32>
      %mul3A_287 = arith.mulf %get3A_284, %mul3A_286 : vector<16xf32>
      %swap3A_288 = arith.index_cast %scan3A_270 : i32 to index
      %swap3A_289 = arith.constant 16 : index
      %swap3A_290 = tpu.vector_load %arg9[%swap3A_288, %swap3A_289] {strides = array<i32>} : memref<200x64xf32, #tpu.memory_space<vmem>>, vector<1x16xf32>,
      %swap3A_291 = vector.shape_cast %swap3A_290 : vector<1x16xf32> to vector<16xf32>
      %swap3A_292 = vector.shape_cast %mul3A_287 : vector<16xf32> to vector<1x16xf32>
      tpu.vector_store %arg9[%swap3A_288, %swap3A_289], %swap3A_292 {strides = array<i32>} : memref<200x64xf32, #tpu.memory_space<vmem>>, vector<1x16xf32>,
      %get3A_293 = arith.index_cast %scan3A_270 : i32 to index
      %get3A_294 = arith.constant 32 : index
      %get3A_295 = tpu.vector_load %arg9[%get3A_293, %get3A_294] {strides = array<i32>} : memref<200x64xf32, #tpu.memory_space<vmem>>, vector<1x16xf32>,
      %get3A_296 = vector.shape_cast %get3A_295 : vector<1x16xf32> to vector<16xf32>
      %mul3A_297 = arith.constant 8.000000e+00 : f32
      %mul3A_298 = vector.broadcast %mul3A_297 : f32 to vector<16xf32>
      %mul3A_299 = arith.mulf %get3A_296, %mul3A_298 : vector<16xf32>
      %swap3A_300 = arith.index_cast %scan3A_270 : i32 to index
      %swap3A_301 = arith.constant 32 : index
      %swap3A_302 = tpu.vector_load %arg9[%swap3A_300, %swap3A_301] {strides = array<i32>} : memref<200x64xf32, #tpu.memory_space<vmem>>, vector<1x16xf32>,
      %swap3A_303 = vector.shape_cast %swap3A_302 : vector<1x16xf32> to vector<16xf32>
      %swap3A_304 = vector.shape_cast %mul3A_299 : vector<16xf32> to vector<1x16xf32>
      tpu.vector_store %arg9[%swap3A_300, %swap3A_301], %swap3A_304 {strides = array<i32>} : memref<200x64xf32, #tpu.memory_space<vmem>>, vector<1x16xf32>,
      %get3A_305 = arith.index_cast %scan3A_270 : i32 to index
      %get3A_306 = arith.constant 48 : index
      %get3A_307 = tpu.vector_load %arg9[%get3A_305, %get3A_306] {strides = array<i32>} : memref<200x64xf32, #tpu.memory_space<vmem>>, vector<1x16xf32>,
      %get3A_308 = vector.shape_cast %get3A_307 : vector<1x16xf32> to vector<16xf32>
      %mul3A_309 = arith.constant 8.000000e+00 : f32
      %mul3A_310 = vector.broadcast %mul3A_309 : f32 to vector<16xf32>
      %mul3A_311 = arith.mulf %get3A_308, %mul3A_310 : vector<16xf32>
      %swap3A_312 = arith.index_cast %scan3A_270 : i32 to index
      %swap3A_313 = arith.constant 48 : index
      %swap3A_314 = tpu.vector_load %arg9[%swap3A_312, %swap3A_313] {strides = array<i32>} : memref<200x64xf32, #tpu.memory_space<vmem>>, vector<1x16xf32>,
      %swap3A_315 = vector.shape_cast %swap3A_314 : vector<1x16xf32> to vector<16xf32>
      %swap3A_316 = vector.shape_cast %mul3A_311 : vector<16xf32> to vector<1x16xf32>
      tpu.vector_store %arg9[%swap3A_312, %swap3A_313], %swap3A_316 {strides = array<i32>} : memref<200x64xf32, #tpu.memory_space<vmem>>, vector<1x16xf32>,
      %scan3A_317 = arith.constant 1 : i32
      %scan3A_318 = arith.addi %scan3A_270, %scan3A_317 : i32
      %get3A_319 = arith.index_cast %scan3A_318 : i32 to index
      %get3A_320 = arith.constant 0 : index
      %get3A_321 = tpu.vector_load %arg9[%get3A_319, %get3A_320] {strides = array<i32>} : memref<200x64xf32, #tpu.memory_space<vmem>>, vector<1x16xf32>,
      %get3A_322 = vector.shape_cast %get3A_321 : vector<1x16xf32> to vector<16xf32>
      %mul3A_323 = arith.constant 8.000000e+00 : f32
      %mul3A_324 = vector.broadcast %mul3A_323 : f32 to vector<16xf32>
      %mul3A_325 = arith.mulf %get3A_322, %mul3A_324 : vector<16xf32>
      %swap3A_326 = arith.index_cast %scan3A_318 : i32 to index
      %swap3A_327 = arith.constant 0 : index
      %swap3A_328 = tpu.vector_load %arg9[%swap3A_326, %swap3A_327] {strides = array<i32>} : memref<200x64xf32, #tpu.memory_space<vmem>>, vector<1x16xf32>,
      %swap3A_329 = vector.shape_cast %swap3A_328 : vector<1x16xf32> to vector<16xf32>
      %swap3A_330 = vector.shape_cast %mul3A_325 : vector<16xf32> to vector<1x16xf32>
      tpu.vector_store %arg9[%swap3A_326, %swap3A_327], %swap3A_330 {strides = array<i32>} : memref<200x64xf32, #tpu.memory_space<vmem>>, vector<1x16xf32>,
      %get3A_331 = arith.index_cast %scan3A_318 : i32 to index
      %get3A_332 = arith.constant 16 : index
      %get3A_333 = tpu.vector_load %arg9[%get3A_331, %get3A_332] {strides = array<i32>} : memref<200x64xf32, #tpu.memory_space<vmem>>, vector<1x16xf32>,
      %get3A_334 = vector.shape_cast %get3A_333 : vector<1x16xf32> to vector<16xf32>
      %mul3A_335 = arith.constant 8.000000e+00 : f32
      %mul3A_336 = vector.broadcast %mul3A_335 : f32 to vector<16xf32>
      %mul3A_337 = arith.mulf %get3A_334, %mul3A_336 : vector<16xf32>
      %swap3A_338 = arith.index_cast %scan3A_318 : i32 to index
      %swap3A_339 = arith.constant 16 : index
      %swap3A_340 = tpu.vector_load %arg9[%swap3A_338, %swap3A_339] {strides = array<i32>} : memref<200x64xf32, #tpu.memory_space<vmem>>, vector<1x16xf32>,
      %swap3A_341 = vector.shape_cast %swap3A_340 : vector<1x16xf32> to vector<16xf32>
      %swap3A_342 = vector.shape_cast %mul3A_337 : vector<16xf32> to vector<1x16xf32>
      tpu.vector_store %arg9[%swap3A_338, %swap3A_339], %swap3A_342 {strides = array<i32>} : memref<200x64xf32, #tpu.memory_space<vmem>>, vector<1x16xf32>,
      %get3A_343 = arith.index_cast %scan3A_318 : i32 to index
      %get3A_344 = arith.constant 32 : index
      %get3A_345 = tpu.vector_load %arg9[%get3A_343, %get3A_344] {strides = array<i32>} : memref<200x64xf32, #tpu.memory_space<vmem>>, vector<1x16xf32>,
      %get3A_346 = vector.shape_cast %get3A_345 : vector<1x16xf32> to vector<16xf32>
      %mul3A_347 = arith.constant 8.000000e+00 : f32
      %mul3A_348 = vector.broadcast %mul3A_347 : f32 to vector<16xf32>
      %mul3A_349 = arith.mulf %get3A_346, %mul3A_348 : vector<16xf32>
      %swap3A_350 = arith.index_cast %scan3A_318 : i32 to index
      %swap3A_351 = arith.constant 32 : index
      %swap3A_352 = tpu.vector_load %arg9[%swap3A_350, %swap3A_351] {strides = array<i32>} : memref<200x64xf32, #tpu.memory_space<vmem>>, vector<1x16xf32>,
      %swap3A_353 = vector.shape_cast %swap3A_352 : vector<1x16xf32> to vector<16xf32>
      %swap3A_354 = vector.shape_cast %mul3A_349 : vector<16xf32> to vector<1x16xf32>
      tpu.vector_store %arg9[%swap3A_350, %swap3A_351], %swap3A_354 {strides = array<i32>} : memref<200x64xf32, #tpu.memory_space<vmem>>, vector<1x16xf32>,
      %get3A_355 = arith.index_cast %scan3A_318 : i32 to index
      %get3A_356 = arith.constant 48 : index
      %get3A_357 = tpu.vector_load %arg9[%get3A_355, %get3A_356] {strides = array<i32>} : memref<200x64xf32, #tpu.memory_space<vmem>>, vector<1x16xf32>,
      %get3A_358 = vector.shape_cast %get3A_357 : vector<1x16xf32> to vector<16xf32>
      %mul3A_359 = arith.constant 8.000000e+00 : f32
      %mul3A_360 = vector.broadcast %mul3A_359 : f32 to vector<16xf32>
      %mul3A_361 = arith.mulf %get3A_358, %mul3A_360 : vector<16xf32>
      %swap3A_362 = arith.index_cast %scan3A_318 : i32 to index
      %swap3A_363 = arith.constant 48 : index
      %swap3A_364 = tpu.vector_load %arg9[%swap3A_362, %swap3A_363] {strides = array<i32>} : memref<200x64xf32, #tpu.memory_space<vmem>>, vector<1x16xf32>,
      %swap3A_365 = vector.shape_cast %swap3A_364 : vector<1x16xf32> to vector<16xf32>
      %swap3A_366 = vector.shape_cast %mul3A_361 : vector<16xf32> to vector<1x16xf32>
      tpu.vector_store %arg9[%swap3A_362, %swap3A_363], %swap3A_366 {strides = array<i32>} : memref<200x64xf32, #tpu.memory_space<vmem>>, vector<1x16xf32>,
      %scan3A_367 = arith.constant 2 : i32
      %scan3A_368 = arith.addi %scan3A_270, %scan3A_367 : i32
      %get3A_369 = arith.index_cast %scan3A_368 : i32 to index
      %get3A_370 = arith.constant 0 : index
      %get3A_371 = tpu.vector_load %arg9[%get3A_369, %get3A_370] {strides = array<i32>} : memref<200x64xf32, #tpu.memory_space<vmem>>, vector<1x16xf32>,
      %get3A_372 = vector.shape_cast %get3A_371 : vector<1x16xf32> to vector<16xf32>
      %mul3A_373 = arith.constant 8.000000e+00 : f32
      %mul3A_374 = vector.broadcast %mul3A_373 : f32 to vector<16xf32>
      %mul3A_375 = arith.mulf %get3A_372, %mul3A_374 : vector<16xf32>
      %swap3A_376 = arith.index_cast %scan3A_368 : i32 to index
      %swap3A_377 = arith.constant 0 : index
      %swap3A_378 = tpu.vector_load %arg9[%swap3A_376, %swap3A_377] {strides = array<i32>} : memref<200x64xf32, #tpu.memory_space<vmem>>, vector<1x16xf32>,
      %swap3A_379 = vector.shape_cast %swap3A_378 : vector<1x16xf32> to vector<16xf32>
      %swap3A_380 = vector.shape_cast %mul3A_375 : vector<16xf32> to vector<1x16xf32>
      tpu.vector_store %arg9[%swap3A_376, %swap3A_377], %swap3A_380 {strides = array<i32>} : memref<200x64xf32, #tpu.memory_space<vmem>>, vector<1x16xf32>,
      %get3A_381 = arith.index_cast %scan3A_368 : i32 to index
      %get3A_382 = arith.constant 16 : index
      %get3A_383 = tpu.vector_load %arg9[%get3A_381, %get3A_382] {strides = array<i32>} : memref<200x64xf32, #tpu.memory_space<vmem>>, vector<1x16xf32>,
      %get3A_384 = vector.shape_cast %get3A_383 : vector<1x16xf32> to vector<16xf32>
      %mul3A_385 = arith.constant 8.000000e+00 : f32
      %mul3A_386 = vector.broadcast %mul3A_385 : f32 to vector<16xf32>
      %mul3A_387 = arith.mulf %get3A_384, %mul3A_386 : vector<16xf32>
      %swap3A_388 = arith.index_cast %scan3A_368 : i32 to index
      %swap3A_389 = arith.constant 16 : index
      %swap3A_390 = tpu.vector_load %arg9[%swap3A_388, %swap3A_389] {strides = array<i32>} : memref<200x64xf32, #tpu.memory_space<vmem>>, vector<1x16xf32>,
      %swap3A_391 = vector.shape_cast %swap3A_390 : vector<1x16xf32> to vector<16xf32>
      %swap3A_392 = vector.shape_cast %mul3A_387 : vector<16xf32> to vector<1x16xf32>
      tpu.vector_store %arg9[%swap3A_388, %swap3A_389], %swap3A_392 {strides = array<i32>} : memref<200x64xf32, #tpu.memory_space<vmem>>, vector<1x16xf32>,
      %get3A_393 = arith.index_cast %scan3A_368 : i32 to index
      %get3A_394 = arith.constant 32 : index
      %get3A_395 = tpu.vector_load %arg9[%get3A_393, %get3A_394] {strides = array<i32>} : memref<200x64xf32, #tpu.memory_space<vmem>>, vector<1x16xf32>,
      %get3A_396 = vector.shape_cast %get3A_395 : vector<1x16xf32> to vector<16xf32>
      %mul3A_397 = arith.constant 8.000000e+00 : f32
      %mul3A_398 = vector.broadcast %mul3A_397 : f32 to vector<16xf32>
      %mul3A_399 = arith.mulf %get3A_396, %mul3A_398 : vector<16xf32>
      %swap3A_400 = arith.index_cast %scan3A_368 : i32 to index
      %swap3A_401 = arith.constant 32 : index
      %swap3A_402 = tpu.vector_load %arg9[%swap3A_400, %swap3A_401] {strides = array<i32>} : memref<200x64xf32, #tpu.memory_space<vmem>>, vector<1x16xf32>,
      %swap3A_403 = vector.shape_cast %swap3A_402 : vector<1x16xf32> to vector<16xf32>
      %swap3A_404 = vector.shape_cast %mul3A_399 : vector<16xf32> to vector<1x16xf32>
      tpu.vector_store %arg9[%swap3A_400, %swap3A_401], %swap3A_404 {strides = array<i32>} : memref<200x64xf32, #tpu.memory_space<vmem>>, vector<1x16xf32>,
      %get3A_405 = arith.index_cast %scan3A_368 : i32 to index
      %get3A_406 = arith.constant 48 : index
      %get3A_407 = tpu.vector_load %arg9[%get3A_405, %get3A_406] {strides = array<i32>} : memref<200x64xf32, #tpu.memory_space<vmem>>, vector<1x16xf32>,
      %get3A_408 = vector.shape_cast %get3A_407 : vector<1x16xf32> to vector<16xf32>
      %mul3A_409 = arith.constant 8.000000e+00 : f32
      %mul3A_410 = vector.broadcast %mul3A_409 : f32 to vector<16xf32>
      %mul3A_411 = arith.mulf %get3A_408, %mul3A_410 : vector<16xf32>
      %swap3A_412 = arith.index_cast %scan3A_368 : i32 to index
      %swap3A_413 = arith.constant 48 : index
      %swap3A_414 = tpu.vector_load %arg9[%swap3A_412, %swap3A_413] {strides = array<i32>} : memref<200x64xf32, #tpu.memory_space<vmem>>, vector<1x16xf32>,
      %swap3A_415 = vector.shape_cast %swap3A_414 : vector<1x16xf32> to vector<16xf32>
      %swap3A_416 = vector.shape_cast %mul3A_411 : vector<16xf32> to vector<1x16xf32>
      tpu.vector_store %arg9[%swap3A_412, %swap3A_413], %swap3A_416 {strides = array<i32>} : memref<200x64xf32, #tpu.memory_space<vmem>>, vector<1x16xf32>,
      %scan3A_417 = arith.constant 3 : i32
      %scan3A_418 = arith.addi %scan3A_270, %scan3A_417 : i32
      %get3A_419 = arith.index_cast %scan3A_418 : i32 to index
      %get3A_420 = arith.constant 0 : index
      %get3A_421 = tpu.vector_load %arg9[%get3A_419, %get3A_420] {strides = array<i32>} : memref<200x64xf32, #tpu.memory_space<vmem>>, vector<1x16xf32>,
      %get3A_422 = vector.shape_cast %get3A_421 : vector<1x16xf32> to vector<16xf32>
      %mul3A_423 = arith.constant 8.000000e+00 : f32
      %mul3A_424 = vector.broadcast %mul3A_423 : f32 to vector<16xf32>
      %mul3A_425 = arith.mulf %get3A_422, %mul3A_424 : vector<16xf32>
      %swap3A_426 = arith.index_cast %scan3A_418 : i32 to index
      %swap3A_427 = arith.constant 0 : index
      %swap3A_428 = tpu.vector_load %arg9[%swap3A_426, %swap3A_427] {strides = array<i32>} : memref<200x64xf32, #tpu.memory_space<vmem>>, vector<1x16xf32>,
      %swap3A_429 = vector.shape_cast %swap3A_428 : vector<1x16xf32> to vector<16xf32>
      %swap3A_430 = vector.shape_cast %mul3A_425 : vector<16xf32> to vector<1x16xf32>
      tpu.vector_store %arg9[%swap3A_426, %swap3A_427], %swap3A_430 {strides = array<i32>} : memref<200x64xf32, #tpu.memory_space<vmem>>, vector<1x16xf32>,
      %get3A_431 = arith.index_cast %scan3A_418 : i32 to index
      %get3A_432 = arith.constant 16 : index
      %get3A_433 = tpu.vector_load %arg9[%get3A_431, %get3A_432] {strides = array<i32>} : memref<200x64xf32, #tpu.memory_space<vmem>>, vector<1x16xf32>,
      %get3A_434 = vector.shape_cast %get3A_433 : vector<1x16xf32> to vector<16xf32>
      %mul3A_435 = arith.constant 8.000000e+00 : f32
      %mul3A_436 = vector.broadcast %mul3A_435 : f32 to vector<16xf32>
      %mul3A_437 = arith.mulf %get3A_434, %mul3A_436 : vector<16xf32>
      %swap3A_438 = arith.index_cast %scan3A_418 : i32 to index
      %swap3A_439 = arith.constant 16 : index
      %swap3A_440 = tpu.vector_load %arg9[%swap3A_438, %swap3A_439] {strides = array<i32>} : memref<200x64xf32, #tpu.memory_space<vmem>>, vector<1x16xf32>,
      %swap3A_441 = vector.shape_cast %swap3A_440 : vector<1x16xf32> to vector<16xf32>
      %swap3A_442 = vector.shape_cast %mul3A_437 : vector<16xf32> to vector<1x16xf32>
      tpu.vector_store %arg9[%swap3A_438, %swap3A_439], %swap3A_442 {strides = array<i32>} : memref<200x64xf32, #tpu.memory_space<vmem>>, vector<1x16xf32>,
      %get3A_443 = arith.index_cast %scan3A_418 : i32 to index
      %get3A_444 = arith.constant 32 : index
      %get3A_445 = tpu.vector_load %arg9[%get3A_443, %get3A_444] {strides = array<i32>} : memref<200x64xf32, #tpu.memory_space<vmem>>, vector<1x16xf32>,
      %get3A_446 = vector.shape_cast %get3A_445 : vector<1x16xf32> to vector<16xf32>
      %mul3A_447 = arith.constant 8.000000e+00 : f32
      %mul3A_448 = vector.broadcast %mul3A_447 : f32 to vector<16xf32>
      %mul3A_449 = arith.mulf %get3A_446, %mul3A_448 : vector<16xf32>
      %swap3A_450 = arith.index_cast %scan3A_418 : i32 to index
      %swap3A_451 = arith.constant 32 : index
      %swap3A_452 = tpu.vector_load %arg9[%swap3A_450, %swap3A_451] {strides = array<i32>} : memref<200x64xf32, #tpu.memory_space<vmem>>, vector<1x16xf32>,
      %swap3A_453 = vector.shape_cast %swap3A_452 : vector<1x16xf32> to vector<16xf32>
      %swap3A_454 = vector.shape_cast %mul3A_449 : vector<16xf32> to vector<1x16xf32>
      tpu.vector_store %arg9[%swap3A_450, %swap3A_451], %swap3A_454 {strides = array<i32>} : memref<200x64xf32, #tpu.memory_space<vmem>>, vector<1x16xf32>,
      %get3A_455 = arith.index_cast %scan3A_418 : i32 to index
      %get3A_456 = arith.constant 48 : index
      %get3A_457 = tpu.vector_load %arg9[%get3A_455, %get3A_456] {strides = array<i32>} : memref<200x64xf32, #tpu.memory_space<vmem>>, vector<1x16xf32>,
      %get3A_458 = vector.shape_cast %get3A_457 : vector<1x16xf32> to vector<16xf32>
      %mul3A_459 = arith.constant 8.000000e+00 : f32
      %mul3A_460 = vector.broadcast %mul3A_459 : f32 to vector<16xf32>
      %mul3A_461 = arith.mulf %get3A_458, %mul3A_460 : vector<16xf32>
      %swap3A_462 = arith.index_cast %scan3A_418 : i32 to index
      %swap3A_463 = arith.constant 48 : index
      %swap3A_464 = tpu.vector_load %arg9[%swap3A_462, %swap3A_463] {strides = array<i32>} : memref<200x64xf32, #tpu.memory_space<vmem>>, vector<1x16xf32>,
      %swap3A_465 = vector.shape_cast %swap3A_464 : vector<1x16xf32> to vector<16xf32>
      %swap3A_466 = vector.shape_cast %mul3A_461 : vector<16xf32> to vector<1x16xf32>
      tpu.vector_store %arg9[%swap3A_462, %swap3A_463], %swap3A_466 {strides = array<i32>} : memref<200x64xf32, #tpu.memory_space<vmem>>, vector<1x16xf32>,
    }
    %scan3A_219 = arith.constant 200 : i32
    %add3A_220 = arith.constant 127 : i32
    %add3A_221 = arith.addi %mul3A_2, %add3A_220 : i32
    %dma_start3A_222 = arith.constant 0 : i32
    %dma_start3A_223 = arith.constant 0 : i32
    %dma_start3A_224 = tpu.memref_slice %arg4[%add3A_221, %dma_start3A_222, %dma_start3A_223] : memref<4096x200x64xf32, #tpu.memory_space<hbm>> -> memref<1x200x64xf32, #tpu.memory_space<hbm>>
    %dma_start3A_225 = tpu.memref_squeeze %dma_start3A_224 : memref<1x200x64xf32, #tpu.memory_space<hbm>> -> memref<200x64xf32, #tpu.memory_space<hbm>>
    %dma_start3A_226 = arith.constant 0 : i32
    %dma_start3A_227 = arith.constant 0 : i32
    %dma_start3A_228 = tpu.memref_slice %arg4[%add3A_221, %dma_start3A_226, %dma_start3A_227] : memref<4096x200x64xf32, #tpu.memory_space<hbm>> -> memref<1x200x64xf32, #tpu.memory_space<hbm>>
    %dma_start3A_229 = tpu.memref_squeeze %dma_start3A_228 : memref<1x200x64xf32, #tpu.memory_space<hbm>> -> memref<200x64xf32, #tpu.memory_space<hbm>>
    tpu.enqueue_dma source(%arg9 : memref<200x64xf32, #tpu.memory_space<vmem>>) target(%dma_start3A_229 : memref<200x64xf32, #tpu.memory_space<hbm>>) target_semaphore(%arg17 : memref<!tpu.dma_semaphore, #tpu.memory_space<semaphore_mem>>)
    %add3A_230 = arith.constant 124 : i32
    %add3A_231 = arith.addi %mul3A_2, %add3A_230 : i32
    %dma_wait3A_232 = arith.constant 0 : i32
    %dma_wait3A_233 = arith.constant 0 : i32
    %dma_wait3A_234 = tpu.memref_slice %arg4[%add3A_231, %dma_wait3A_232, %dma_wait3A_233] : memref<4096x200x64xf32, #tpu.memory_space<hbm>> -> memref<1x200x64xf32, #tpu.memory_space<hbm>>
    %dma_wait3A_235 = tpu.memref_squeeze %dma_wait3A_234 : memref<1x200x64xf32, #tpu.memory_space<hbm>> -> memref<200x64xf32, #tpu.memory_space<hbm>>
    %dma_wait3A_236 = arith.constant 0 : i32
    %dma_wait3A_237 = arith.constant 0 : i32
    %dma_wait3A_238 = tpu.memref_slice %arg4[%add3A_231, %dma_wait3A_236, %dma_wait3A_237] : memref<4096x200x64xf32, #tpu.memory_space<hbm>> -> memref<1x200x64xf32, #tpu.memory_space<hbm>>
    %dma_wait3A_239 = tpu.memref_squeeze %dma_wait3A_238 : memref<1x200x64xf32, #tpu.memory_space<hbm>> -> memref<200x64xf32, #tpu.memory_space<hbm>>
    tpu.wait_dma2 semaphore(%arg14 : memref<!tpu.dma_semaphore, #tpu.memory_space<semaphore_mem>>) src(%arg6 : memref<200x64xf32, #tpu.memory_space<vmem>>) dst(%dma_wait3A_239 : memref<200x64xf32, #tpu.memory_space<hbm>>)
    %add3A_240 = arith.constant 125 : i32
    %add3A_241 = arith.addi %mul3A_2, %add3A_240 : i32
    %dma_wait3A_242 = arith.constant 0 : i32
    %dma_wait3A_243 = arith.constant 0 : i32
    %dma_wait3A_244 = tpu.memref_slice %arg4[%add3A_241, %dma_wait3A_242, %dma_wait3A_243] : memref<4096x200x64xf32, #tpu.memory_space<hbm>> -> memref<1x200x64xf32, #tpu.memory_space<hbm>>
    %dma_wait3A_245 = tpu.memref_squeeze %dma_wait3A_244 : memref<1x200x64xf32, #tpu.memory_space<hbm>> -> memref<200x64xf32, #tpu.memory_space<hbm>>
    %dma_wait3A_246 = arith.constant 0 : i32
    %dma_wait3A_247 = arith.constant 0 : i32
    %dma_wait3A_248 = tpu.memref_slice %arg4[%add3A_241, %dma_wait3A_246, %dma_wait3A_247] : memref<4096x200x64xf32, #tpu.memory_space<hbm>> -> memref<1x200x64xf32, #tpu.memory_space<hbm>>
    %dma_wait3A_249 = tpu.memref_squeeze %dma_wait3A_248 : memref<1x200x64xf32, #tpu.memory_space<hbm>> -> memref<200x64xf32, #tpu.memory_space<hbm>>
    tpu.wait_dma2 semaphore(%arg15 : memref<!tpu.dma_semaphore, #tpu.memory_space<semaphore_mem>>) src(%arg7 : memref<200x64xf32, #tpu.memory_space<vmem>>) dst(%dma_wait3A_249 : memref<200x64xf32, #tpu.memory_space<hbm>>)
    %add3A_250 = arith.constant 126 : i32
    %add3A_251 = arith.addi %mul3A_2, %add3A_250 : i32
    %dma_wait3A_252 = arith.constant 0 : i32
    %dma_wait3A_253 = arith.constant 0 : i32
    %dma_wait3A_254 = tpu.memref_slice %arg4[%add3A_251, %dma_wait3A_252, %dma_wait3A_253] : memref<4096x200x64xf32, #tpu.memory_space<hbm>> -> memref<1x200x64xf32, #tpu.memory_space<hbm>>
    %dma_wait3A_255 = tpu.memref_squeeze %dma_wait3A_254 : memref<1x200x64xf32, #tpu.memory_space<hbm>> -> memref<200x64xf32, #tpu.memory_space<hbm>>
    %dma_wait3A_256 = arith.constant 0 : i32
    %dma_wait3A_257 = arith.constant 0 : i32
    %dma_wait3A_258 = tpu.memref_slice %arg4[%add3A_251, %dma_wait3A_256, %dma_wait3A_257] : memref<4096x200x64xf32, #tpu.memory_space<hbm>> -> memref<1x200x64xf32, #tpu.memory_space<hbm>>
    %dma_wait3A_259 = tpu.memref_squeeze %dma_wait3A_258 : memref<1x200x64xf32, #tpu.memory_space<hbm>> -> memref<200x64xf32, #tpu.memory_space<hbm>>
    tpu.wait_dma2 semaphore(%arg16 : memref<!tpu.dma_semaphore, #tpu.memory_space<semaphore_mem>>) src(%arg8 : memref<200x64xf32, #tpu.memory_space<vmem>>) dst(%dma_wait3A_259 : memref<200x64xf32, #tpu.memory_space<hbm>>)
    %add3A_260 = arith.constant 127 : i32
    %add3A_261 = arith.addi %mul3A_2, %add3A_260 : i32
    %dma_wait3A_262 = arith.constant 0 : i32
    %dma_wait3A_263 = arith.constant 0 : i32
    %dma_wait3A_264 = tpu.memref_slice %arg4[%add3A_261, %dma_wait3A_262, %dma_wait3A_263] : memref<4096x200x64xf32, #tpu.memory_space<hbm>> -> memref<1x200x64xf32, #tpu.memory_space<hbm>>
    %dma_wait3A_265 = tpu.memref_squeeze %dma_wait3A_264 : memref<1x200x64xf32, #tpu.memory_space<hbm>> -> memref<200x64xf32, #tpu.memory_space<hbm>>
    %dma_wait3A_266 = arith.constant 0 : i32
    %dma_wait3A_267 = arith.constant 0 : i32
    %dma_wait3A_268 = tpu.memref_slice %arg4[%add3A_261, %dma_wait3A_266, %dma_wait3A_267] : memref<4096x200x64xf32, #tpu.memory_space<hbm>> -> memref<1x200x64xf32, #tpu.memory_space<hbm>>
    %dma_wait3A_269 = tpu.memref_squeeze %dma_wait3A_268 : memref<1x200x64xf32, #tpu.memory_space<hbm>> -> memref<200x64xf32, #tpu.memory_space<hbm>>
    tpu.wait_dma2 semaphore(%arg17 : memref<!tpu.dma_semaphore, #tpu.memory_space<semaphore_mem>>) src(%arg9 : memref<200x64xf32, #tpu.memory_space<vmem>>) dst(%dma_wait3A_269 : memref<200x64xf32, #tpu.memory_space<hbm>>)
    return
  }
}

</mosaic_0001>

<sc_bundles>
// kernel: kernel.3.cloned.1.call-start
scs
__scs_entry_jumppad:
0x0: {  	(pc) =	sbr.rel $0x88, $3  }
0x1: {  	(tag) =	ssettag $0x0;
	lr =	simm.s32 $0x1  }
0x2: {  	[smem:$0x3F9F] =	sst lr;
	_ =	strace $0xD0000000  }
0x3: {  	_ = 	snop  }
0x4: {  	_ = 	snop  }
0x5: {  	_ = 	snop  }
0x6: {  	_ = 	snop  }
0x7: {  	_ = 	snop  }
__scs_overlays_trampoline_lowered:
0x8: {  	[smem:$0x3FAE] =	sst s0  }
0x9: {  	[smem:$0x3FAF] =	sst s1  }
0xa: {  	[smem:$0x3FB0] =	sst s2  }
0xb: {  	[smem:$0x3FB1] =	sst s3  }
0xc: {  	[smem:$0x3FB2] =	sst s4  }
0xd: {  	[smem:$0x3FB3] =	sst s5  }
0xe: {  	[smem:$0x3FB4] =	sst s6  }
0xf: {  	[smem:$0x3FB5] =	sst s7  }
0x10: {  	[smem:$0x3FB6] =	sst s8  }
0x11: {  	[smem:$0x3FB7] =	sst s9;
	s0 =	simm.s32 @!p0 $0x0  }
0x12: {  	s1 =	sld [smem:$0x3F9D];
	s0 =	simm.s32 @p0 $0x1  }
0x13: {  	[smem:$0x3FB8] =	sst s0;
	s0 =	simm.s32 @!p1 $0x0  }
0x14: {  	s2 =	sld [smem:$0x3F9C];
	s0 =	simm.s32 @p1 $0x1  }
0x15: {  	[smem:$0x3FB9] =	sst s0;
	s0 =	simm.s32 @!p2 $0x0  }
0x16: {  	s3 =	sld [smem:$0x3FDB];
	s0 =	simm.s32 @p2 $0x1  }
0x17: {  	s4 =	simm.s32 $0x1BF5;
	[smem:$0x3FBB] =	sst s0  }
0x18: {  	s0 =	sld [smem:$0x3F9E];
	_ =	swait.ge [sflag:s4], $0x0  }
0x19: {  	s7 =	sld [smem:$0x3F9F]  }
0x1a: {  	s8 =	sadd.s32 $0xFFFFE003, lr  }
0x1b: {  	s9 =	sadd.s32 $0xFFFFFEF7, lr;
	s5 =	simm.s32 $0xFFFFFFFF;
	p2 =	slt.u32 s8, $0xFFFFF086  }
0x1c: {  	p1 =	slt.u32 s9, $0xF7A;
	s5 =	simm.s32 @!p2 $0x0  }
0x1d: {  	s5 =	simm.s32 @p1 $0x1;
	p0 =	seq.s32 s7, s2  }
0x1e: {  	s7 =	smul.u32 @!p0 $0xF7A, s2;
	p2 =	seq.s32 @!p0 s5, $0x0  }
0x1f: {  	s9 =	smul.u32 $0xF7A, s1;
	s8 =	simm.s32 @!p0 $0x1BF5;
	p2 =	por !p2, p0  }
0x20: {  	[sflag:s8] =	ssyncset.s32 @!p0 $0xFFFFF086;
	s6 =	sadd.s32 @!p0 s3, s7;
	s7 =	simm.s32 @!p0 $0x108  }
0x21: {  	s3 =	sadd.s32 s3, s9;
	s6 =	sadd.s32 @!p0 $0x88, s6;
	s7 =	simm.s32 @p2 $0x1082  }
0x22: {  	[simem:s7], [sflag:s8] =	dma.local @!p0 [hbm:s6], $0xF7A  }
0x23: {  	s9 =	sor.u32 $0xD0000000, s2;
	s6 =	simm.s32 $0x108;
	_ =	swait.ge @!p0 [sflag:s8], $0x0  }
0x24: {  	s3 =	sadd.s32 $0x88, s3;
	s6 =	simm.s32 @!p1 $0x1082;
	[sflag:s4] =	ssyncset.s32 $0xFFFFF086  }
0x25: {  	[simem:s6], [sflag:s4] =	dma.local [hbm:s3], $0xF7A  }
0x26: {  	[smem:$0x3F9F] =	sst s1;
	(tag) =	ssettag s2;
	_ =	strace s9  }
0x27: {  	s1 =	sld [smem:$0x3FAF]  }
0x28: {  	s2 =	sld [smem:$0x3FB0]  }
0x29: {  	s4 =	sld [smem:$0x3FB2]  }
0x2a: {  	p0 =	seq.s32 s5, $0x0;
	s5 =	sld [smem:$0x3FB3]  }
0x2b: {  	s6 =	sld [smem:$0x3FB4]  }
0x2c: {  	s7 =	sld [smem:$0x3FB5]  }
0x2d: {  	s3 =	simm.s32 $0x108;
	s8 =	sld [smem:$0x3FB6]  }
0x2e: {  	s3 =	simm.s32 @!p0 $0x1082;
	s9 =	sld [smem:$0x3FB7]  }
0x2f: {  	lr =	sadd.s32 s0, s3;
	s0 =	sld [smem:$0x3FAE]  }
0x30: {  	s3 =	sld [smem:$0x3FB1]  }
0x31: {  	[smem:$0x3FBA] =	sst s10  }
0x32: {  	s10 =	sld [smem:$0x3FB8];
	_ =	sdelay $0x3  }
0x33: {  	p0 =	seq.s32 s10, $0x1;
	s10 =	sld [smem:$0x3FBA];
	_ =	sdelay $0x3  }
0x34: {  	[smem:$0x3FBA] =	sst s10  }
0x35: {  	s10 =	sld [smem:$0x3FB9];
	_ =	sdelay $0x3  }
0x36: {  	p1 =	seq.s32 s10, $0x1;
	s10 =	sld [smem:$0x3FBA];
	_ =	sdelay $0x3  }
0x37: {  	[smem:$0x3FBA] =	sst s10  }
0x38: {  	s10 =	sld [smem:$0x3FBB]  }
0x39: {  	_ = 	snop;
	(pc) =	sbr.ind lr, $3  }
0x3a: {  	_ = 	snop  }
0x3b: {  	_ = 	snop  }
0x3c: {  	p2 =	seq.s32 s10, $0x1;
	s10 =	sld [smem:$0x3FBA]  }
0x3d: {  	_ =	shalt  }
0x3e: {  	_ =	shalt  }
0x3f: {  	_ =	shalt  }
0x40: {  	_ =	shalt  }
0x41: {  	_ =	shalt  }
0x42: {  	_ =	shalt  }
0x43: {  	_ =	shalt  }
0x44: {  	_ =	shalt  }
0x45: {  	_ =	shalt  }
0x46: {  	_ =	shalt  }
0x47: {  	_ =	shalt  }
0x48: {  	_ =	shalt  }
0x49: {  	_ =	shalt  }
0x4a: {  	_ =	shalt  }
0x4b: {  	_ =	shalt  }
0x4c: {  	_ =	shalt  }
0x4d: {  	_ =	shalt  }
0x4e: {  	_ =	shalt  }
0x4f: {  	_ =	shalt  }
0x50: {  	_ =	shalt  }
0x51: {  	_ =	shalt  }
0x52: {  	_ =	shalt  }
0x53: {  	_ =	shalt  }
0x54: {  	_ =	shalt  }
0x55: {  	_ =	shalt  }
0x56: {  	_ =	shalt  }
0x57: {  	_ =	shalt  }
0x58: {  	_ =	shalt  }
0x59: {  	_ =	shalt  }
0x5a: {  	_ =	shalt  }
0x5b: {  	_ =	shalt  }
0x5c: {  	_ =	shalt  }
0x5d: {  	_ =	shalt  }
0x5e: {  	_ =	shalt  }
0x5f: {  	_ =	shalt  }
0x60: {  	_ =	shalt  }
0x61: {  	_ =	shalt  }
0x62: {  	_ =	shalt  }
0x63: {  	_ =	shalt  }
0x64: {  	_ =	shalt  }
0x65: {  	_ =	shalt  }
0x66: {  	_ =	shalt  }
0x67: {  	_ =	shalt  }
0x68: {  	_ =	shalt  }
0x69: {  	_ =	shalt  }
0x6a: {  	_ =	shalt  }
0x6b: {  	_ =	shalt  }
0x6c: {  	_ =	shalt  }
0x6d: {  	_ =	shalt  }
0x6e: {  	_ =	shalt  }
0x6f: {  	_ =	shalt  }
0x70: {  	_ =	shalt  }
0x71: {  	_ =	shalt  }
0x72: {  	_ =	shalt  }
0x73: {  	_ =	shalt  }
0x74: {  	_ =	shalt  }
0x75: {  	_ =	shalt  }
0x76: {  	_ =	shalt  }
0x77: {  	_ =	shalt  }
0x78: {  	_ =	shalt  }
0x79: {  	_ =	shalt  }
0x7a: {  	_ =	shalt  }
0x7b: {  	_ =	shalt  }
0x7c: {  	_ =	shalt  }
0x7d: {  	_ =	shalt  }
0x7e: {  	_ =	shalt  }
0x7f: {  	_ =	shalt  }
0x80: {  	_ =	shalt  }
0x81: {  	_ =	shalt  }
0x82: {  	_ =	shalt  }
0x83: {  	_ =	shalt  }
0x84: {  	_ =	shalt  }
0x85: {  	_ =	shalt  }
0x86: {  	_ =	shalt  }
0x87: {  	_ =	shalt  }
.Lfunc_end0:
.L_simem_size_0:
called_computation.1_lowered:
.L_overlay_start_0:
0x88: {  	s2 =	sld [smem:$0x3FD9]  }
0x89: {  	s3 =	sld [smem:$0x3FFE];
	_ =	sdelay $0x1  }
0x8a: {  	s1 =	srdreg.scid  }
0x8b: {  	s0 =	sand.u32 $0x1, s1  }
0x8c: {  	s17 =	sshll.u32 s0, $0xA;
	s2 =	sadd.s32 s3, s2  }
0x8d: {  	s2 =	sadd.s32 s2, s17  }
0x8e: {  	[smem:$0x3FC6] =	sst s2  }
0x8f: {  	_ = 	snop  }
0x90: {  	s2 =	sld [smem:$0x3FD0];
	(tm) =	ssettm $0x1  }
0x91: {  	s18 =	sld [smem:$0x3FFB];
	_ =	sdelay $0x3  }
0x92: {  	_ =	strace s18  }
0x93: {  	s3 =	sld [smem:$0x3FFC];
	_ =	sdelay $0x3  }
0x94: {  	_ =	strace s3  }
0x95: {  	s3 =	sld [smem:$0x3FFD];
	_ =	sdelay $0x3  }
0x96: {  	_ =	strace s3  }
0x97: {  	_ =	strace $0x8FFFFFFF  }
0x98: {  	s19 =	sld [smem:$0x3FDB];
	_ =	sdelay $0x1  }
0x99: {  	s4 =	simm.s32 $_scs_section_size  }
0x9a: {  	s5 =	simm.s32 $_size__tile_overlayer_lowered;
	s6 =	simm.s32 $_tile_overlayer_lowered  }
0x9b: {  	s22 =	simm.s32 $0x1BFF;
	s21 =	sshll.u32 s6, $0x1;
	s3 =	sadd.s32 s4, s19  }
0x9c: {  	s7 =	simm.s32 $0x0;
	s20 =	sshll.u32 s5, $0x1;
	s5 =	sadd.s32 s21, s3  }
0x9d: {  	[timem:s7], [sflag:s22] =	dma.local [hbm:s5], s20  }
0x9e: {  	_ =	swait.ge [sflag:s22], s20  }
0x9f: {  	s4 =	ssub.s32 $0x0, s20;
	[sflag:s22] =	ssyncset.done $0x0  }
0xa0: {  	[sflag:s22] =	ssyncadd.s32 s4;
	_ =	sdelay $0x1  }
0xa1: {  	s23 =	simm.s32 $0x1B8B  }
0xa2: {  	_ =	swait.ge [sflag:s23], $0x1  }
0xa3: {  	[sflag:s23] =	ssyncset.done $0x0  }
0xa4: {  	s25 =	simm.s32 $0x1B8E;
	s24 =	sld [smem:$0x3FFE];
	[sflag:s23] =	ssyncadd.s32 $0xFFFFFFFF  }
0xa5: {  	s26 =	simm.s32 $execute0_lowered;
	[smem:$0x3FD2] =	sst s25  }
0xa6: {  	s5 =	sshll.u32 s26, $0x1;
	_ =	strace $0x80000046;
	[dreg:$0x1] =	wrdreg $0xFFFFFFFF  }
0xa7: {  	s28 =	simm.s32 $_size_execute0_lowered;
	s3 =	sadd.s32 s3, s5;
	[dreg:$0x0] =	wrdreg $0x0  }
0xa8: {  	s5 =	sshll.u32 s28, $0x1;
	[dreg:$0x2] =	wrdreg s3  }
0xa9: {  	[dreg:$0x3] =	wrdreg s5  }
0xaa: {  	[dreg:$0x4] =	wrdreg $0xC0  }
0xab: {  	_ =	task [dreg:s7], $0x5FFFF  }
0xac: {  	[dreg:$0x1] =	wrdreg $0xFFFFFFFF  }
0xad: {  	[dreg:$0x0] =	wrdreg $0x60  }
0xae: {  	[dreg:$0x2] =	wrdreg s24  }
0xaf: {  	[dreg:$0x3] =	wrdreg s2  }
0xb0: {  	[dreg:$0x4] =	wrdreg $0x9  }
0xb1: {  	_ =	task.clear_ibuf [dreg:s7], $0x5FFFF;
	_ =	strace $0x90000046  }
0xb2: {  	s29 =	simm.s32 $0x9;
	_ =	strace $0x80000048  }
0xb3: {  	_ =	swait.ge [sflag:s29], $0x1  }
0xb4: {  	[sflag:s29] =	ssyncadd.s32 $0xFFFFFFFF  }
0xb5: {  	_ =	strace $0x90000048  }
0xb6: {  	_ =	sfence  }
0xb7: {  	s30 =	sld [smem:$0x0];
	_ =	sdelay $0x2  }
0xb8: {  	s31 =	sshll.u32 s1, $0xD;
	s1 =	sshrl.u32 s1, $0x2  }
0xb9: {  	s3 =	sand.u32 $0x4000, s31;
	s1 =	sadd.s32 s1, s30  }
0xba: {  	s0 =	sor.u32 s3, s0;
	s1 =	sshll.u32 s1, $0x11  }
0xbb: {  	s0 =	sor.u32 s1, s0  }
0xbc: {  	s0 =	sadd.s32 $0x8F2B, s0  }
0xbd: {  	[sflag:s0] =	ssyncadd.remote.s32 $0x1  }
0xbe: {  	_ =	sfence.sel $0xFFFF  }
0xbf: {  	[dreg:$0x0] =	wrdreg $0xFFFFFFFF;
	(pc) =	sbr.abs _section_cstart, $3  }
0xc0: {  	[dreg:$0x1] =	wrdreg $0xFFFFFFFF  }
0xc1: {  	_ =	task.clear_ibuf [dreg:s7], $0x2FFFF;
	_ =	strace $0x9FFFFFFF  }
0xc2: {  	(tm) =	ssettm $0x7FFFFFFF  }
0xc3: {  	_ =	shalt  }
tec
execute0_lowered:
.L_overlay_start_1:
0x0: {  	(tag) =	ssettag $0x1  }
0x1: {  	s0 =	srdreg.scid;
	s2 =	stileid.u32  }
0x2: {  	s1 =	rddreg [dreg:$0x0];
	s12 =	simm.s32 $0x9;
	s13 =	simm.s32 $0x68  }
0x3: {  	s14 =	simm.s32 $0x6400;
	s15 =	simm.s32 $0x60;
	s16 =	simm.s32 $0x7E00  }
0x4: {  	s18 =	simm.s32 $0x9600;
	s20 =	simm.s32 $0xB000;
	s22 =	simm.s32 $0xC800  }
0x5: {  	s29 =	simm.s32 $0x11400;
	s30 =	simm.s32 $0x1;
	s31 =	simm.s32 $0x2  }
0x6: {  	s17 =	simm.s32 $0x5;
	s0 =	sand.u32 $0x1, s0;
	s3 =	sshll.u32 s2, $0x1  }
0x7: {  	s19 =	simm.s32 $0x6;
	s21 =	simm.s32 $0x7;
	s5 =	sor.u32 s0, s3  }
0x8: {  	s2 =	rddreg [dreg:$0x1];
	s3 =	simm.s32 $0x0;
	s4 =	smul.u32 $0xC80, s5  }
0x9: {  	s0 =	ssub.s32 $0x2, s0;
	[smem:$0x7FF] =	sst s3;
	s6 =	smul.u32 $0x190000, s5  }
0xa: {  	s8 =	sshrl.u32 s0, $0x1;
	s5 =	sshll.u32 s5, $0x7;
	_ =	strace $0x80000047  }
0xb: {  	s0 =	ssub.s32 s0, s8;
	s7 =	sadd.s32 s4, s1;
	s6 =	sshrl.u32 s6, $0x3  }
0xc: {  	s4 =	sadd.s32 $0xF42E00, s1;
	s11 =	smax.u32 s0, $0x1;
	s1 =	simm.s32 $0x3  }
0xd: {  	s0 =	simm.s32 $0x4;
	s23 =	sadd.s32 s2, s6;
	s24 =	sadd.s32 $0xA00, s7  }
0xe: {  	[dreg:$0x3] =	wrdreg s24;
	s25 =	sadd.s32 $0x30700, s23;
	s26 =	sadd.s32 $0x30D40, s23  }
0xf: {  	s28 =	sadd.s32 $0x31380, s23;
	s10 =	sadd.s32 $0x319C0, s23;
	[dreg:$0x4] =	wrdreg s25  }
0x10: {  	s24 =	simm.s32 $0xE200;
	s23 =	simm.s32 $0x8;
	[dreg:$0x5] =	wrdreg s26  }
0x11: {  	[dreg:$0x6] =	wrdreg s28;
	s26 =	simm.s32 $0xFA00;
	s25 =	simm.s32 $0x0  }
.LBB2_1:
0x12: {  	s6 =	rddreg [dreg:$0x3]  }
0x13: {  	[tilespmem:s3], [sflag:$0x9] =	stream.linear.gather [hbm4b:s6+s3], $0x6400, $0x38;
	[tilespmem:$0x12C00] =	vst v63  }
0x14: {  	_ =	swait.ge [sflag:s12], $0x6400  }
0x15: {  	[sflag:s12] =	ssyncset.done $0x0  }
0x16: {  	[sflag:s12] =	ssyncadd.s32 $0xFFFF9C00  }
0x17: {  	[tilespmem:s14], [sflag:$0x1] =	stream.indirect.gather [hbm4b:s4+s13], $0x40, s3, s13, $0xb8;
	[tilespmem:$0x12C00] =	vst v63  }
0x18: {  	_ = 	snop  }
0x19: {  	[tilespmem:s16], [sflag:$0x1] =	stream.indirect.gather [hbm4b:s4+s15], $0x40, s13, s15, $0xb8;
	[tilespmem:$0x12C00] =	vst v63  }
0x1a: {  	s7 =	simm.s32 $0xC8  }
0x1b: {  	[tilespmem:s18], [sflag:$0x2] =	stream.indirect.gather [hbm4b:s4+s13], $0x40, s7, s13, $0xb8;
	[tilespmem:$0x12C00] =	vst v63  }
0x1c: {  	s8 =	simm.s32 $0x130  }
0x1d: {  	[tilespmem:s20], [sflag:$0x2] =	stream.indirect.gather [hbm4b:s4+s15], $0x40, s8, s15, $0xb8;
	[tilespmem:$0x12C00] =	vst v63  }
0x1e: {  	s9 =	simm.s32 $0x190  }
0x1f: {  	[tilespmem:s22], [sflag:$0x3] =	stream.indirect.gather [hbm4b:s4+s13], $0x40, s9, s13, $0xb8;
	[tilespmem:$0x12C00] =	vst v63  }
0x20: {  	s7 =	simm.s32 $0x1F8  }
0x21: {  	[tilespmem:s24], [sflag:$0x3] =	stream.indirect.gather [hbm4b:s4+s15], $0x40, s7, s15, $0xb8;
	[tilespmem:$0x12C00] =	vst v63  }
0x22: {  	s8 =	simm.s32 $0x258  }
0x23: {  	[tilespmem:s26], [sflag:$0x4] =	stream.indirect.gather [hbm4b:s4+s13], $0x40, s8, s13, $0xb8;
	[tilespmem:$0x12C00] =	vst v63  }
0x24: {  	s28 =	simm.s32 $0x0;
	s9 =	simm.s32 $0x2C0  }
0x25: {  	[tilespmem:s29], [sflag:$0x4] =	stream.indirect.gather [hbm4b:s4+s15], $0x40, s9, s15, $0xb8;
	[tilespmem:$0x12C00] =	vst v63  }
.LBB2_2:
0x26: {  	_ =	swait.ge [sflag:s30], $0x1A00  }
0x27: {  	[sflag:s30] =	ssyncset.done $0x0  }
0x28: {  	[sflag:s30] =	ssyncadd.s32 $0xFFFFE600  }
0x29: {  	_ =	swait.ge [sflag:s30], $0x1800  }
0x2a: {  	[sflag:s30] =	ssyncset.done $0x0  }
0x2b: {  	s7 =	simm.s32 $0x6480;
	[sflag:s30] =	ssyncadd.s32 $0xFFFFE800  }
0x2c: {  	v0 =	vld [tilespmem:s7+$0xFFFFFF80]  }
0x2d: {  	v1 =	vld [tilespmem:s7+$0xFFFFFF90]  }
0x2e: {  	v2 =	vld [tilespmem:s7+$0xFFFFFFA0]  }
0x2f: {  	v3 =	vld [tilespmem:s7+$0xFFFFFFB0]  }
0x30: {  	v4 =	vld [tilespmem:s7+$0xFFFFFFC0]  }
0x31: {  	v5 =	vld [tilespmem:s7+$0xFFFFFFD0];
	v0 =	vmul.f32 $8.000000000e+00, v0  }
0x32: {  	v6 =	vld [tilespmem:s7+$0xFFFFFFE0];
	v1 =	vmul.f32 $8.000000000e+00, v1  }
0x33: {  	[tilespmem:s7+$0xFFFFFF80] =	vst v0;
	v0 =	vmul.f32 $8.000000000e+00, v2;
	v2 =	vld [tilespmem:s7+$0x0]  }
0x34: {  	[tilespmem:s7+$0xFFFFFF90] =	vst v1;
	v1 =	vmul.f32 $8.000000000e+00, v3;
	v3 =	vld [tilespmem:s7+$0x10]  }
0x35: {  	[tilespmem:s7+$0xFFFFFFA0] =	vst v0;
	v0 =	vmul.f32 $8.000000000e+00, v4;
	v4 =	vld [tilespmem:s7+$0x20]  }
0x36: {  	v7 =	vld [tilespmem:s7+$0x30];
	v5 =	vmul.f32 $8.000000000e+00, v5;
	[tilespmem:s7+$0xFFFFFFB0] =	vst v1  }
0x37: {  	v1 =	vld [tilespmem:s7+$0x40];
	[tilespmem:s7+$0xFFFFFFC0] =	vst v0;
	v0 =	vmul.f32 $8.000000000e+00, v6  }
0x38: {  	[tilespmem:s7+$0xFFFFFFD0] =	vst v5;
	v5 =	vmul.f32 $8.000000000e+00, v2;
	v2 =	vld [tilespmem:s7+$0x50]  }
0x39: {  	v6 =	vmul.f32 $8.000000000e+00, v3;
	v3 =	vld [tilespmem:s7+$0x60];
	[tilespmem:s7+$0xFFFFFFE0] =	vst v0  }
0x3a: {  	[tilespmem:s7+$0x0] =	vst v5;
	v5 =	vmul.f32 $8.000000000e+00, v4;
	v4 =	vld [tilespmem:s7+$0x70]  }
0x3b: {  	s6 =	simm.s32 $0x0;
	s8 =	simm.s32 $0x6580;
	v0 =	vld [tilespmem:s7+$0xFFFFFFF0];
	[tilespmem:s7+$0x10] =	vst v6;
	v6 =	vmul.f32 $8.000000000e+00, v7  }
.LBB2_3:
0x3c: {  	v7 =	vld [tilespmem:s8+$0xFFFFFF80];
	[tilespmem:s7+$0x20] =	vst v5;
	v1 =	vmul.f32 $8.000000000e+00, v1  }
0x3d: {  	v5 =	vld [tilespmem:s8+$0xFFFFFF90];
	[tilespmem:s7+$0x30] =	vst v6;
	v2 =	vmul.f32 $8.000000000e+00, v2  }
0x3e: {  	v6 =	vld [tilespmem:s8+$0xFFFFFFA0];
	[tilespmem:s7+$0x40] =	vst v1;
	v1 =	vmul.f32 $8.000000000e+00, v3  }
0x3f: {  	v3 =	vld [tilespmem:s8+$0xFFFFFFB0];
	[tilespmem:s7+$0x50] =	vst v2;
	v2 =	vmul.f32 $8.000000000e+00, v4  }
0x40: {  	v4 =	vld [tilespmem:s8+$0xFFFFFFC0];
	v0 =	vmul.f32 $8.000000000e+00, v0;
	[tilespmem:s7+$0x60] =	vst v1  }
0x41: {  	v1 =	vmul.f32 $8.000000000e+00, v7;
	v7 =	vld [tilespmem:s8+$0xFFFFFFD0];
	[tilespmem:s7+$0x70] =	vst v2  }
0x42: {  	v2 =	vmul.f32 $8.000000000e+00, v5;
	v5 =	vld [tilespmem:s8+$0xFFFFFFE0];
	[tilespmem:s7+$0xFFFFFFF0] =	vst v0;
	s7 =	smov.u32 s8  }
0x43: {  	[tilespmem:s8+$0xFFFFFF80] =	vst v1;
	v0 =	vmul.f32 $8.000000000e+00, v6;
	v6 =	vld [tilespmem:s8+$0x0]  }
0x44: {  	[tilespmem:s8+$0xFFFFFF90] =	vst v2;
	v1 =	vmul.f32 $8.000000000e+00, v3;
	v3 =	vld [tilespmem:s8+$0x10]  }
0x45: {  	s6 =	sadd.s32 $0x4, s6;
	[tilespmem:s8+$0xFFFFFFA0] =	vst v0;
	v0 =	vmul.f32 $8.000000000e+00, v4;
	v4 =	vld [tilespmem:s8+$0x20]  }
0x46: {  	p0 =	slt.u32 s6, $0xC4;
	[tilespmem:s8+$0xFFFFFFB0] =	vst v1;
	v2 =	vmul.f32 $8.000000000e+00, v7;
	v7 =	vld [tilespmem:s8+$0x30]  }
.Ltmp0:
0x47: {  	[tilespmem:s8+$0xFFFFFFC0] =	vst v0;
	v0 =	vmul.f32 $8.000000000e+00, v5;
	v1 =	vld [tilespmem:s8+$0x40];
	(pc) =	sbr.rel @p0 .LBB2_3-.Ltmp0, $4  }
0x48: {  	[tilespmem:s8+$0xFFFFFFD0] =	vst v2;
	v5 =	vmul.f32 $8.000000000e+00, v6;
	v2 =	vld [tilespmem:s8+$0x50]  }
0x49: {  	[tilespmem:s8+$0xFFFFFFE0] =	vst v0;
	v6 =	vmul.f32 $8.000000000e+00, v3;
	v3 =	vld [tilespmem:s8+$0x60]  }
0x4a: {  	[tilespmem:s8+$0x0] =	vst v5;
	v5 =	vmul.f32 $8.000000000e+00, v4;
	v4 =	vld [tilespmem:s8+$0x70]  }
0x4b: {  	s8 =	sadd.s32 $0x100, s8;
	v0 =	vld [tilespmem:s7+$0xFFFFFFF0];
	[tilespmem:s7+$0x10] =	vst v6;
	v6 =	vmul.f32 $8.000000000e+00, v7  }
0x4c: {  	[tilespmem:s7+$0x20] =	vst v5;
	v1 =	vmul.f32 $8.000000000e+00, v1  }
0x4d: {  	[tilespmem:s7+$0x30] =	vst v6;
	v2 =	vmul.f32 $8.000000000e+00, v2  }
0x4e: {  	s6 =	sshll.u32 s28, $0x2;
	[tilespmem:s7+$0x40] =	vst v1;
	v1 =	vmul.f32 $8.000000000e+00, v3  }
0x4f: {  	s8 =	sadd.s32 s5, s6;
	[tilespmem:s7+$0x50] =	vst v2;
	v2 =	vmul.f32 $8.000000000e+00, v4  }
0x50: {  	s8 =	smul.u32 $0x640, s8;
	v0 =	vmul.f32 $8.000000000e+00, v0;
	[tilespmem:s7+$0x60] =	vst v1  }
0x51: {  	[tilespmem:s7+$0x70] =	vst v2  }
0x52: {  	s9 =	sadd.s32 s2, s8;
	[tilespmem:s7+$0xFFFFFFF0] =	vst v0  }
0x53: {  	[hbm4b:s9+s3] =	stream.linear.scatter [tilespmem:s14], [sflag:$0x5], $0x3200, $0x38;
	[tilespmem:$0x12C00] =	vst v63  }
0x54: {  	_ =	swait.ge [sflag:s31], $0x1A00  }
0x55: {  	[sflag:s31] =	ssyncset.done $0x0  }
0x56: {  	[sflag:s31] =	ssyncadd.s32 $0xFFFFE600  }
0x57: {  	_ =	swait.ge [sflag:s31], $0x1800  }
0x58: {  	[sflag:s31] =	ssyncset.done $0x0  }
0x59: {  	s7 =	simm.s32 $0x9680;
	[sflag:s31] =	ssyncadd.s32 $0xFFFFE800  }
0x5a: {  	v0 =	vld [tilespmem:s7+$0xFFFFFF80]  }
0x5b: {  	v1 =	vld [tilespmem:s7+$0xFFFFFF90]  }
0x5c: {  	v2 =	vld [tilespmem:s7+$0xFFFFFFA0]  }
0x5d: {  	v3 =	vld [tilespmem:s7+$0xFFFFFFB0]  }
0x5e: {  	v4 =	vld [tilespmem:s7+$0xFFFFFFC0]  }
0x5f: {  	v5 =	vld [tilespmem:s7+$0xFFFFFFD0];
	v0 =	vmul.f32 $8.000000000e+00, v0  }
0x60: {  	v6 =	vld [tilespmem:s7+$0xFFFFFFE0];
	v1 =	vmul.f32 $8.000000000e+00, v1  }
0x61: {  	[tilespmem:s7+$0xFFFFFF80] =	vst v0;
	v0 =	vmul.f32 $8.000000000e+00, v2;
	v2 =	vld [tilespmem:s7+$0x0]  }
0x62: {  	[tilespmem:s7+$0xFFFFFF90] =	vst v1;
	v1 =	vmul.f32 $8.000000000e+00, v3;
	v3 =	vld [tilespmem:s7+$0x10]  }
0x63: {  	[tilespmem:s7+$0xFFFFFFA0] =	vst v0;
	v0 =	vmul.f32 $8.000000000e+00, v4;
	v4 =	vld [tilespmem:s7+$0x20]  }
0x64: {  	v7 =	vld [tilespmem:s7+$0x30];
	v5 =	vmul.f32 $8.000000000e+00, v5;
	[tilespmem:s7+$0xFFFFFFB0] =	vst v1  }
0x65: {  	v1 =	vld [tilespmem:s7+$0x40];
	[tilespmem:s7+$0xFFFFFFC0] =	vst v0;
	v0 =	vmul.f32 $8.000000000e+00, v6  }
0x66: {  	[tilespmem:s7+$0xFFFFFFD0] =	vst v5;
	v5 =	vmul.f32 $8.000000000e+00, v2;
	v2 =	vld [tilespmem:s7+$0x50]  }
0x67: {  	v6 =	vmul.f32 $8.000000000e+00, v3;
	v3 =	vld [tilespmem:s7+$0x60];
	[tilespmem:s7+$0xFFFFFFE0] =	vst v0  }
0x68: {  	[tilespmem:s7+$0x0] =	vst v5;
	v5 =	vmul.f32 $8.000000000e+00, v4;
	v4 =	vld [tilespmem:s7+$0x70]  }
0x69: {  	s8 =	simm.s32 $0x0;
	s9 =	simm.s32 $0x9780;
	v0 =	vld [tilespmem:s7+$0xFFFFFFF0];
	[tilespmem:s7+$0x10] =	vst v6;
	v6 =	vmul.f32 $8.000000000e+00, v7  }
.LBB2_5:
0x6a: {  	v7 =	vld [tilespmem:s9+$0xFFFFFF80];
	[tilespmem:s7+$0x20] =	vst v5;
	v1 =	vmul.f32 $8.000000000e+00, v1  }
0x6b: {  	v5 =	vld [tilespmem:s9+$0xFFFFFF90];
	[tilespmem:s7+$0x30] =	vst v6;
	v2 =	vmul.f32 $8.000000000e+00, v2  }
0x6c: {  	v6 =	vld [tilespmem:s9+$0xFFFFFFA0];
	[tilespmem:s7+$0x40] =	vst v1;
	v1 =	vmul.f32 $8.000000000e+00, v3  }
0x6d: {  	v3 =	vld [tilespmem:s9+$0xFFFFFFB0];
	[tilespmem:s7+$0x50] =	vst v2;
	v2 =	vmul.f32 $8.000000000e+00, v4  }
0x6e: {  	v4 =	vld [tilespmem:s9+$0xFFFFFFC0];
	v0 =	vmul.f32 $8.000000000e+00, v0;
	[tilespmem:s7+$0x60] =	vst v1  }
0x6f: {  	v1 =	vmul.f32 $8.000000000e+00, v7;
	v7 =	vld [tilespmem:s9+$0xFFFFFFD0];
	[tilespmem:s7+$0x70] =	vst v2  }
0x70: {  	v2 =	vmul.f32 $8.000000000e+00, v5;
	v5 =	vld [tilespmem:s9+$0xFFFFFFE0];
	[tilespmem:s7+$0xFFFFFFF0] =	vst v0;
	s7 =	smov.u32 s9  }
0x71: {  	[tilespmem:s9+$0xFFFFFF80] =	vst v1;
	v0 =	vmul.f32 $8.000000000e+00, v6;
	v6 =	vld [tilespmem:s9+$0x0]  }
0x72: {  	[tilespmem:s9+$0xFFFFFF90] =	vst v2;
	v1 =	vmul.f32 $8.000000000e+00, v3;
	v3 =	vld [tilespmem:s9+$0x10]  }
0x73: {  	s8 =	sadd.s32 $0x4, s8;
	[tilespmem:s9+$0xFFFFFFA0] =	vst v0;
	v0 =	vmul.f32 $8.000000000e+00, v4;
	v4 =	vld [tilespmem:s9+$0x20]  }
0x74: {  	p0 =	slt.u32 s8, $0xC4;
	[tilespmem:s9+$0xFFFFFFB0] =	vst v1;
	v2 =	vmul.f32 $8.000000000e+00, v7;
	v7 =	vld [tilespmem:s9+$0x30]  }
.Ltmp1:
0x75: {  	[tilespmem:s9+$0xFFFFFFC0] =	vst v0;
	v0 =	vmul.f32 $8.000000000e+00, v5;
	v1 =	vld [tilespmem:s9+$0x40];
	(pc) =	sbr.rel @p0 .LBB2_5-.Ltmp1, $4  }
0x76: {  	[tilespmem:s9+$0xFFFFFFD0] =	vst v2;
	v5 =	vmul.f32 $8.000000000e+00, v6;
	v2 =	vld [tilespmem:s9+$0x50]  }
0x77: {  	[tilespmem:s9+$0xFFFFFFE0] =	vst v0;
	v6 =	vmul.f32 $8.000000000e+00, v3;
	v3 =	vld [tilespmem:s9+$0x60]  }
0x78: {  	[tilespmem:s9+$0x0] =	vst v5;
	v5 =	vmul.f32 $8.000000000e+00, v4;
	v4 =	vld [tilespmem:s9+$0x70]  }
0x79: {  	s9 =	sadd.s32 $0x100, s9;
	v0 =	vld [tilespmem:s7+$0xFFFFFFF0];
	[tilespmem:s7+$0x10] =	vst v6;
	v6 =	vmul.f32 $8.000000000e+00, v7  }
0x7a: {  	[tilespmem:s7+$0x20] =	vst v5;
	v1 =	vmul.f32 $8.000000000e+00, v1  }
0x7b: {  	[tilespmem:s7+$0x30] =	vst v6;
	v2 =	vmul.f32 $8.000000000e+00, v2  }
0x7c: {  	s6 =	sadd.s32 s6, s5;
	[tilespmem:s7+$0x40] =	vst v1;
	v1 =	vmul.f32 $8.000000000e+00, v3  }
0x7d: {  	s6 =	smul.u32 $0x640, s6;
	[tilespmem:s7+$0x50] =	vst v2;
	v2 =	vmul.f32 $8.000000000e+00, v4  }
0x7e: {  	v0 =	vmul.f32 $8.000000000e+00, v0;
	[tilespmem:s7+$0x60] =	vst v1  }
0x7f: {  	s6 =	sadd.s32 s2, s6;
	[tilespmem:s7+$0x70] =	vst v2  }
0x80: {  	s9 =	sadd.s32 $0x640, s6;
	[tilespmem:s7+$0xFFFFFFF0] =	vst v0  }
0x81: {  	[hbm4b:s9+s3] =	stream.linear.scatter [tilespmem:s18], [sflag:$0x6], $0x3200, $0x38;
	[tilespmem:$0x12C00] =	vst v63  }
0x82: {  	_ =	swait.ge [sflag:s1], $0x1A00  }
0x83: {  	[sflag:s1] =	ssyncset.done $0x0  }
0x84: {  	[sflag:s1] =	ssyncadd.s32 $0xFFFFE600  }
0x85: {  	_ =	swait.ge [sflag:s1], $0x1800  }
0x86: {  	[sflag:s1] =	ssyncset.done $0x0  }
0x87: {  	s7 =	simm.s32 $0xC880;
	[sflag:s1] =	ssyncadd.s32 $0xFFFFE800  }
0x88: {  	v0 =	vld [tilespmem:s7+$0xFFFFFF80]  }
0x89: {  	v1 =	vld [tilespmem:s7+$0xFFFFFF90]  }
0x8a: {  	v2 =	vld [tilespmem:s7+$0xFFFFFFA0]  }
0x8b: {  	v3 =	vld [tilespmem:s7+$0xFFFFFFB0]  }
0x8c: {  	v4 =	vld [tilespmem:s7+$0xFFFFFFC0]  }
0x8d: {  	v5 =	vld [tilespmem:s7+$0xFFFFFFD0];
	v0 =	vmul.f32 $8.000000000e+00, v0  }
0x8e: {  	v6 =	vld [tilespmem:s7+$0xFFFFFFE0];
	v1 =	vmul.f32 $8.000000000e+00, v1  }
0x8f: {  	[tilespmem:s7+$0xFFFFFF80] =	vst v0;
	v0 =	vmul.f32 $8.000000000e+00, v2;
	v2 =	vld [tilespmem:s7+$0x0]  }
0x90: {  	[tilespmem:s7+$0xFFFFFF90] =	vst v1;
	v1 =	vmul.f32 $8.000000000e+00, v3;
	v3 =	vld [tilespmem:s7+$0x10]  }
0x91: {  	[tilespmem:s7+$0xFFFFFFA0] =	vst v0;
	v0 =	vmul.f32 $8.000000000e+00, v4;
	v4 =	vld [tilespmem:s7+$0x20]  }
0x92: {  	v7 =	vld [tilespmem:s7+$0x30];
	[tilespmem:s7+$0xFFFFFFB0] =	vst v1;
	v1 =	vmul.f32 $8.000000000e+00, v5  }
0x93: {  	v5 =	vmul.f32 $8.000000000e+00, v6;
	[tilespmem:s7+$0xFFFFFFC0] =	vst v0;
	v0 =	vld [tilespmem:s7+$0x40]  }
0x94: {  	[tilespmem:s7+$0xFFFFFFD0] =	vst v1;
	v1 =	vld [tilespmem:s7+$0x50];
	v2 =	vmul.f32 $8.000000000e+00, v2  }
0x95: {  	[tilespmem:s7+$0xFFFFFFE0] =	vst v5;
	v6 =	vmul.f32 $8.000000000e+00, v3;
	v3 =	vld [tilespmem:s7+$0x60]  }
0x96: {  	[tilespmem:s7+$0x0] =	vst v2;
	v5 =	vmul.f32 $8.000000000e+00, v4;
	v4 =	vld [tilespmem:s7+$0x70]  }
0x97: {  	s8 =	simm.s32 $0x0;
	s9 =	simm.s32 $0xC980;
	v2 =	vld [tilespmem:s7+$0xFFFFFFF0];
	[tilespmem:s7+$0x10] =	vst v6;
	v6 =	vmul.f32 $8.000000000e+00, v7  }
.LBB2_7:
0x98: {  	v7 =	vld [tilespmem:s9+$0xFFFFFF80];
	[tilespmem:s7+$0x20] =	vst v5;
	v0 =	vmul.f32 $8.000000000e+00, v0  }
0x99: {  	v5 =	vld [tilespmem:s9+$0xFFFFFF90];
	[tilespmem:s7+$0x30] =	vst v6;
	v1 =	vmul.f32 $8.000000000e+00, v1  }
0x9a: {  	v6 =	vld [tilespmem:s9+$0xFFFFFFA0];
	[tilespmem:s7+$0x40] =	vst v0;
	v0 =	vmul.f32 $8.000000000e+00, v3  }
0x9b: {  	v3 =	vld [tilespmem:s9+$0xFFFFFFB0];
	[tilespmem:s7+$0x50] =	vst v1;
	v1 =	vmul.f32 $8.000000000e+00, v4  }
0x9c: {  	v4 =	vld [tilespmem:s9+$0xFFFFFFC0];
	v2 =	vmul.f32 $8.000000000e+00, v2;
	[tilespmem:s7+$0x60] =	vst v0  }
0x9d: {  	v0 =	vmul.f32 $8.000000000e+00, v7;
	v7 =	vld [tilespmem:s9+$0xFFFFFFD0];
	[tilespmem:s7+$0x70] =	vst v1  }
0x9e: {  	v1 =	vmul.f32 $8.000000000e+00, v5;
	v5 =	vld [tilespmem:s9+$0xFFFFFFE0];
	[tilespmem:s7+$0xFFFFFFF0] =	vst v2;
	s7 =	smov.u32 s9  }
0x9f: {  	[tilespmem:s9+$0xFFFFFF80] =	vst v0;
	v0 =	vmul.f32 $8.000000000e+00, v6;
	v2 =	vld [tilespmem:s9+$0x0]  }
0xa0: {  	[tilespmem:s9+$0xFFFFFF90] =	vst v1;
	v1 =	vmul.f32 $8.000000000e+00, v3;
	v3 =	vld [tilespmem:s9+$0x10]  }
0xa1: {  	s8 =	sadd.s32 $0x4, s8;
	[tilespmem:s9+$0xFFFFFFA0] =	vst v0;
	v0 =	vmul.f32 $8.000000000e+00, v4;
	v4 =	vld [tilespmem:s9+$0x20]  }
0xa2: {  	p0 =	slt.u32 s8, $0xC4;
	[tilespmem:s9+$0xFFFFFFB0] =	vst v1;
	v1 =	vmul.f32 $8.000000000e+00, v7;
	v6 =	vld [tilespmem:s9+$0x30]  }
.Ltmp2:
0xa3: {  	[tilespmem:s9+$0xFFFFFFC0] =	vst v0;
	v5 =	vmul.f32 $8.000000000e+00, v5;
	v0 =	vld [tilespmem:s9+$0x40];
	(pc) =	sbr.rel @p0 .LBB2_7-.Ltmp2, $4  }
0xa4: {  	[tilespmem:s9+$0xFFFFFFD0] =	vst v1;
	v2 =	vmul.f32 $8.000000000e+00, v2;
	v1 =	vld [tilespmem:s9+$0x50]  }
0xa5: {  	[tilespmem:s9+$0xFFFFFFE0] =	vst v5;
	v7 =	vmul.f32 $8.000000000e+00, v3;
	v3 =	vld [tilespmem:s9+$0x60]  }
0xa6: {  	[tilespmem:s9+$0x0] =	vst v2;
	v5 =	vmul.f32 $8.000000000e+00, v4;
	v4 =	vld [tilespmem:s9+$0x70]  }
0xa7: {  	s9 =	sadd.s32 $0x100, s9;
	v2 =	vld [tilespmem:s7+$0xFFFFFFF0];
	[tilespmem:s7+$0x10] =	vst v7;
	v6 =	vmul.f32 $8.000000000e+00, v6  }
0xa8: {  	[tilespmem:s7+$0x20] =	vst v5;
	v0 =	vmul.f32 $8.000000000e+00, v0  }
0xa9: {  	[tilespmem:s7+$0x30] =	vst v6;
	v1 =	vmul.f32 $8.000000000e+00, v1  }
0xaa: {  	[tilespmem:s7+$0x40] =	vst v0;
	v0 =	vmul.f32 $8.000000000e+00, v3  }
0xab: {  	[tilespmem:s7+$0x50] =	vst v1;
	v1 =	vmul.f32 $8.000000000e+00, v4  }
0xac: {  	v2 =	vmul.f32 $8.000000000e+00, v2;
	[tilespmem:s7+$0x60] =	vst v0  }
0xad: {  	[tilespmem:s7+$0x70] =	vst v1  }
0xae: {  	s9 =	sadd.s32 $0xC80, s6;
	[tilespmem:s7+$0xFFFFFFF0] =	vst v2  }
0xaf: {  	[hbm4b:s9+s3] =	stream.linear.scatter [tilespmem:s22], [sflag:$0x7], $0x3200, $0x38;
	[tilespmem:$0x12C00] =	vst v63  }
0xb0: {  	_ =	swait.ge [sflag:s0], $0x1A00  }
0xb1: {  	[sflag:s0] =	ssyncset.done $0x0  }
0xb2: {  	[sflag:s0] =	ssyncadd.s32 $0xFFFFE600  }
0xb3: {  	_ =	swait.ge [sflag:s0], $0x1800  }
0xb4: {  	[sflag:s0] =	ssyncset.done $0x0  }
0xb5: {  	s7 =	simm.s32 $0xFA80;
	[sflag:s0] =	ssyncadd.s32 $0xFFFFE800  }
0xb6: {  	v0 =	vld [tilespmem:s7+$0xFFFFFF80]  }
0xb7: {  	v1 =	vld [tilespmem:s7+$0xFFFFFF90]  }
0xb8: {  	v2 =	vld [tilespmem:s7+$0xFFFFFFA0]  }
0xb9: {  	v3 =	vld [tilespmem:s7+$0xFFFFFFB0]  }
0xba: {  	v4 =	vld [tilespmem:s7+$0xFFFFFFC0]  }
0xbb: {  	v5 =	vld [tilespmem:s7+$0xFFFFFFD0];
	v0 =	vmul.f32 $8.000000000e+00, v0  }
0xbc: {  	v6 =	vld [tilespmem:s7+$0xFFFFFFE0];
	v1 =	vmul.f32 $8.000000000e+00, v1  }
0xbd: {  	[tilespmem:s7+$0xFFFFFF80] =	vst v0;
	v0 =	vmul.f32 $8.000000000e+00, v2;
	v2 =	vld [tilespmem:s7+$0x0]  }
0xbe: {  	[tilespmem:s7+$0xFFFFFF90] =	vst v1;
	v1 =	vmul.f32 $8.000000000e+00, v3;
	v3 =	vld [tilespmem:s7+$0x10]  }
0xbf: {  	[tilespmem:s7+$0xFFFFFFA0] =	vst v0;
	v0 =	vmul.f32 $8.000000000e+00, v4;
	v4 =	vld [tilespmem:s7+$0x20]  }
0xc0: {  	v7 =	vld [tilespmem:s7+$0x30];
	[tilespmem:s7+$0xFFFFFFB0] =	vst v1;
	v1 =	vmul.f32 $8.000000000e+00, v5  }
0xc1: {  	v5 =	vmul.f32 $8.000000000e+00, v6;
	[tilespmem:s7+$0xFFFFFFC0] =	vst v0;
	v0 =	vld [tilespmem:s7+$0x40]  }
0xc2: {  	[tilespmem:s7+$0xFFFFFFD0] =	vst v1;
	v1 =	vld [tilespmem:s7+$0x50];
	v2 =	vmul.f32 $8.000000000e+00, v2  }
0xc3: {  	[tilespmem:s7+$0xFFFFFFE0] =	vst v5;
	v6 =	vmul.f32 $8.000000000e+00, v3;
	v3 =	vld [tilespmem:s7+$0x60]  }
0xc4: {  	[tilespmem:s7+$0x0] =	vst v2;
	v5 =	vmul.f32 $8.000000000e+00, v4;
	v4 =	vld [tilespmem:s7+$0x70]  }
0xc5: {  	s8 =	simm.s32 $0x0;
	s9 =	simm.s32 $0xFB80;
	v2 =	vld [tilespmem:s7+$0xFFFFFFF0];
	[tilespmem:s7+$0x10] =	vst v6;
	v6 =	vmul.f32 $8.000000000e+00, v7  }
.LBB2_9:
0xc6: {  	v7 =	vld [tilespmem:s9+$0xFFFFFF80];
	[tilespmem:s7+$0x20] =	vst v5;
	v0 =	vmul.f32 $8.000000000e+00, v0  }
0xc7: {  	v5 =	vld [tilespmem:s9+$0xFFFFFF90];
	[tilespmem:s7+$0x30] =	vst v6;
	v1 =	vmul.f32 $8.000000000e+00, v1  }
0xc8: {  	v6 =	vld [tilespmem:s9+$0xFFFFFFA0];
	[tilespmem:s7+$0x40] =	vst v0;
	v0 =	vmul.f32 $8.000000000e+00, v3  }
0xc9: {  	v3 =	vld [tilespmem:s9+$0xFFFFFFB0];
	[tilespmem:s7+$0x50] =	vst v1;
	v1 =	vmul.f32 $8.000000000e+00, v4  }
0xca: {  	v4 =	vld [tilespmem:s9+$0xFFFFFFC0];
	v2 =	vmul.f32 $8.000000000e+00, v2;
	[tilespmem:s7+$0x60] =	vst v0  }
0xcb: {  	v0 =	vmul.f32 $8.000000000e+00, v7;
	v7 =	vld [tilespmem:s9+$0xFFFFFFD0];
	[tilespmem:s7+$0x70] =	vst v1  }
0xcc: {  	v1 =	vmul.f32 $8.000000000e+00, v5;
	v5 =	vld [tilespmem:s9+$0xFFFFFFE0];
	[tilespmem:s7+$0xFFFFFFF0] =	vst v2;
	s7 =	smov.u32 s9  }
0xcd: {  	[tilespmem:s9+$0xFFFFFF80] =	vst v0;
	v0 =	vmul.f32 $8.000000000e+00, v6;
	v2 =	vld [tilespmem:s9+$0x0]  }
0xce: {  	[tilespmem:s9+$0xFFFFFF90] =	vst v1;
	v1 =	vmul.f32 $8.000000000e+00, v3;
	v3 =	vld [tilespmem:s9+$0x10]  }
0xcf: {  	s8 =	sadd.s32 $0x4, s8;
	[tilespmem:s9+$0xFFFFFFA0] =	vst v0;
	v0 =	vmul.f32 $8.000000000e+00, v4;
	v4 =	vld [tilespmem:s9+$0x20]  }
0xd0: {  	p0 =	slt.u32 s8, $0xC4;
	[tilespmem:s9+$0xFFFFFFB0] =	vst v1;
	v1 =	vmul.f32 $8.000000000e+00, v7;
	v6 =	vld [tilespmem:s9+$0x30]  }
.Ltmp3:
0xd1: {  	[tilespmem:s9+$0xFFFFFFC0] =	vst v0;
	v5 =	vmul.f32 $8.000000000e+00, v5;
	v0 =	vld [tilespmem:s9+$0x40];
	(pc) =	sbr.rel @p0 .LBB2_9-.Ltmp3, $4  }
0xd2: {  	[tilespmem:s9+$0xFFFFFFD0] =	vst v1;
	v2 =	vmul.f32 $8.000000000e+00, v2;
	v1 =	vld [tilespmem:s9+$0x50]  }
0xd3: {  	[tilespmem:s9+$0xFFFFFFE0] =	vst v5;
	v7 =	vmul.f32 $8.000000000e+00, v3;
	v3 =	vld [tilespmem:s9+$0x60]  }
0xd4: {  	[tilespmem:s9+$0x0] =	vst v2;
	v5 =	vmul.f32 $8.000000000e+00, v4;
	v4 =	vld [tilespmem:s9+$0x70]  }
0xd5: {  	s9 =	sadd.s32 $0x100, s9;
	v2 =	vld [tilespmem:s7+$0xFFFFFFF0];
	[tilespmem:s7+$0x10] =	vst v7;
	v6 =	vmul.f32 $8.000000000e+00, v6  }
0xd6: {  	[tilespmem:s7+$0x20] =	vst v5;
	v0 =	vmul.f32 $8.000000000e+00, v0  }
0xd7: {  	[tilespmem:s7+$0x30] =	vst v6;
	v1 =	vmul.f32 $8.000000000e+00, v1  }
0xd8: {  	[tilespmem:s7+$0x40] =	vst v0;
	v62 =	vmul.f32 $8.000000000e+00, v3  }
0xd9: {  	[tilespmem:s7+$0x50] =	vst v1;
	v63 =	vmul.f32 $8.000000000e+00, v4  }
0xda: {  	v2 =	vmul.f32 $8.000000000e+00, v2;
	[tilespmem:s7+$0x60] =	vst v62  }
0xdb: {  	[tilespmem:s7+$0x70] =	vst v63  }
0xdc: {  	s6 =	sadd.s32 $0x12C0, s6;
	s8 =	smul.u32 $0xC80, s28;
	[tilespmem:s7+$0xFFFFFFF0] =	vst v2  }
0xdd: {  	[hbm4b:s6+s3] =	stream.linear.scatter [tilespmem:s26], [sflag:$0x8], $0x3200, $0x38;
	[tilespmem:$0x12C00] =	vst v63  }
0xde: {  	_ =	swait.ge [sflag:s17], $0x3200  }
0xdf: {  	s6 =	sshra.s32 s8, $0x2;
	[sflag:s17] =	ssyncset.done $0x0  }
0xe0: {  	s9 =	sadd.s32 $0x320, s6;
	[sflag:s17] =	ssyncadd.s32 $0xFFFFCE00  }
0xe1: {  	[tilespmem:s14], [sflag:$0x1] =	stream.indirect.gather [hbm4b:s4+s13], $0x40, s9, s13, $0xb8;
	[tilespmem:$0x12C00] =	vst v63  }
0xe2: {  	s8 =	sadd.s32 $0x388, s6  }
0xe3: {  	[tilespmem:s16], [sflag:$0x1] =	stream.indirect.gather [hbm4b:s4+s15], $0x40, s8, s15, $0xb8;
	[tilespmem:$0x12C00] =	vst v63  }
0xe4: {  	_ =	swait.ge [sflag:s19], $0x3200  }
0xe5: {  	[sflag:s19] =	ssyncset.done $0x0  }
0xe6: {  	s9 =	sadd.s32 $0x3E8, s6;
	[sflag:s19] =	ssyncadd.s32 $0xFFFFCE00  }
0xe7: {  	[tilespmem:s18], [sflag:$0x2] =	stream.indirect.gather [hbm4b:s4+s13], $0x40, s9, s13, $0xb8;
	[tilespmem:$0x12C00] =	vst v63  }
0xe8: {  	s8 =	sadd.s32 $0x450, s6  }
0xe9: {  	[tilespmem:s20], [sflag:$0x2] =	stream.indirect.gather [hbm4b:s4+s15], $0x40, s8, s15, $0xb8;
	[tilespmem:$0x12C00] =	vst v63  }
0xea: {  	_ =	swait.ge [sflag:s21], $0x3200  }
0xeb: {  	[sflag:s21] =	ssyncset.done $0x0  }
0xec: {  	s9 =	sadd.s32 $0x4B0, s6;
	[sflag:s21] =	ssyncadd.s32 $0xFFFFCE00  }
0xed: {  	[tilespmem:s22], [sflag:$0x3] =	stream.indirect.gather [hbm4b:s4+s13], $0x40, s9, s13, $0xb8;
	[tilespmem:$0x12C00] =	vst v63  }
0xee: {  	s28 =	sadd.s32 $0x1, s28;
	s8 =	sadd.s32 $0x518, s6  }
0xef: {  	[tilespmem:s24], [sflag:$0x3] =	stream.indirect.gather [hbm4b:s4+s15], $0x40, s8, s15, $0xb8;
	[tilespmem:$0x12C00] =	vst v63  }
0xf0: {  	p0 =	sne.s32 s28, $0x1F;
	_ =	swait.ge [sflag:s23], $0x3200  }
.Ltmp4:
0xf1: {  	[sflag:s23] =	ssyncset.done $0x0;
	(pc) =	sbr.rel @p0 .LBB2_2-.Ltmp4, $4  }
0xf2: {  	s9 =	sadd.s32 $0x578, s6;
	[sflag:s23] =	ssyncadd.s32 $0xFFFFCE00  }
0xf3: {  	[tilespmem:s26], [sflag:$0x4] =	stream.indirect.gather [hbm4b:s4+s13], $0x40, s9, s13, $0xb8;
	[tilespmem:$0x12C00] =	vst v63  }
0xf4: {  	s6 =	sadd.s32 $0x5E0, s6  }
0xf5: {  	[tilespmem:s29], [sflag:$0x4] =	stream.indirect.gather [hbm4b:s4+s15], $0x40, s6, s15, $0xb8;
	[tilespmem:$0x12C00] =	vst v63  }
0xf6: {  	_ =	swait.ge [sflag:s30], $0x1A00  }
0xf7: {  	[sflag:s30] =	ssyncset.done $0x0  }
0xf8: {  	[sflag:s30] =	ssyncadd.s32 $0xFFFFE600  }
0xf9: {  	_ =	swait.ge [sflag:s30], $0x1800  }
0xfa: {  	[sflag:s30] =	ssyncset.done $0x0  }
0xfb: {  	s6 =	simm.s32 $0x6480;
	[sflag:s30] =	ssyncadd.s32 $0xFFFFE800  }
0xfc: {  	v0 =	vld [tilespmem:s6+$0xFFFFFF80]  }
0xfd: {  	v1 =	vld [tilespmem:s6+$0xFFFFFF90]  }
0xfe: {  	v2 =	vld [tilespmem:s6+$0xFFFFFFA0]  }
0xff: {  	v3 =	vld [tilespmem:s6+$0xFFFFFFB0]  }
0x100: {  	v4 =	vld [tilespmem:s6+$0xFFFFFFC0]  }
0x101: {  	v5 =	vld [tilespmem:s6+$0xFFFFFFD0];
	v0 =	vmul.f32 $8.000000000e+00, v0  }
0x102: {  	v6 =	vld [tilespmem:s6+$0xFFFFFFE0];
	v1 =	vmul.f32 $8.000000000e+00, v1  }
0x103: {  	[tilespmem:s6+$0xFFFFFF80] =	vst v0;
	v0 =	vmul.f32 $8.000000000e+00, v2;
	v2 =	vld [tilespmem:s6+$0x0]  }
0x104: {  	[tilespmem:s6+$0xFFFFFF90] =	vst v1;
	v1 =	vmul.f32 $8.000000000e+00, v3;
	v3 =	vld [tilespmem:s6+$0x10]  }
0x105: {  	[tilespmem:s6+$0xFFFFFFA0] =	vst v0;
	v0 =	vmul.f32 $8.000000000e+00, v4;
	v4 =	vld [tilespmem:s6+$0x20]  }
0x106: {  	v7 =	vld [tilespmem:s6+$0x30];
	[tilespmem:s6+$0xFFFFFFB0] =	vst v1;
	v1 =	vmul.f32 $8.000000000e+00, v5  }
0x107: {  	v5 =	vmul.f32 $8.000000000e+00, v6;
	[tilespmem:s6+$0xFFFFFFC0] =	vst v0;
	v0 =	vld [tilespmem:s6+$0x40]  }
0x108: {  	[tilespmem:s6+$0xFFFFFFD0] =	vst v1;
	v1 =	vld [tilespmem:s6+$0x50];
	v2 =	vmul.f32 $8.000000000e+00, v2  }
0x109: {  	[tilespmem:s6+$0xFFFFFFE0] =	vst v5;
	v6 =	vmul.f32 $8.000000000e+00, v3;
	v3 =	vld [tilespmem:s6+$0x60]  }
0x10a: {  	[tilespmem:s6+$0x0] =	vst v2;
	v5 =	vmul.f32 $8.000000000e+00, v4;
	v4 =	vld [tilespmem:s6+$0x70]  }
0x10b: {  	s7 =	simm.s32 $0x0;
	s8 =	simm.s32 $0x6580;
	v2 =	vld [tilespmem:s6+$0xFFFFFFF0];
	[tilespmem:s6+$0x10] =	vst v6;
	v6 =	vmul.f32 $8.000000000e+00, v7  }
.LBB2_12:
0x10c: {  	v7 =	vld [tilespmem:s8+$0xFFFFFF80];
	[tilespmem:s6+$0x20] =	vst v5;
	v0 =	vmul.f32 $8.000000000e+00, v0  }
0x10d: {  	v5 =	vld [tilespmem:s8+$0xFFFFFF90];
	[tilespmem:s6+$0x30] =	vst v6;
	v1 =	vmul.f32 $8.000000000e+00, v1  }
0x10e: {  	v6 =	vld [tilespmem:s8+$0xFFFFFFA0];
	[tilespmem:s6+$0x40] =	vst v0;
	v0 =	vmul.f32 $8.000000000e+00, v3  }
0x10f: {  	v3 =	vld [tilespmem:s8+$0xFFFFFFB0];
	[tilespmem:s6+$0x50] =	vst v1;
	v1 =	vmul.f32 $8.000000000e+00, v4  }
0x110: {  	v4 =	vld [tilespmem:s8+$0xFFFFFFC0];
	v2 =	vmul.f32 $8.000000000e+00, v2;
	[tilespmem:s6+$0x60] =	vst v0  }
0x111: {  	v0 =	vmul.f32 $8.000000000e+00, v7;
	v7 =	vld [tilespmem:s8+$0xFFFFFFD0];
	[tilespmem:s6+$0x70] =	vst v1  }
0x112: {  	v1 =	vmul.f32 $8.000000000e+00, v5;
	v5 =	vld [tilespmem:s8+$0xFFFFFFE0];
	[tilespmem:s6+$0xFFFFFFF0] =	vst v2;
	s6 =	smov.u32 s8  }
0x113: {  	[tilespmem:s8+$0xFFFFFF80] =	vst v0;
	v0 =	vmul.f32 $8.000000000e+00, v6;
	v2 =	vld [tilespmem:s8+$0x0]  }
0x114: {  	[tilespmem:s8+$0xFFFFFF90] =	vst v1;
	v1 =	vmul.f32 $8.000000000e+00, v3;
	v3 =	vld [tilespmem:s8+$0x10]  }
0x115: {  	s7 =	sadd.s32 $0x4, s7;
	[tilespmem:s8+$0xFFFFFFA0] =	vst v0;
	v0 =	vmul.f32 $8.000000000e+00, v4;
	v4 =	vld [tilespmem:s8+$0x20]  }
0x116: {  	p0 =	slt.u32 s7, $0xC4;
	[tilespmem:s8+$0xFFFFFFB0] =	vst v1;
	v1 =	vmul.f32 $8.000000000e+00, v7;
	v6 =	vld [tilespmem:s8+$0x30]  }
.Ltmp5:
0x117: {  	[tilespmem:s8+$0xFFFFFFC0] =	vst v0;
	v5 =	vmul.f32 $8.000000000e+00, v5;
	v0 =	vld [tilespmem:s8+$0x40];
	(pc) =	sbr.rel @p0 .LBB2_12-.Ltmp5, $4  }
0x118: {  	[tilespmem:s8+$0xFFFFFFD0] =	vst v1;
	v2 =	vmul.f32 $8.000000000e+00, v2;
	v1 =	vld [tilespmem:s8+$0x50]  }
0x119: {  	[tilespmem:s8+$0xFFFFFFE0] =	vst v5;
	v7 =	vmul.f32 $8.000000000e+00, v3;
	v3 =	vld [tilespmem:s8+$0x60]  }
0x11a: {  	[tilespmem:s8+$0x0] =	vst v2;
	v5 =	vmul.f32 $8.000000000e+00, v4;
	v4 =	vld [tilespmem:s8+$0x70]  }
0x11b: {  	s8 =	sadd.s32 $0x100, s8;
	v2 =	vld [tilespmem:s6+$0xFFFFFFF0];
	[tilespmem:s6+$0x10] =	vst v7;
	v6 =	vmul.f32 $8.000000000e+00, v6  }
0x11c: {  	[tilespmem:s6+$0x20] =	vst v5;
	v0 =	vmul.f32 $8.000000000e+00, v0  }
0x11d: {  	[tilespmem:s6+$0x30] =	vst v6;
	v1 =	vmul.f32 $8.000000000e+00, v1  }
0x11e: {  	[tilespmem:s6+$0x40] =	vst v0;
	v0 =	vmul.f32 $8.000000000e+00, v3  }
0x11f: {  	[tilespmem:s6+$0x50] =	vst v1;
	v1 =	vmul.f32 $8.000000000e+00, v4  }
0x120: {  	v2 =	vmul.f32 $8.000000000e+00, v2;
	[tilespmem:s6+$0x60] =	vst v0  }
0x121: {  	[tilespmem:s6+$0x70] =	vst v1  }
0x122: {  	s28 =	rddreg [dreg:$0x4];
	[tilespmem:s6+$0xFFFFFFF0] =	vst v2  }
0x123: {  	[hbm4b:s28+s3] =	stream.linear.scatter [tilespmem:s14], [sflag:$0x5], $0x3200, $0x38;
	[tilespmem:$0x12C00] =	vst v63  }
0x124: {  	_ =	swait.ge [sflag:s31], $0x1A00  }
0x125: {  	[sflag:s31] =	ssyncset.done $0x0  }
0x126: {  	[sflag:s31] =	ssyncadd.s32 $0xFFFFE600  }
0x127: {  	_ =	swait.ge [sflag:s31], $0x1800  }
0x128: {  	[sflag:s31] =	ssyncset.done $0x0  }
0x129: {  	s6 =	simm.s32 $0x9680;
	[sflag:s31] =	ssyncadd.s32 $0xFFFFE800  }
0x12a: {  	v0 =	vld [tilespmem:s6+$0xFFFFFF80]  }
0x12b: {  	v1 =	vld [tilespmem:s6+$0xFFFFFF90]  }
0x12c: {  	v2 =	vld [tilespmem:s6+$0xFFFFFFA0]  }
0x12d: {  	v3 =	vld [tilespmem:s6+$0xFFFFFFB0]  }
0x12e: {  	v4 =	vld [tilespmem:s6+$0xFFFFFFC0]  }
0x12f: {  	v5 =	vld [tilespmem:s6+$0xFFFFFFD0];
	v0 =	vmul.f32 $8.000000000e+00, v0  }
0x130: {  	v6 =	vld [tilespmem:s6+$0xFFFFFFE0];
	v1 =	vmul.f32 $8.000000000e+00, v1  }
0x131: {  	[tilespmem:s6+$0xFFFFFF80] =	vst v0;
	v0 =	vmul.f32 $8.000000000e+00, v2;
	v2 =	vld [tilespmem:s6+$0x0]  }
0x132: {  	[tilespmem:s6+$0xFFFFFF90] =	vst v1;
	v1 =	vmul.f32 $8.000000000e+00, v3;
	v3 =	vld [tilespmem:s6+$0x10]  }
0x133: {  	[tilespmem:s6+$0xFFFFFFA0] =	vst v0;
	v0 =	vmul.f32 $8.000000000e+00, v4;
	v4 =	vld [tilespmem:s6+$0x20]  }
0x134: {  	v7 =	vld [tilespmem:s6+$0x30];
	[tilespmem:s6+$0xFFFFFFB0] =	vst v1;
	v1 =	vmul.f32 $8.000000000e+00, v5  }
0x135: {  	v5 =	vmul.f32 $8.000000000e+00, v6;
	[tilespmem:s6+$0xFFFFFFC0] =	vst v0;
	v0 =	vld [tilespmem:s6+$0x40]  }
0x136: {  	[tilespmem:s6+$0xFFFFFFD0] =	vst v1;
	v1 =	vld [tilespmem:s6+$0x50];
	v2 =	vmul.f32 $8.000000000e+00, v2  }
0x137: {  	[tilespmem:s6+$0xFFFFFFE0] =	vst v5;
	v6 =	vmul.f32 $8.000000000e+00, v3;
	v3 =	vld [tilespmem:s6+$0x60]  }
0x138: {  	[tilespmem:s6+$0x0] =	vst v2;
	v5 =	vmul.f32 $8.000000000e+00, v4;
	v4 =	vld [tilespmem:s6+$0x70]  }
0x139: {  	s7 =	simm.s32 $0x0;
	s8 =	simm.s32 $0x9780;
	v2 =	vld [tilespmem:s6+$0xFFFFFFF0];
	[tilespmem:s6+$0x10] =	vst v6;
	v6 =	vmul.f32 $8.000000000e+00, v7  }
.LBB2_14:
0x13a: {  	v7 =	vld [tilespmem:s8+$0xFFFFFF80];
	[tilespmem:s6+$0x20] =	vst v5;
	v0 =	vmul.f32 $8.000000000e+00, v0  }
0x13b: {  	v5 =	vld [tilespmem:s8+$0xFFFFFF90];
	[tilespmem:s6+$0x30] =	vst v6;
	v1 =	vmul.f32 $8.000000000e+00, v1  }
0x13c: {  	v6 =	vld [tilespmem:s8+$0xFFFFFFA0];
	[tilespmem:s6+$0x40] =	vst v0;
	v0 =	vmul.f32 $8.000000000e+00, v3  }
0x13d: {  	v3 =	vld [tilespmem:s8+$0xFFFFFFB0];
	[tilespmem:s6+$0x50] =	vst v1;
	v1 =	vmul.f32 $8.000000000e+00, v4  }
0x13e: {  	v4 =	vld [tilespmem:s8+$0xFFFFFFC0];
	v2 =	vmul.f32 $8.000000000e+00, v2;
	[tilespmem:s6+$0x60] =	vst v0  }
0x13f: {  	v0 =	vmul.f32 $8.000000000e+00, v7;
	v7 =	vld [tilespmem:s8+$0xFFFFFFD0];
	[tilespmem:s6+$0x70] =	vst v1  }
0x140: {  	v1 =	vmul.f32 $8.000000000e+00, v5;
	v5 =	vld [tilespmem:s8+$0xFFFFFFE0];
	[tilespmem:s6+$0xFFFFFFF0] =	vst v2;
	s6 =	smov.u32 s8  }
0x141: {  	[tilespmem:s8+$0xFFFFFF80] =	vst v0;
	v0 =	vmul.f32 $8.000000000e+00, v6;
	v2 =	vld [tilespmem:s8+$0x0]  }
0x142: {  	[tilespmem:s8+$0xFFFFFF90] =	vst v1;
	v1 =	vmul.f32 $8.000000000e+00, v3;
	v3 =	vld [tilespmem:s8+$0x10]  }
0x143: {  	s7 =	sadd.s32 $0x4, s7;
	[tilespmem:s8+$0xFFFFFFA0] =	vst v0;
	v0 =	vmul.f32 $8.000000000e+00, v4;
	v4 =	vld [tilespmem:s8+$0x20]  }
0x144: {  	p0 =	slt.u32 s7, $0xC4;
	[tilespmem:s8+$0xFFFFFFB0] =	vst v1;
	v1 =	vmul.f32 $8.000000000e+00, v7;
	v6 =	vld [tilespmem:s8+$0x30]  }
.Ltmp6:
0x145: {  	[tilespmem:s8+$0xFFFFFFC0] =	vst v0;
	v5 =	vmul.f32 $8.000000000e+00, v5;
	v0 =	vld [tilespmem:s8+$0x40];
	(pc) =	sbr.rel @p0 .LBB2_14-.Ltmp6, $4  }
0x146: {  	[tilespmem:s8+$0xFFFFFFD0] =	vst v1;
	v2 =	vmul.f32 $8.000000000e+00, v2;
	v1 =	vld [tilespmem:s8+$0x50]  }
0x147: {  	[tilespmem:s8+$0xFFFFFFE0] =	vst v5;
	v7 =	vmul.f32 $8.000000000e+00, v3;
	v3 =	vld [tilespmem:s8+$0x60]  }
0x148: {  	[tilespmem:s8+$0x0] =	vst v2;
	v5 =	vmul.f32 $8.000000000e+00, v4;
	v4 =	vld [tilespmem:s8+$0x70]  }
0x149: {  	s8 =	sadd.s32 $0x100, s8;
	v2 =	vld [tilespmem:s6+$0xFFFFFFF0];
	[tilespmem:s6+$0x10] =	vst v7;
	v6 =	vmul.f32 $8.000000000e+00, v6  }
0x14a: {  	[tilespmem:s6+$0x20] =	vst v5;
	v0 =	vmul.f32 $8.000000000e+00, v0  }
0x14b: {  	[tilespmem:s6+$0x30] =	vst v6;
	v1 =	vmul.f32 $8.000000000e+00, v1  }
0x14c: {  	[tilespmem:s6+$0x40] =	vst v0;
	v0 =	vmul.f32 $8.000000000e+00, v3  }
0x14d: {  	[tilespmem:s6+$0x50] =	vst v1;
	v1 =	vmul.f32 $8.000000000e+00, v4  }
0x14e: {  	v2 =	vmul.f32 $8.000000000e+00, v2;
	[tilespmem:s6+$0x60] =	vst v0  }
0x14f: {  	[tilespmem:s6+$0x70] =	vst v1  }
0x150: {  	s28 =	rddreg [dreg:$0x5];
	[tilespmem:s6+$0xFFFFFFF0] =	vst v2  }
0x151: {  	[hbm4b:s28+s3] =	stream.linear.scatter [tilespmem:s18], [sflag:$0x6], $0x3200, $0x38;
	[tilespmem:$0x12C00] =	vst v63  }
0x152: {  	_ =	swait.ge [sflag:s1], $0x1A00  }
0x153: {  	[sflag:s1] =	ssyncset.done $0x0  }
0x154: {  	[sflag:s1] =	ssyncadd.s32 $0xFFFFE600  }
0x155: {  	_ =	swait.ge [sflag:s1], $0x1800  }
0x156: {  	[sflag:s1] =	ssyncset.done $0x0  }
0x157: {  	s6 =	simm.s32 $0xC880;
	[sflag:s1] =	ssyncadd.s32 $0xFFFFE800  }
0x158: {  	v0 =	vld [tilespmem:s6+$0xFFFFFF80]  }
0x159: {  	v1 =	vld [tilespmem:s6+$0xFFFFFF90]  }
0x15a: {  	v2 =	vld [tilespmem:s6+$0xFFFFFFA0]  }
0x15b: {  	v3 =	vld [tilespmem:s6+$0xFFFFFFB0]  }
0x15c: {  	v4 =	vld [tilespmem:s6+$0xFFFFFFC0]  }
0x15d: {  	v5 =	vld [tilespmem:s6+$0xFFFFFFD0];
	v0 =	vmul.f32 $8.000000000e+00, v0  }
0x15e: {  	v6 =	vld [tilespmem:s6+$0xFFFFFFE0];
	v1 =	vmul.f32 $8.000000000e+00, v1  }
0x15f: {  	[tilespmem:s6+$0xFFFFFF80] =	vst v0;
	v0 =	vmul.f32 $8.000000000e+00, v2;
	v2 =	vld [tilespmem:s6+$0x0]  }
0x160: {  	[tilespmem:s6+$0xFFFFFF90] =	vst v1;
	v1 =	vmul.f32 $8.000000000e+00, v3;
	v3 =	vld [tilespmem:s6+$0x10]  }
0x161: {  	[tilespmem:s6+$0xFFFFFFA0] =	vst v0;
	v0 =	vmul.f32 $8.000000000e+00, v4;
	v4 =	vld [tilespmem:s6+$0x20]  }
0x162: {  	v7 =	vld [tilespmem:s6+$0x30];
	[tilespmem:s6+$0xFFFFFFB0] =	vst v1;
	v1 =	vmul.f32 $8.000000000e+00, v5  }
0x163: {  	v5 =	vmul.f32 $8.000000000e+00, v6;
	[tilespmem:s6+$0xFFFFFFC0] =	vst v0;
	v0 =	vld [tilespmem:s6+$0x40]  }
0x164: {  	[tilespmem:s6+$0xFFFFFFD0] =	vst v1;
	v1 =	vld [tilespmem:s6+$0x50];
	v2 =	vmul.f32 $8.000000000e+00, v2  }
0x165: {  	[tilespmem:s6+$0xFFFFFFE0] =	vst v5;
	v6 =	vmul.f32 $8.000000000e+00, v3;
	v3 =	vld [tilespmem:s6+$0x60]  }
0x166: {  	[tilespmem:s6+$0x0] =	vst v2;
	v5 =	vmul.f32 $8.000000000e+00, v4;
	v4 =	vld [tilespmem:s6+$0x70]  }
0x167: {  	s7 =	simm.s32 $0x0;
	s8 =	simm.s32 $0xC980;
	v2 =	vld [tilespmem:s6+$0xFFFFFFF0];
	[tilespmem:s6+$0x10] =	vst v6;
	v6 =	vmul.f32 $8.000000000e+00, v7  }
.LBB2_16:
0x168: {  	v7 =	vld [tilespmem:s8+$0xFFFFFF80];
	[tilespmem:s6+$0x20] =	vst v5;
	v0 =	vmul.f32 $8.000000000e+00, v0  }
0x169: {  	v5 =	vld [tilespmem:s8+$0xFFFFFF90];
	[tilespmem:s6+$0x30] =	vst v6;
	v1 =	vmul.f32 $8.000000000e+00, v1  }
0x16a: {  	v6 =	vld [tilespmem:s8+$0xFFFFFFA0];
	[tilespmem:s6+$0x40] =	vst v0;
	v0 =	vmul.f32 $8.000000000e+00, v3  }
0x16b: {  	v3 =	vld [tilespmem:s8+$0xFFFFFFB0];
	[tilespmem:s6+$0x50] =	vst v1;
	v1 =	vmul.f32 $8.000000000e+00, v4  }
0x16c: {  	v4 =	vld [tilespmem:s8+$0xFFFFFFC0];
	v2 =	vmul.f32 $8.000000000e+00, v2;
	[tilespmem:s6+$0x60] =	vst v0  }
0x16d: {  	v0 =	vmul.f32 $8.000000000e+00, v7;
	v7 =	vld [tilespmem:s8+$0xFFFFFFD0];
	[tilespmem:s6+$0x70] =	vst v1  }
0x16e: {  	v1 =	vmul.f32 $8.000000000e+00, v5;
	v5 =	vld [tilespmem:s8+$0xFFFFFFE0];
	[tilespmem:s6+$0xFFFFFFF0] =	vst v2;
	s6 =	smov.u32 s8  }
0x16f: {  	[tilespmem:s8+$0xFFFFFF80] =	vst v0;
	v0 =	vmul.f32 $8.000000000e+00, v6;
	v2 =	vld [tilespmem:s8+$0x0]  }
0x170: {  	[tilespmem:s8+$0xFFFFFF90] =	vst v1;
	v1 =	vmul.f32 $8.000000000e+00, v3;
	v3 =	vld [tilespmem:s8+$0x10]  }
0x171: {  	s7 =	sadd.s32 $0x4, s7;
	[tilespmem:s8+$0xFFFFFFA0] =	vst v0;
	v0 =	vmul.f32 $8.000000000e+00, v4;
	v4 =	vld [tilespmem:s8+$0x20]  }
0x172: {  	p0 =	slt.u32 s7, $0xC4;
	[tilespmem:s8+$0xFFFFFFB0] =	vst v1;
	v1 =	vmul.f32 $8.000000000e+00, v7;
	v6 =	vld [tilespmem:s8+$0x30]  }
.Ltmp7:
0x173: {  	[tilespmem:s8+$0xFFFFFFC0] =	vst v0;
	v5 =	vmul.f32 $8.000000000e+00, v5;
	v0 =	vld [tilespmem:s8+$0x40];
	(pc) =	sbr.rel @p0 .LBB2_16-.Ltmp7, $4  }
0x174: {  	[tilespmem:s8+$0xFFFFFFD0] =	vst v1;
	v2 =	vmul.f32 $8.000000000e+00, v2;
	v1 =	vld [tilespmem:s8+$0x50]  }
0x175: {  	[tilespmem:s8+$0xFFFFFFE0] =	vst v5;
	v7 =	vmul.f32 $8.000000000e+00, v3;
	v3 =	vld [tilespmem:s8+$0x60]  }
0x176: {  	[tilespmem:s8+$0x0] =	vst v2;
	v5 =	vmul.f32 $8.000000000e+00, v4;
	v4 =	vld [tilespmem:s8+$0x70]  }
0x177: {  	s8 =	sadd.s32 $0x100, s8;
	v2 =	vld [tilespmem:s6+$0xFFFFFFF0];
	[tilespmem:s6+$0x10] =	vst v7;
	v6 =	vmul.f32 $8.000000000e+00, v6  }
0x178: {  	[tilespmem:s6+$0x20] =	vst v5;
	v0 =	vmul.f32 $8.000000000e+00, v0  }
0x179: {  	[tilespmem:s6+$0x30] =	vst v6;
	v1 =	vmul.f32 $8.000000000e+00, v1  }
0x17a: {  	[tilespmem:s6+$0x40] =	vst v0;
	v0 =	vmul.f32 $8.000000000e+00, v3  }
0x17b: {  	[tilespmem:s6+$0x50] =	vst v1;
	v1 =	vmul.f32 $8.000000000e+00, v4  }
0x17c: {  	v2 =	vmul.f32 $8.000000000e+00, v2;
	[tilespmem:s6+$0x60] =	vst v0  }
0x17d: {  	[tilespmem:s6+$0x70] =	vst v1  }
0x17e: {  	s28 =	rddreg [dreg:$0x6];
	[tilespmem:s6+$0xFFFFFFF0] =	vst v2  }
0x17f: {  	[hbm4b:s28+s3] =	stream.linear.scatter [tilespmem:s22], [sflag:$0x7], $0x3200, $0x38;
	[tilespmem:$0x12C00] =	vst v63  }
0x180: {  	_ =	swait.ge [sflag:s0], $0x1A00  }
0x181: {  	[sflag:s0] =	ssyncset.done $0x0  }
0x182: {  	[sflag:s0] =	ssyncadd.s32 $0xFFFFE600  }
0x183: {  	_ =	swait.ge [sflag:s0], $0x1800  }
0x184: {  	[sflag:s0] =	ssyncset.done $0x0  }
0x185: {  	s6 =	simm.s32 $0xFA80;
	[sflag:s0] =	ssyncadd.s32 $0xFFFFE800  }
0x186: {  	v0 =	vld [tilespmem:s6+$0xFFFFFF80]  }
0x187: {  	v1 =	vld [tilespmem:s6+$0xFFFFFF90]  }
0x188: {  	v2 =	vld [tilespmem:s6+$0xFFFFFFA0]  }
0x189: {  	v3 =	vld [tilespmem:s6+$0xFFFFFFB0]  }
0x18a: {  	v4 =	vld [tilespmem:s6+$0xFFFFFFC0]  }
0x18b: {  	v5 =	vld [tilespmem:s6+$0xFFFFFFD0];
	v0 =	vmul.f32 $8.000000000e+00, v0  }
0x18c: {  	v6 =	vld [tilespmem:s6+$0xFFFFFFE0];
	v1 =	vmul.f32 $8.000000000e+00, v1  }
0x18d: {  	[tilespmem:s6+$0xFFFFFF80] =	vst v0;
	v0 =	vmul.f32 $8.000000000e+00, v2;
	v2 =	vld [tilespmem:s6+$0x0]  }
0x18e: {  	[tilespmem:s6+$0xFFFFFF90] =	vst v1;
	v1 =	vmul.f32 $8.000000000e+00, v3;
	v3 =	vld [tilespmem:s6+$0x10]  }
0x18f: {  	[tilespmem:s6+$0xFFFFFFA0] =	vst v0;
	v0 =	vmul.f32 $8.000000000e+00, v4;
	v4 =	vld [tilespmem:s6+$0x20]  }
0x190: {  	v7 =	vld [tilespmem:s6+$0x30];
	[tilespmem:s6+$0xFFFFFFB0] =	vst v1;
	v1 =	vmul.f32 $8.000000000e+00, v5  }
0x191: {  	v5 =	vmul.f32 $8.000000000e+00, v6;
	[tilespmem:s6+$0xFFFFFFC0] =	vst v0;
	v0 =	vld [tilespmem:s6+$0x40]  }
0x192: {  	[tilespmem:s6+$0xFFFFFFD0] =	vst v1;
	v1 =	vld [tilespmem:s6+$0x50];
	v2 =	vmul.f32 $8.000000000e+00, v2  }
0x193: {  	[tilespmem:s6+$0xFFFFFFE0] =	vst v5;
	v6 =	vmul.f32 $8.000000000e+00, v3;
	v3 =	vld [tilespmem:s6+$0x60]  }
0x194: {  	[tilespmem:s6+$0x0] =	vst v2;
	v5 =	vmul.f32 $8.000000000e+00, v4;
	v4 =	vld [tilespmem:s6+$0x70]  }
0x195: {  	s7 =	simm.s32 $0x0;
	s8 =	simm.s32 $0xFB80;
	v2 =	vld [tilespmem:s6+$0xFFFFFFF0];
	[tilespmem:s6+$0x10] =	vst v6;
	v6 =	vmul.f32 $8.000000000e+00, v7  }
.LBB2_18:
0x196: {  	v7 =	vld [tilespmem:s8+$0xFFFFFF80];
	[tilespmem:s6+$0x20] =	vst v5;
	v0 =	vmul.f32 $8.000000000e+00, v0  }
0x197: {  	v5 =	vld [tilespmem:s8+$0xFFFFFF90];
	[tilespmem:s6+$0x30] =	vst v6;
	v1 =	vmul.f32 $8.000000000e+00, v1  }
0x198: {  	v6 =	vld [tilespmem:s8+$0xFFFFFFA0];
	[tilespmem:s6+$0x40] =	vst v0;
	v0 =	vmul.f32 $8.000000000e+00, v3  }
0x199: {  	v3 =	vld [tilespmem:s8+$0xFFFFFFB0];
	[tilespmem:s6+$0x50] =	vst v1;
	v1 =	vmul.f32 $8.000000000e+00, v4  }
0x19a: {  	v4 =	vld [tilespmem:s8+$0xFFFFFFC0];
	v2 =	vmul.f32 $8.000000000e+00, v2;
	[tilespmem:s6+$0x60] =	vst v0  }
0x19b: {  	v0 =	vmul.f32 $8.000000000e+00, v7;
	v7 =	vld [tilespmem:s8+$0xFFFFFFD0];
	[tilespmem:s6+$0x70] =	vst v1  }
0x19c: {  	v1 =	vmul.f32 $8.000000000e+00, v5;
	v5 =	vld [tilespmem:s8+$0xFFFFFFE0];
	[tilespmem:s6+$0xFFFFFFF0] =	vst v2;
	s6 =	smov.u32 s8  }
0x19d: {  	[tilespmem:s8+$0xFFFFFF80] =	vst v0;
	v0 =	vmul.f32 $8.000000000e+00, v6;
	v2 =	vld [tilespmem:s8+$0x0]  }
0x19e: {  	[tilespmem:s8+$0xFFFFFF90] =	vst v1;
	v1 =	vmul.f32 $8.000000000e+00, v3;
	v3 =	vld [tilespmem:s8+$0x10]  }
0x19f: {  	s7 =	sadd.s32 $0x4, s7;
	[tilespmem:s8+$0xFFFFFFA0] =	vst v0;
	v0 =	vmul.f32 $8.000000000e+00, v4;
	v4 =	vld [tilespmem:s8+$0x20]  }
0x1a0: {  	p0 =	slt.u32 s7, $0xC4;
	[tilespmem:s8+$0xFFFFFFB0] =	vst v1;
	v1 =	vmul.f32 $8.000000000e+00, v7;
	v6 =	vld [tilespmem:s8+$0x30]  }
.Ltmp8:
0x1a1: {  	[tilespmem:s8+$0xFFFFFFC0] =	vst v0;
	v5 =	vmul.f32 $8.000000000e+00, v5;
	v0 =	vld [tilespmem:s8+$0x40];
	(pc) =	sbr.rel @p0 .LBB2_18-.Ltmp8, $4  }
0x1a2: {  	[tilespmem:s8+$0xFFFFFFD0] =	vst v1;
	v2 =	vmul.f32 $8.000000000e+00, v2;
	v1 =	vld [tilespmem:s8+$0x50]  }
0x1a3: {  	[tilespmem:s8+$0xFFFFFFE0] =	vst v5;
	v7 =	vmul.f32 $8.000000000e+00, v3;
	v3 =	vld [tilespmem:s8+$0x60]  }
0x1a4: {  	[tilespmem:s8+$0x0] =	vst v2;
	v5 =	vmul.f32 $8.000000000e+00, v4;
	v4 =	vld [tilespmem:s8+$0x70]  }
0x1a5: {  	s8 =	sadd.s32 $0x100, s8;
	v2 =	vld [tilespmem:s6+$0xFFFFFFF0];
	[tilespmem:s6+$0x10] =	vst v7;
	v6 =	vmul.f32 $8.000000000e+00, v6  }
0x1a6: {  	[tilespmem:s6+$0x20] =	vst v5;
	v0 =	vmul.f32 $8.000000000e+00, v0  }
0x1a7: {  	[tilespmem:s6+$0x30] =	vst v6;
	v1 =	vmul.f32 $8.000000000e+00, v1  }
0x1a8: {  	[tilespmem:s6+$0x40] =	vst v0;
	v62 =	vmul.f32 $8.000000000e+00, v3  }
0x1a9: {  	[tilespmem:s6+$0x50] =	vst v1;
	v63 =	vmul.f32 $8.000000000e+00, v4  }
0x1aa: {  	v2 =	vmul.f32 $8.000000000e+00, v2;
	[tilespmem:s6+$0x60] =	vst v62  }
0x1ab: {  	[tilespmem:s6+$0x70] =	vst v63  }
0x1ac: {  	[tilespmem:s6+$0xFFFFFFF0] =	vst v2  }
0x1ad: {  	[hbm4b:s10+s3] =	stream.linear.scatter [tilespmem:s26], [sflag:$0x8], $0x3200, $0x38;
	[tilespmem:$0x12C00] =	vst v63  }
0x1ae: {  	_ =	swait.ge [sflag:s17], $0x3200  }
0x1af: {  	[sflag:s17] =	ssyncset.done $0x0  }
0x1b0: {  	[sflag:s17] =	ssyncadd.s32 $0xFFFFCE00  }
0x1b1: {  	_ =	swait.ge [sflag:s19], $0x3200  }
0x1b2: {  	[sflag:s19] =	ssyncset.done $0x0  }
0x1b3: {  	s25 =	sadd.s32 $0x1, s25;
	[sflag:s19] =	ssyncadd.s32 $0xFFFFCE00  }
0x1b4: {  	p0 =	sne.s32 s25, s11;
	_ =	swait.ge [sflag:s21], $0x3200  }
.Ltmp9:
0x1b5: {  	[sflag:s21] =	ssyncset.done $0x0;
	(pc) =	sbr.rel @p0 .LBB2_1-.Ltmp9, $4  }
0x1b6: {  	[sflag:s21] =	ssyncadd.s32 $0xFFFFCE00  }
0x1b7: {  	_ =	swait.ge [sflag:s23], $0x3200  }
0x1b8: {  	[sflag:s23] =	ssyncset.done $0x0  }
0x1b9: {  	[sflag:s23] =	ssyncadd.s32 $0xFFFFCE00  }
0x1ba: {  	_ =	sfence.sel $0x180000  }
0x1bb: {  	[bflag:$0x0] =	sbarrier.arrive $0xFFFF  }
0x1bc: {  	_ =	strace $0x90000047  }
0x1bd: {  	s0 =	stileid.u32;
	[bflag:$0x2] =	sbarrier.arrive $0xFFFF  }
0x1be: {  	p0 =	sne.s32 s0, $0x0;
	s0 =	rddreg [dreg:$0x2]  }
0x1bf: {  	s0 =	sadd.s32 @!p0 $0x100000, s0  }
0x1c0: {  	[sflag:s0] =	ssyncadd.tile.s32 @!p0 $0x1;
	_ =	shalt  }
.Lfunc_end2:
_tile_overlayer_lowered:
.L_overlay_start_2:
0x1c1: {  	(tag) =	ssettag $0x2  }
0x1c2: {  	s0 =	rddreg [dreg:$0x0];
	s2 =	stileid.u32  }
0x1c3: {  	s1 =	rddreg [dreg:$0x1];
	p0 =	sne.s32 s2, $0x0  }
0x1c4: {  	s3 =	rddreg [dreg:$0x2];
	[bflag:$0x3] =	sbarrier.arrive $0xFFFF;
	s2 =	simm.s32 @!p0 $0x1C09  }
0x1c5: {  	[timem:s3], [sflag:s2] =	dma.local @!p0 [hbm:s0], s1  }
0x1c6: {  	s0 =	simm.s32 @!p0 $0x9  }
0x1c7: {  	_ =	swait.ge @!p0 [sflag:s0], s1  }
0x1c8: {  	s1 =	ssub.s32 @!p0 $0x0, s1;
	[sflag:s0] =	ssyncset.done @!p0 $0x0  }
0x1c9: {  	[sflag:s0] =	ssyncadd.s32 @!p0 s1  }
0x1ca: {  	[bflag:$0x3] =	sbarrier.arrive $0xFFFF  }
0x1cb: {  	_ =	shalt  }

// kernel: sparse-core-data-format-call.cloned.1.call-start
scs
called_computation_lowered:
.L_overlay_start_0:
0x0: {  	s2 =	sld [smem:$0x3FD9]  }
0x1: {  	s3 =	sld [smem:$0x3FFE];
	_ =	sdelay $0x1  }
0x2: {  	s1 =	srdreg.scid  }
0x3: {  	s0 =	sand.u32 $0x1, s1  }
0x4: {  	s18 =	sshll.u32 s0, $0xA;
	s2 =	sadd.s32 s3, s2  }
0x5: {  	s2 =	sadd.s32 s2, s18  }
0x6: {  	[smem:$0x3FC6] =	sst s2  }
0x7: {  	_ = 	snop  }
0x8: {  	s2 =	sld [smem:$0x3FD0];
	(tm) =	ssettm $0x1  }
0x9: {  	s19 =	sld [smem:$0x3FFB];
	_ =	sdelay $0x3  }
0xa: {  	_ =	strace s19  }
0xb: {  	s3 =	sld [smem:$0x3FFC];
	_ =	sdelay $0x3  }
0xc: {  	_ =	strace s3  }
0xd: {  	s3 =	sld [smem:$0x3FFD];
	_ =	sdelay $0x3  }
0xe: {  	_ =	strace s3  }
0xf: {  	_ =	strace $0x8FFFFFFF  }
0x10: {  	s20 =	sld [smem:$0x3FDB];
	_ =	sdelay $0x1  }
0x11: {  	s4 =	simm.s32 $_scs_section_size  }
0x12: {  	s5 =	simm.s32 $_size__tile_overlayer_lowered;
	s6 =	simm.s32 $_tile_overlayer_lowered  }
0x13: {  	s23 =	simm.s32 $0x1BFF;
	s22 =	sshll.u32 s6, $0x1;
	s3 =	sadd.s32 s4, s20  }
0x14: {  	s7 =	simm.s32 $0x0;
	s21 =	sshll.u32 s5, $0x1;
	s5 =	sadd.s32 s22, s3  }
0x15: {  	[timem:s7], [sflag:s23] =	dma.local [hbm:s5], s21  }
0x16: {  	_ =	swait.ge [sflag:s23], s21  }
0x17: {  	s4 =	ssub.s32 $0x0, s21;
	[sflag:s23] =	ssyncset.done $0x0  }
0x18: {  	[sflag:s23] =	ssyncadd.s32 s4;
	_ =	sdelay $0x1  }
0x19: {  	s24 =	simm.s32 $0x1B8B  }
0x1a: {  	_ =	swait.ge [sflag:s24], $0x1  }
0x1b: {  	[sflag:s24] =	ssyncset.done $0x0  }
0x1c: {  	s26 =	simm.s32 $0x1B8E;
	s25 =	sld [smem:$0x3FFE];
	[sflag:s24] =	ssyncadd.s32 $0xFFFFFFFF  }
0x1d: {  	s27 =	simm.s32 $execute0_lowered;
	[smem:$0x3FD2] =	sst s26  }
0x1e: {  	s5 =	sshll.u32 s27, $0x1;
	_ =	strace $0x80000049;
	[dreg:$0x1] =	wrdreg $0xFFFFFFFF  }
0x1f: {  	s28 =	simm.s32 $_size_execute0_lowered;
	s3 =	sadd.s32 s3, s5;
	[dreg:$0x0] =	wrdreg $0x0  }
0x20: {  	s5 =	sshll.u32 s28, $0x1;
	[dreg:$0x2] =	wrdreg s3  }
0x21: {  	[dreg:$0x3] =	wrdreg s5  }
0x22: {  	[dreg:$0x4] =	wrdreg $0xC0  }
0x23: {  	_ =	task [dreg:s7], $0x5FFFF  }
0x24: {  	[dreg:$0x1] =	wrdreg $0xFFFFFFFF  }
0x25: {  	[dreg:$0x0] =	wrdreg $0x60  }
0x26: {  	[dreg:$0x2] =	wrdreg s25  }
0x27: {  	[dreg:$0x3] =	wrdreg s2  }
0x28: {  	[dreg:$0x4] =	wrdreg $0x9  }
0x29: {  	_ =	task.clear_ibuf [dreg:s7], $0x5FFFF;
	_ =	strace $0x90000049  }
0x2a: {  	s29 =	simm.s32 $0x9;
	_ =	strace $0x8000004B  }
0x2b: {  	_ =	swait.ge [sflag:s29], $0x1  }
0x2c: {  	[sflag:s29] =	ssyncadd.s32 $0xFFFFFFFF  }
0x2d: {  	_ =	strace $0x9000004B  }
0x2e: {  	_ =	sfence  }
0x2f: {  	s30 =	sld [smem:$0x0];
	_ =	sdelay $0x2  }
0x30: {  	s31 =	sshll.u32 s1, $0xD;
	s1 =	sshrl.u32 s1, $0x2  }
0x31: {  	s3 =	sand.u32 $0x4000, s31;
	s1 =	sadd.s32 s1, s30  }
0x32: {  	s0 =	sor.u32 s3, s0;
	s1 =	sshll.u32 s1, $0x11  }
0x33: {  	s0 =	sor.u32 s1, s0  }
0x34: {  	s0 =	sadd.s32 $0x8F2B, s0  }
0x35: {  	[sflag:s0] =	ssyncadd.remote.s32 $0x1  }
0x36: {  	_ =	sfence.sel $0xFFFF  }
0x37: {  	[dreg:$0x0] =	wrdreg $0xFFFFFFFF;
	(pc) =	sbr.abs _section_cstart, $3  }
0x38: {  	[dreg:$0x1] =	wrdreg $0xFFFFFFFF  }
0x39: {  	_ =	task.clear_ibuf [dreg:s7], $0x2FFFF;
	_ =	strace $0x9FFFFFFF  }
0x3a: {  	(tm) =	ssettm $0x7FFFFFFF  }
0x3b: {  	_ =	shalt  }
tec
execute0_lowered:
.L_overlay_start_1:
0x0: {  	(tag) =	ssettag $0x1  }
0x1: {  	s0 =	srdreg.scid  }
0x2: {  	s1 =	sshll.u32 s0, $0x4  }
0x3: {  	s0 =	stileid.u32;
	s1 =	sand.u32 $0x10, s1  }
0x4: {  	s1 =	sor.u32 s0, s1  }
0x5: {  	s6 =	rddreg [dreg:$0x0];
	s4 =	simm.s32 $0x1;
	s2 =	sshll.u32 s1, $0x7  }
0x6: {  	s7 =	simm.s32 $0x2;
	s12 =	simm.s32 $0x0;
	s1 =	ssub.s32 $0x1000, s2  }
0x7: {  	s8 =	simm.s32 $0x8000;
	s13 =	simm.s32 $0x0;
	s3 =	sand.u32 $0xF80, s1  }
0x8: {  	s9 =	simm.s32 $0x0;
	s5 =	sshrl.u32 s1, $0xC;
	p0 =	sne.s32 s3, $0x0  }
.Ltmp0:
0x9: {  	s1 =	rddreg [dreg:$0x2];
	s4 =	simm.s32 @!p0 $0x0;
	(pc) =	sbr.rel .LBB1_1-.Ltmp0, $4  }
0xa: {  	s11 =	simm.s32 $0x0;
	s3 =	rddreg [dreg:$0x1];
	s5 =	sadd.s32 s4, s5  }
0xb: {  	_ =	strace $0x8000004A;
	s4 =	simm.s32 $0x1;
	s5 =	smul.u32 $0xC8, s5  }
0xc: {  	s6 =	sadd.s32 $0xA00, s6;
	s10 =	smov.u32 s2;
	[sflag:s4] =	ssyncpa.u1 $0x0  }
0xd: {  	p0 =	por $0x0, $0x0;
	[sflag:s7] =	ssyncpa.u1 $0x0;
	s7 =	sor.u32 $0x1, s5  }
.LBB1_4:
0xe: {  	s16 =	sshll.u32 s13, $0x3;
	s17 =	sand.u32 $0x78, s13  }
0xf: {  	s30 =	sand.u32 $0x7E00, s13;
	s12 =	sshll.u32 s12, $0xF;
	s16 =	sand.u32 $0xC00, s16  }
0x10: {  	[tilespmem:s15+$0x810 ss:$0x81] =	vst.msk $0xffff, v2;
	s31 =	sand.u32 $0x7, s13;
	s16 =	sor.u32 s17, s16;
	s17 =	sadd.s32 s3, s30  }
0x11: {  	[tilespmem:s15+$0x1020 ss:$0x81] =	vst.msk $0xffff, v0;
	s13 =	sshll.u32 s31, $0x12;
	s12 =	sadd.s32 s12, s17;
	s16 =	sshrl.u32 s16, $0x3  }
0x12: {  	[tilespmem:s15+$0x0 ss:$0x81] =	vst.msk $0xffff, v1;
	s13 =	sor.u32 $0x400, s13;
	s12 =	sadd.s32 s16, s12  }
0x13: {  	[hbm4b:s12+s13] =	stream.strided.scatter [tilespmem:s14], [sflag:$0x2], $0x2000, s8, s13, $0x20;
	[tilespmem:$0x8080] =	vst v63  }
.LBB1_5:
0x14: {  	s14 =	sadd.s32 $0x1, s9  }
0x15: {  	s12 =	sadd.s32 $0x1000, s10;
	s16 =	smov.u32 s10;
	p2 =	sgt.s32 s14, $0xC7  }
0x16: {  	s16 =	smov.u32 @p2 s12  }
0x17: {  	s14 =	simm.s32 @p2 $0x0;
	p2 =	sgt.s32 s16, $0xFFF  }
0x18: {  	s16 =	smov.u32 @p2 s2;
	p2 =	sne.s32 s11, s7  }
.Ltmp1:
0x19: {  	p1 =	slt.u32 s11, $0x2;
	(pc) =	sbr.rel @!p2 .LBB1_6-.Ltmp1, $4  }
0x1a: {  	s15 =	simm.s32 @!p1 $0x2  }
0x1b: {  	s13 =	smov.u32 s10;
	p0 =	por !p0, !p0;
	_ =	swait.ge @!p1 [sflag:s15], $0x2000  }
0x1c: {  	s12 =	smov.u32 s9;
	[sflag:s15] =	ssyncset.done @!p1 $0x0;
	s9 =	smov.u32 s14  }
0x1d: {  	s11 =	sadd.s32 $0x1, s11;
	[sflag:s15] =	ssyncadd.s32 @!p1 $0xFFFFE000;
	s10 =	smov.u32 s16  }
.LBB1_1:
0x1e: {  	p1 =	sge.u32 s11, s5  }
0x1f: {  	s14 =	sand.u32 @!p1 $0x1FFFFFF, s9  }
0x20: {  	s15 =	smulhi.u32 @!p1 $0x147AE15, s14;
	_ =	sdelay $0x1  }
0x21: {  	s15 =	smul.u32 @!p1 $0xC8, s15  }
0x22: {  	s16 =	sxor.u32 @!p1 $0xFFFFFFFF, s11;
	s17 =	smul.u32 @!p1 $0xC80, s10  }
0x23: {  	s31 =	sadd.s32 $0xFFFFFFFF, s11;
	s16 =	sshll.u32 @!p1 s16, $0xD;
	s14 =	ssub.s32 @!p1 s14, s15  }
0x24: {  	s15 =	sand.u32 @!p1 $0x2000, s16;
	s16 =	sadd.s32 @!p1 s6, s17;
	s14 =	sshll.u32 @!p1 s14, $0x4  }
0x25: {  	s17 =	simm.s32 @!p1 $0x6400;
	s14 =	sadd.s32 @!p1 s14, s16;
	s16 =	simm.s32 @!p1 $0x40  }
0x26: {  	[tilespmem:s15], [sflag:$0x1] =	stream.strided.gather @!p1 [hbm4b:s14+s16], $0x2000, s17, s16, $0x38;
	[tilespmem:$0x8080] =	vst v63  }
0x27: {  	p1 =	sge.u32 s31, s5  }
.Ltmp2:
0x28: {  	_ = 	snop;
	(pc) =	sbr.rel @p1 .LBB1_5-.Ltmp2, $1  }
0x29: {  	_ =	sdelay $0x3  }
0x2a: {  	s14 =	simm.s32 $0x1  }
0x2b: {  	_ =	swait.ge [sflag:s4], $0x2000;
	s14 =	simm.s32 @!p0 $0x0  }
0x2c: {  	[sflag:s4] =	ssyncset.done $0x0;
	s15 =	sshll.u32 s14, $0xD  }
0x2d: {  	[sflag:s4] =	ssyncadd.s32 $0xFFFFE000;
	s18 =	sor.u32 $0x20, s15  }
0x2e: {  	s14 =	smul.u32 $0x8100, s14;
	v3 =	vld [tilespmem:s18+$0x10]  }
0x2f: {  	s30 =	sand.u32 $0x1, s11;
	v2 =	vld [tilespmem:s18+$0xFFFFFFF0]  }
0x30: {  	s15 =	smul.u32 $0x8100, s30;
	s14 =	sshrl.u32 s14, $0x2;
	v0 =	vld [tilespmem:s18+$0x0]  }
0x31: {  	v1 =	vld [tilespmem:s18+$0xFFFFFFE0];
	s16 =	sor.u32 $0x4000, s14  }
0x32: {  	s31 =	sshrl.u32 s15, $0x2;
	s15 =	sadd.s32 $0x0, s16  }
0x33: {  	s17 =	simm.s32 $0x4;
	s18 =	sadd.s32 $0x40, s18;
	s14 =	sor.u32 $0x4000, s31;
	[tilespmem:s15+$0x1830 ss:$0x81] =	vst.msk $0xffff, v3  }
.LBB1_3:
0x34: {  	v3 =	vld [tilespmem:s18+$0x10];
	p1 =	sne.s32 s17, $0x1FC;
	[tilespmem:s15+$0x810 ss:$0x81] =	vst.msk $0xffff, v2;
	s19 =	smov.u32 s17;
	s17 =	sadd.s32 $0x4, s17  }
.Ltmp3:
0x35: {  	v2 =	vld [tilespmem:s18+$0xFFFFFFF0];
	[tilespmem:s15+$0x1020 ss:$0x81] =	vst.msk $0xffff, v0;
	(pc) =	sbr.rel @p1 .LBB1_3-.Ltmp3, $4  }
0x36: {  	v0 =	vld [tilespmem:s18+$0x0];
	[tilespmem:s15+$0x0 ss:$0x81] =	vst.msk $0xffff, v1  }
0x37: {  	s15 =	sshra.s32 s19, $0x2;
	v1 =	vld [tilespmem:s18+$0xFFFFFFE0]  }
0x38: {  	s15 =	sadd.s32 s15, s16  }
0x39: {  	s18 =	sadd.s32 $0x40, s18;
	[tilespmem:s15+$0x1830 ss:$0x81] =	vst.msk $0xffff, v3  }
.Ltmp4:
0x3a: {  	_ = 	snop;
	(pc) =	sbr.rel .LBB1_4-.Ltmp4, $1  }
0x3b: {  	_ =	sdelay $0x3  }
.LBB1_6:
0x3c: {  	_ =	sfence.sel $0x180000  }
0x3d: {  	s2 =	simm.s32 $0x1;
	[bflag:$0x0] =	sbarrier.arrive $0xFFFF  }
0x3e: {  	s31 =	simm.s32 $0x2;
	[sflag:s2] =	ssyncpa.u1 $0x1  }
0x3f: {  	[sflag:s31] =	ssyncpa.u1 $0x1  }
0x40: {  	p0 =	sne.s32 s0, $0x0;
	_ =	strace $0x9000004A  }
0x41: {  	s0 =	sadd.s32 @!p0 $0x100000, s1;
	[bflag:$0x2] =	sbarrier.arrive $0xFFFF  }
0x42: {  	[sflag:s0] =	ssyncadd.tile.s32 @!p0 $0x1;
	_ =	shalt  }
.Lfunc_end1:
_tile_overlayer_lowered:
.L_overlay_start_2:
0x43: {  	(tag) =	ssettag $0x2  }
0x44: {  	s0 =	rddreg [dreg:$0x0];
	s2 =	stileid.u32  }
0x45: {  	s1 =	rddreg [dreg:$0x1];
	p0 =	sne.s32 s2, $0x0  }
0x46: {  	s3 =	rddreg [dreg:$0x2];
	[bflag:$0x3] =	sbarrier.arrive $0xFFFF;
	s2 =	simm.s32 @!p0 $0x1C01  }
0x47: {  	[timem:s3], [sflag:s2] =	dma.local @!p0 [hbm:s0], s1  }
0x48: {  	s0 =	simm.s32 @!p0 $0x1  }
0x49: {  	_ =	swait.ge @!p0 [sflag:s0], s1  }
0x4a: {  	s1 =	ssub.s32 @!p0 $0x0, s1;
	[sflag:s0] =	ssyncset.done @!p0 $0x0  }
0x4b: {  	[sflag:s0] =	ssyncadd.s32 @!p0 s1  }
0x4c: {  	[bflag:$0x3] =	sbarrier.arrive $0xFFFF  }
0x4d: {  	_ =	shalt  }

</sc_bundles>
